<compile_context>
chip_gen: v7x
topology: tpu7x:2x2x1
jax: 0.10.2.dev20260603
libtpu: 0.0.44.dev20260713+nightly
codegen_flags: <defaults>
</compile_context>

<pallas_src>
import functools

import jax
import jax.numpy as jnp
from jax import lax
from jax.experimental import pallas as pl
from jax.experimental.pallas import tpu as pltpu
from jax.experimental.pallas import tpu_sc as plsc

N_NODES = 10000
D = 128
DH = D // 2
OUT_DIM = 16
N_PAD = 10240
E = 320000
NC = 2
NS = 16
NW = NC * NS
Q = N_PAD
E_PAD = NW * Q
CHUNK = 128
NCHUNK = Q // CHUNK
ROWS_PER_TILE = N_PAD // NS

_sc_mesh = plsc.VectorSubcoreMesh(core_axis_name="c", subcore_axis_name="s")


@functools.partial(
    pl.kernel,
    mesh=_sc_mesh,
    out_type=[
        jax.ShapeDtypeStruct((NC, N_PAD, 1), jnp.float32),
        jax.ShapeDtypeStruct((NC, N_PAD, 1), jnp.float32),
    ],
    scratch_types=[
        pltpu.VMEM((NCHUNK, CHUNK), jnp.int32),
        pltpu.VMEM((NCHUNK, CHUNK), jnp.int32),
        pltpu.VMEM((CHUNK, 1), jnp.float32),
        pltpu.VMEM_SHARED((N_PAD, 1), jnp.float32),
        pltpu.VMEM_SHARED((N_PAD, 1), jnp.float32),
    ],
)
def _deg_kernel(src_hbm, dst_hbm, ones_hbm, outs_hbm, outd_hbm,
                src_v, dst_v, ones_v, hs_sh, hd_sh):
    c = lax.axis_index("c")
    s = lax.axis_index("s")
    w = s * NC + c

    pltpu.sync_copy(src_hbm.at[pl.ds(w * NCHUNK, NCHUNK)], src_v)
    pltpu.sync_copy(dst_hbm.at[pl.ds(w * NCHUNK, NCHUNK)], dst_v)
    pltpu.sync_copy(ones_hbm.at[pl.ds(0, CHUNK)], ones_v)

    for k in range(ROWS_PER_TILE // CHUNK):
        dst_slice = pl.ds(s * ROWS_PER_TILE + k * CHUNK, CHUNK)
        pltpu.sync_copy(ones_hbm.at[pl.ds(CHUNK, CHUNK)], hs_sh.at[dst_slice])
        pltpu.sync_copy(ones_hbm.at[pl.ds(CHUNK, CHUNK)], hd_sh.at[dst_slice])
    plsc.subcore_barrier()

    def _count(j, _):
        pltpu.sync_copy(ones_v, hs_sh.at[src_v.at[j]], add=True)
        pltpu.sync_copy(ones_v, hd_sh.at[dst_v.at[j]], add=True)
        return _
    lax.fori_loop(0, NCHUNK, _count, None)
    plsc.subcore_barrier()

    sl = pl.ds(s * ROWS_PER_TILE, ROWS_PER_TILE)
    pltpu.sync_copy(hs_sh.at[sl], outs_hbm.at[c, sl])
    pltpu.sync_copy(hd_sh.at[sl], outd_hbm.at[c, sl])


NSTAGE = 2
SCHUNK = NCHUNK // NSTAGE


@functools.partial(
    pl.kernel,
    mesh=_sc_mesh,
    out_type=jax.ShapeDtypeStruct((NC, N_PAD, D), jnp.float32),
    scratch_types=[
        pltpu.VMEM((SCHUNK, CHUNK), jnp.int32),
        pltpu.VMEM((SCHUNK, CHUNK), jnp.int32),
        pltpu.VMEM((CHUNK, D), jnp.float32),
        pltpu.VMEM((CHUNK, D), jnp.float32),
        pltpu.VMEM_SHARED((N_PAD, D), jnp.float32),
        pltpu.SemaphoreType.DMA,
        pltpu.SemaphoreType.DMA,
    ],
)
def _scatter_kernel(t_hbm, src_hbm, dst_hbm, zero_hbm, out_hbm,
                    src_v, dst_v, rows0, rows1, agg_sh, gsem0, gsem1):
    c = lax.axis_index("c")
    s = lax.axis_index("s")
    w = s * NC + c
    rows = (rows0, rows1)
    gsems = (gsem0, gsem1)

    for k in range(ROWS_PER_TILE // CHUNK):
        pltpu.sync_copy(
            zero_hbm, agg_sh.at[pl.ds(s * ROWS_PER_TILE + k * CHUNK, CHUNK)])
    plsc.subcore_barrier()

    for st in range(NSTAGE):
        esl = pl.ds(w * NCHUNK + st * SCHUNK, SCHUNK)
        pltpu.sync_copy(src_hbm.at[esl], src_v)
        pltpu.sync_copy(dst_hbm.at[esl], dst_v)

        for b in range(2):
            pltpu.make_async_copy(t_hbm.at[src_v.at[b]], rows[b], gsems[b]).start()

        def _step(g, _):
            for b in range(2):
                j = 2 * g + b
                pltpu.make_async_copy(
                    t_hbm.at[src_v.at[j]], rows[b], gsems[b]).wait()
                pltpu.sync_copy(rows[b], agg_sh.at[dst_v.at[j]], add=True)

                @pl.when(j + 2 < SCHUNK)
                def _():
                    pltpu.make_async_copy(
                        t_hbm.at[src_v.at[j + 2]], rows[b], gsems[b]).start()
            return _
        lax.fori_loop(0, SCHUNK // 2, _step, None)

    plsc.subcore_barrier()
    sl = pl.ds(s * ROWS_PER_TILE, ROWS_PER_TILE)
    pltpu.sync_copy(agg_sh.at[sl], out_hbm.at[c, sl])


def _csrc(p0, p1):
    return lax.rsqrt(jnp.maximum(p0 + p1 + 1.0, 1.0))




BN = 1024


def _mm_first_body(h_ref, p0_ref, p1_ref, w_ref, o_ref):
    cs = _csrc(p0_ref[...], p1_ref[...])
    o_ref[...] = jnp.dot(h_ref[...] * cs, w_ref[...],
                         preferred_element_type=jnp.float32)


def _mm_first(h, p0, p1, w):
    return pl.pallas_call(
        _mm_first_body,
        grid=(N_PAD // BN,),
        in_specs=[
            pl.BlockSpec((BN, D), lambda i: (i, 0)),
            pl.BlockSpec((BN, 1), lambda i: (i, 0)),
            pl.BlockSpec((BN, 1), lambda i: (i, 0)),
            pl.BlockSpec((D, D), lambda i: (0, 0)),
        ],
        out_specs=pl.BlockSpec((BN, D), lambda i: (i, 0)),
        out_shape=jax.ShapeDtypeStruct((N_PAD, D), jnp.float32),
    )(h, p0, p1, w)


def _mm_layer_body(a0_ref, a1_ref, t_ref,
                   pd0_ref, pd1_ref, ps0_ref, ps1_ref, b_ref, w_ref, o_ref):
    cd = _csrc(pd0_ref[...], pd1_ref[...])
    agg = a0_ref[...] + a1_ref[...] + t_ref[...]
    h = jnp.maximum(agg * cd + b_ref[...], 0.0)
    cs = _csrc(ps0_ref[...], ps1_ref[...])
    o_ref[...] = jnp.dot(h * cs, w_ref[...], preferred_element_type=jnp.float32)


def _mm_layer(a0, a1, t, pd0, pd1, ps0, ps1, b, w):
    full = pl.BlockSpec((BN, D), lambda i: (i, 0))
    col = pl.BlockSpec((BN, 1), lambda i: (i, 0))
    return pl.pallas_call(
        _mm_layer_body,
        grid=(N_PAD // BN,),
        in_specs=[
            full, full, full,
            col, col, col, col,
            pl.BlockSpec((1, D), lambda i: (0, 0)),
            pl.BlockSpec((D, D), lambda i: (0, 0)),
        ],
        out_specs=pl.BlockSpec((BN, D), lambda i: (i, 0)),
        out_shape=jax.ShapeDtypeStruct((N_PAD, D), jnp.float32),
    )(a0, a1, t, pd0, pd1, ps0, ps1, b, w)


BF = 400


def _final_body(a0_ref, a1_ref, t_ref,
                pd0_ref, pd1_ref, b_ref, wfc_ref, o_ref, acc_ref):
    i = pl.program_id(0)

    @pl.when(i == 0)
    def _():
        acc_ref[...] = jnp.zeros_like(acc_ref)

    cd = _csrc(pd0_ref[...], pd1_ref[...])
    agg = a0_ref[...] + a1_ref[...] + t_ref[...]
    h = jnp.maximum(agg * cd + b_ref[...], 0.0)
    for k in range(OUT_DIM):
        acc_ref[k:k + 1, :] += jnp.sum(wfc_ref[k] * h, axis=0, keepdims=True)

    @pl.when(i == N_NODES // BF - 1)
    def _():
        o_ref[...] = jnp.sum(acc_ref[...], axis=1, keepdims=True)


def _final(a0, a1, t, pd0, pd1, b, wfc3):
    full = pl.BlockSpec((BF, D), lambda i: (i, 0))
    col = pl.BlockSpec((BF, 1), lambda i: (i, 0))
    return pl.pallas_call(
        _final_body,
        grid=(N_NODES // BF,),
        in_specs=[
            full, full, full,
            col, col,
            pl.BlockSpec((1, D), lambda i: (0, 0)),
            pl.BlockSpec((OUT_DIM, BF, D), lambda i: (0, i, 0)),
        ],
        out_specs=pl.BlockSpec((OUT_DIM, 1), lambda i: (0, 0)),
        out_shape=jax.ShapeDtypeStruct((OUT_DIM, 1), jnp.float32),
        scratch_shapes=[pltpu.VMEM((OUT_DIM, D), jnp.float32)],
    )(a0, a1, t, pd0, pd1, b, wfc3)


def kernel(F, edge_index, Wg, bg, Wfc, bfc):
    src = edge_index[0].astype(jnp.int32)
    dst = edge_index[1].astype(jnp.int32)
    npad_e = E_PAD - E
    fill = (N_NODES + (jnp.arange(npad_e, dtype=jnp.int32) % (N_PAD - N_NODES)))
    src_p = jnp.concatenate([src, fill])
    dst_p = jnp.concatenate([dst, fill])
    src2d = src_p.reshape(E_PAD // CHUNK, CHUNK)
    dst2d = dst_p.reshape(E_PAD // CHUNK, CHUNK)

    F_pad = jnp.pad(F, ((0, N_PAD - N_NODES), (0, 0)))

    ones_zeros = jnp.concatenate(
        [jnp.ones((CHUNK, 1), jnp.float32), jnp.zeros((CHUNK, 1), jnp.float32)])
    zero_rows = jnp.zeros((CHUNK, D), jnp.float32)

    dsp, ddp = _deg_kernel(src2d, dst2d, ones_zeros)
    ps0, ps1 = dsp[0], dsp[1]
    pd0, pd1 = ddp[0], ddp[1]

    t = _mm_first(F_pad, ps0, ps1, Wg[0])
    for i in range(2):
        aggs = _scatter_kernel(t, src2d, dst2d, zero_rows)
        t = _mm_layer(aggs[0], aggs[1], t,
                      pd0, pd1, ps0, ps1, bg[i].reshape(1, D), Wg[i + 1])
    aggs = _scatter_kernel(t, src2d, dst2d, zero_rows)
    res = _final(aggs[0], aggs[1], t,
                 pd0, pd1, bg[2].reshape(1, D),
                 Wfc.reshape(OUT_DIM, N_NODES, D))
    return res[:, 0] + bfc

# --- scband reference (transcript-rebuilt; emitter-appended) ---
"""Pipeline reference for scband-gcn-48473000903499 (READ-ONLY COPY).

The authoritative reference and input builder live on the scoring server;
editing this copy changes nothing except your own understanding.
"""

import jax, jax.numpy as jnp
import numpy as np

N_NODES = 10000
IN_DIM = 128
OUT_DIM = 16
LAYER_NUM = 3
N_EDGES = 320000


def setup_inputs(seed: int = 0) -> dict:
    key = jax.random.key(seed)
    k1, k2, k3, k4, k5, k6 = jax.random.split(key, 6)
    F = jax.random.normal(k1, (N_NODES, IN_DIM), dtype=jnp.float32)
    edge_index = jax.random.randint(k2, (2, N_EDGES), 0, N_NODES, dtype=jnp.int64)
    # GraphConv layer weights (glorot) and biases, stacked over layers
    Wg = jax.random.normal(k3, (LAYER_NUM, IN_DIM, IN_DIM), dtype=jnp.float32) * (1.0 / np.sqrt(IN_DIM))
    bg = jnp.zeros((LAYER_NUM, IN_DIM), dtype=jnp.float32)
    # final Linear(in_dim*graph_size, out_dim)
    Wfc = jax.random.normal(k4, (OUT_DIM, IN_DIM * N_NODES), dtype=jnp.float32) * (1.0 / np.sqrt(IN_DIM * N_NODES))
    bfc = jnp.zeros((OUT_DIM,), dtype=jnp.float32)
    return {"F": F, "edge_index": edge_index, "Wg": Wg, "bg": bg, "Wfc": Wfc, "bfc": bfc}


def reference(F, edge_index, Wg, bg, Wfc, bfc):
    N = F.shape[0]
    loops = jnp.arange(N, dtype=edge_index.dtype)
    src = jnp.concatenate([edge_index[0], loops])  # dgl.add_self_loop
    dst = jnp.concatenate([edge_index[1], loops])
    deg_out = jnp.bincount(src, length=N).astype(F.dtype)
    deg_in = jnp.bincount(dst, length=N).astype(F.dtype)
    c_src = jax.lax.rsqrt(jnp.clip(deg_out, 1.0))  # norm='both' (dgl GraphConv default)
    c_dst = jax.lax.rsqrt(jnp.clip(deg_in, 1.0))
    h = F
    for i in range(Wg.shape[0]):
        t = (h * c_src[:, None]) @ Wg[i]
        agg = jnp.zeros_like(t).at[dst].add(t[src])
        h = jax.nn.relu(agg * c_dst[:, None] + bg[i])
    flat = jax.nn.relu(h.reshape(-1))  # Flatten(start_dim=0) then ReLU
    out = flat @ Wfc.T + bfc
    return out

if __name__ == "__main__":
    import jax
    _d = setup_inputs()
    print(jax.jit(kernel)(*tuple(_d.values())))

</pallas_src>

<mosaic_0001>
#map = affine_map<(d0, d1) -> (0, 0)>
#map1 = affine_map<(d0, d1) -> (0, 0, 0)>
module attributes {stable_mosaic.version = 14 : i64} {
  func.func @_deg_kernel(%arg0: i32, %arg1: i32, %arg2: memref<2560x128xi32, #tpu.memory_space<hbm>>, %arg3: memref<2560x128xi32, #tpu.memory_space<hbm>>, %arg4: memref<256x1xf32, #tpu.memory_space<hbm>>, %arg5: memref<2x10240x1xf32, #tpu.memory_space<hbm>>, %arg6: memref<2x10240x1xf32, #tpu.memory_space<hbm>>, %arg7: memref<80x128xi32, #tpu.memory_space<vmem>>, %arg8: memref<80x128xi32, #tpu.memory_space<vmem>>, %arg9: memref<128x1xf32, #tpu.memory_space<vmem>>, %arg10: memref<10240x1xf32, #tpu.memory_space<vmem_shared>>, %arg11: memref<10240x1xf32, #tpu.memory_space<vmem_shared>>) attributes {dimension_semantics = [#tpu.dimension_semantics<core_parallel>, #tpu.dimension_semantics<subcore_parallel>], iteration_bounds = array<i64: 2, 16>, scalar_prefetch = 0 : i64, scratch_operands = 5 : i64, tpu.core_type = #tpu.core_type<sc_vector_subcore>, window_params = [{transform_indices = #map}, {transform_indices = #map}, {transform_indices = #map}, {transform_indices = #map1}, {transform_indices = #map1}]} {
    %mul3A = arith.constant 2 : i32
    %mul3A_0 = arith.muli %arg1, %mul3A : i32
    %add3A = arith.addi %mul3A_0, %arg0 : i32
    %mul3A_1 = arith.constant 80 : i32
    %mul3A_2 = arith.muli %add3A, %mul3A_1 : i32
    "tpu.region"() ({
      %run_scoped3A = tpu.sem_alloc : memref<!tpu.dma_semaphore, #tpu.memory_space<semaphore_mem>>
      %dma_start3A = arith.constant 0 : i32
      %dma_start3A_32 = tpu.memref_slice %arg2[%mul3A_2, %dma_start3A] : memref<2560x128xi32, #tpu.memory_space<hbm>> -> memref<80x128xi32, #tpu.memory_space<hbm>>
      %dma_start3A_33 = arith.constant 0 : i32
      %dma_start3A_34 = tpu.memref_slice %arg2[%mul3A_2, %dma_start3A_33] : memref<2560x128xi32, #tpu.memory_space<hbm>> -> memref<80x128xi32, #tpu.memory_space<hbm>>
      tpu.enqueue_dma source(%dma_start3A_34 : memref<80x128xi32, #tpu.memory_space<hbm>>) target(%arg7 : memref<80x128xi32, #tpu.memory_space<vmem>>) target_semaphore(%run_scoped3A : memref<!tpu.dma_semaphore, #tpu.memory_space<semaphore_mem>>)
      %dma_wait3A = arith.constant 0 : i32
      %dma_wait3A_35 = tpu.memref_slice %arg2[%mul3A_2, %dma_wait3A] : memref<2560x128xi32, #tpu.memory_space<hbm>> -> memref<80x128xi32, #tpu.memory_space<hbm>>
      %dma_wait3A_36 = arith.constant 0 : i32
      %dma_wait3A_37 = tpu.memref_slice %arg2[%mul3A_2, %dma_wait3A_36] : memref<2560x128xi32, #tpu.memory_space<hbm>> -> memref<80x128xi32, #tpu.memory_space<hbm>>
      tpu.wait_dma2 semaphore(%run_scoped3A : memref<!tpu.dma_semaphore, #tpu.memory_space<semaphore_mem>>) src(%dma_wait3A_37 : memref<80x128xi32, #tpu.memory_space<hbm>>) dst(%arg7 : memref<80x128xi32, #tpu.memory_space<vmem>>)
      tpu.yield
    }) : () -> ()
    %mul3A_3 = arith.constant 80 : i32
    %mul3A_4 = arith.muli %add3A, %mul3A_3 : i32
    "tpu.region"() ({
      %run_scoped3A = tpu.sem_alloc : memref<!tpu.dma_semaphore, #tpu.memory_space<semaphore_mem>>
      %dma_start3A = arith.constant 0 : i32
      %dma_start3A_32 = tpu.memref_slice %arg3[%mul3A_4, %dma_start3A] : memref<2560x128xi32, #tpu.memory_space<hbm>> -> memref<80x128xi32, #tpu.memory_space<hbm>>
      %dma_start3A_33 = arith.constant 0 : i32
      %dma_start3A_34 = tpu.memref_slice %arg3[%mul3A_4, %dma_start3A_33] : memref<2560x128xi32, #tpu.memory_space<hbm>> -> memref<80x128xi32, #tpu.memory_space<hbm>>
      tpu.enqueue_dma source(%dma_start3A_34 : memref<80x128xi32, #tpu.memory_space<hbm>>) target(%arg8 : memref<80x128xi32, #tpu.memory_space<vmem>>) target_semaphore(%run_scoped3A : memref<!tpu.dma_semaphore, #tpu.memory_space<semaphore_mem>>)
      %dma_wait3A = arith.constant 0 : i32
      %dma_wait3A_35 = tpu.memref_slice %arg3[%mul3A_4, %dma_wait3A] : memref<2560x128xi32, #tpu.memory_space<hbm>> -> memref<80x128xi32, #tpu.memory_space<hbm>>
      %dma_wait3A_36 = arith.constant 0 : i32
      %dma_wait3A_37 = tpu.memref_slice %arg3[%mul3A_4, %dma_wait3A_36] : memref<2560x128xi32, #tpu.memory_space<hbm>> -> memref<80x128xi32, #tpu.memory_space<hbm>>
      tpu.wait_dma2 semaphore(%run_scoped3A : memref<!tpu.dma_semaphore, #tpu.memory_space<semaphore_mem>>) src(%dma_wait3A_37 : memref<80x128xi32, #tpu.memory_space<hbm>>) dst(%arg8 : memref<80x128xi32, #tpu.memory_space<vmem>>)
      tpu.yield
    }) : () -> ()
    "tpu.region"() ({
      %run_scoped3A = tpu.sem_alloc : memref<!tpu.dma_semaphore, #tpu.memory_space<semaphore_mem>>
      %dma_start3A = arith.constant 0 : i32
      %dma_start3A_32 = arith.constant 0 : i32
      %dma_start3A_33 = tpu.memref_slice %arg4[%dma_start3A, %dma_start3A_32] : memref<256x1xf32, #tpu.memory_space<hbm>> -> memref<128x1xf32, #tpu.memory_space<hbm>>
      %dma_start3A_34 = arith.constant 0 : i32
      %dma_start3A_35 = arith.constant 0 : i32
      %dma_start3A_36 = tpu.memref_slice %arg4[%dma_start3A_34, %dma_start3A_35] : memref<256x1xf32, #tpu.memory_space<hbm>> -> memref<128x1xf32, #tpu.memory_space<hbm>>
      tpu.enqueue_dma source(%dma_start3A_36 : memref<128x1xf32, #tpu.memory_space<hbm>>) target(%arg9 : memref<128x1xf32, #tpu.memory_space<vmem>>) target_semaphore(%run_scoped3A : memref<!tpu.dma_semaphore, #tpu.memory_space<semaphore_mem>>)
      %dma_wait3A = arith.constant 0 : i32
      %dma_wait3A_37 = arith.constant 0 : i32
      %dma_wait3A_38 = tpu.memref_slice %arg4[%dma_wait3A, %dma_wait3A_37] : memref<256x1xf32, #tpu.memory_space<hbm>> -> memref<128x1xf32, #tpu.memory_space<hbm>>
      %dma_wait3A_39 = arith.constant 0 : i32
      %dma_wait3A_40 = arith.constant 0 : i32
      %dma_wait3A_41 = tpu.memref_slice %arg4[%dma_wait3A_39, %dma_wait3A_40] : memref<256x1xf32, #tpu.memory_space<hbm>> -> memref<128x1xf32, #tpu.memory_space<hbm>>
      tpu.wait_dma2 semaphore(%run_scoped3A : memref<!tpu.dma_semaphore, #tpu.memory_space<semaphore_mem>>) src(%dma_wait3A_41 : memref<128x1xf32, #tpu.memory_space<hbm>>) dst(%arg9 : memref<128x1xf32, #tpu.memory_space<vmem>>)
      tpu.yield
    }) : () -> ()
    %mul3A_5 = arith.constant 640 : i32
    %mul3A_6 = arith.muli %arg1, %mul3A_5 : i32
    %add3A_7 = arith.constant 0 : i32
    %add3A_8 = arith.addi %mul3A_6, %add3A_7 : i32
    "tpu.region"() ({
      %run_scoped3A = tpu.sem_alloc : memref<!tpu.dma_semaphore, #tpu.memory_space<semaphore_mem>>
      %dma_start3A = arith.constant 0 : i32
      %dma_start3A_32 = tpu.memref_slice %arg10[%add3A_8, %dma_start3A] : memref<10240x1xf32, #tpu.memory_space<vmem_shared>> -> memref<128x1xf32, #tpu.memory_space<vmem_shared>>
      %dma_start3A_33 = arith.constant 128 : i32
      %dma_start3A_34 = arith.constant 0 : i32
      %dma_start3A_35 = tpu.memref_slice %arg4[%dma_start3A_33, %dma_start3A_34] : memref<256x1xf32, #tpu.memory_space<hbm>> -> memref<128x1xf32, #tpu.memory_space<hbm>>
      tpu.enqueue_dma source(%dma_start3A_35 : memref<128x1xf32, #tpu.memory_space<hbm>>) target(%dma_start3A_32 : memref<128x1xf32, #tpu.memory_space<vmem_shared>>) target_semaphore(%run_scoped3A : memref<!tpu.dma_semaphore, #tpu.memory_space<semaphore_mem>>)
      %dma_wait3A = arith.constant 0 : i32
      %dma_wait3A_36 = tpu.memref_slice %arg10[%add3A_8, %dma_wait3A] : memref<10240x1xf32, #tpu.memory_space<vmem_shared>> -> memref<128x1xf32, #tpu.memory_space<vmem_shared>>
      %dma_wait3A_37 = arith.constant 128 : i32
      %dma_wait3A_38 = arith.constant 0 : i32
      %dma_wait3A_39 = tpu.memref_slice %arg4[%dma_wait3A_37, %dma_wait3A_38] : memref<256x1xf32, #tpu.memory_space<hbm>> -> memref<128x1xf32, #tpu.memory_space<hbm>>
      tpu.wait_dma2 semaphore(%run_scoped3A : memref<!tpu.dma_semaphore, #tpu.memory_space<semaphore_mem>>) src(%dma_wait3A_39 : memref<128x1xf32, #tpu.memory_space<hbm>>) dst(%dma_wait3A_36 : memref<128x1xf32, #tpu.memory_space<vmem_shared>>)
      tpu.yield
    }) : () -> ()
    "tpu.region"() ({
      %run_scoped3A = tpu.sem_alloc : memref<!tpu.dma_semaphore, #tpu.memory_space<semaphore_mem>>
      %dma_start3A = arith.constant 0 : i32
      %dma_start3A_32 = tpu.memref_slice %arg11[%add3A_8, %dma_start3A] : memref<10240x1xf32, #tpu.memory_space<vmem_shared>> -> memref<128x1xf32, #tpu.memory_space<vmem_shared>>
      %dma_start3A_33 = arith.constant 128 : i32
      %dma_start3A_34 = arith.constant 0 : i32
      %dma_start3A_35 = tpu.memref_slice %arg4[%dma_start3A_33, %dma_start3A_34] : memref<256x1xf32, #tpu.memory_space<hbm>> -> memref<128x1xf32, #tpu.memory_space<hbm>>
      tpu.enqueue_dma source(%dma_start3A_35 : memref<128x1xf32, #tpu.memory_space<hbm>>) target(%dma_start3A_32 : memref<128x1xf32, #tpu.memory_space<vmem_shared>>) target_semaphore(%run_scoped3A : memref<!tpu.dma_semaphore, #tpu.memory_space<semaphore_mem>>)
      %dma_wait3A = arith.constant 0 : i32
      %dma_wait3A_36 = tpu.memref_slice %arg11[%add3A_8, %dma_wait3A] : memref<10240x1xf32, #tpu.memory_space<vmem_shared>> -> memref<128x1xf32, #tpu.memory_space<vmem_shared>>
      %dma_wait3A_37 = arith.constant 128 : i32
      %dma_wait3A_38 = arith.constant 0 : i32
      %dma_wait3A_39 = tpu.memref_slice %arg4[%dma_wait3A_37, %dma_wait3A_38] : memref<256x1xf32, #tpu.memory_space<hbm>> -> memref<128x1xf32, #tpu.memory_space<hbm>>
      tpu.wait_dma2 semaphore(%run_scoped3A : memref<!tpu.dma_semaphore, #tpu.memory_space<semaphore_mem>>) src(%dma_wait3A_39 : memref<128x1xf32, #tpu.memory_space<hbm>>) dst(%dma_wait3A_36 : memref<128x1xf32, #tpu.memory_space<vmem_shared>>)
      tpu.yield
    }) : () -> ()
    %mul3A_9 = arith.constant 640 : i32
    %mul3A_10 = arith.muli %arg1, %mul3A_9 : i32
    %add3A_11 = arith.constant 128 : i32
    %add3A_12 = arith.addi %mul3A_10, %add3A_11 : i32
    "tpu.region"() ({
      %run_scoped3A = tpu.sem_alloc : memref<!tpu.dma_semaphore, #tpu.memory_space<semaphore_mem>>
      %dma_start3A = arith.constant 0 : i32
      %dma_start3A_32 = tpu.memref_slice %arg10[%add3A_12, %dma_start3A] : memref<10240x1xf32, #tpu.memory_space<vmem_shared>> -> memref<128x1xf32, #tpu.memory_space<vmem_shared>>
      %dma_start3A_33 = arith.constant 128 : i32
      %dma_start3A_34 = arith.constant 0 : i32
      %dma_start3A_35 = tpu.memref_slice %arg4[%dma_start3A_33, %dma_start3A_34] : memref<256x1xf32, #tpu.memory_space<hbm>> -> memref<128x1xf32, #tpu.memory_space<hbm>>
      tpu.enqueue_dma source(%dma_start3A_35 : memref<128x1xf32, #tpu.memory_space<hbm>>) target(%dma_start3A_32 : memref<128x1xf32, #tpu.memory_space<vmem_shared>>) target_semaphore(%run_scoped3A : memref<!tpu.dma_semaphore, #tpu.memory_space<semaphore_mem>>)
      %dma_wait3A = arith.constant 0 : i32
      %dma_wait3A_36 = tpu.memref_slice %arg10[%add3A_12, %dma_wait3A] : memref<10240x1xf32, #tpu.memory_space<vmem_shared>> -> memref<128x1xf32, #tpu.memory_space<vmem_shared>>
      %dma_wait3A_37 = arith.constant 128 : i32
      %dma_wait3A_38 = arith.constant 0 : i32
      %dma_wait3A_39 = tpu.memref_slice %arg4[%dma_wait3A_37, %dma_wait3A_38] : memref<256x1xf32, #tpu.memory_space<hbm>> -> memref<128x1xf32, #tpu.memory_space<hbm>>
      tpu.wait_dma2 semaphore(%run_scoped3A : memref<!tpu.dma_semaphore, #tpu.memory_space<semaphore_mem>>) src(%dma_wait3A_39 : memref<128x1xf32, #tpu.memory_space<hbm>>) dst(%dma_wait3A_36 : memref<128x1xf32, #tpu.memory_space<vmem_shared>>)
      tpu.yield
    }) : () -> ()
    "tpu.region"() ({
      %run_scoped3A = tpu.sem_alloc : memref<!tpu.dma_semaphore, #tpu.memory_space<semaphore_mem>>
      %dma_start3A = arith.constant 0 : i32
      %dma_start3A_32 = tpu.memref_slice %arg11[%add3A_12, %dma_start3A] : memref<10240x1xf32, #tpu.memory_space<vmem_shared>> -> memref<128x1xf32, #tpu.memory_space<vmem_shared>>
      %dma_start3A_33 = arith.constant 128 : i32
      %dma_start3A_34 = arith.constant 0 : i32
      %dma_start3A_35 = tpu.memref_slice %arg4[%dma_start3A_33, %dma_start3A_34] : memref<256x1xf32, #tpu.memory_space<hbm>> -> memref<128x1xf32, #tpu.memory_space<hbm>>
      tpu.enqueue_dma source(%dma_start3A_35 : memref<128x1xf32, #tpu.memory_space<hbm>>) target(%dma_start3A_32 : memref<128x1xf32, #tpu.memory_space<vmem_shared>>) target_semaphore(%run_scoped3A : memref<!tpu.dma_semaphore, #tpu.memory_space<semaphore_mem>>)
      %dma_wait3A = arith.constant 0 : i32
      %dma_wait3A_36 = tpu.memref_slice %arg11[%add3A_12, %dma_wait3A] : memref<10240x1xf32, #tpu.memory_space<vmem_shared>> -> memref<128x1xf32, #tpu.memory_space<vmem_shared>>
      %dma_wait3A_37 = arith.constant 128 : i32
      %dma_wait3A_38 = arith.constant 0 : i32
      %dma_wait3A_39 = tpu.memref_slice %arg4[%dma_wait3A_37, %dma_wait3A_38] : memref<256x1xf32, #tpu.memory_space<hbm>> -> memref<128x1xf32, #tpu.memory_space<hbm>>
      tpu.wait_dma2 semaphore(%run_scoped3A : memref<!tpu.dma_semaphore, #tpu.memory_space<semaphore_mem>>) src(%dma_wait3A_39 : memref<128x1xf32, #tpu.memory_space<hbm>>) dst(%dma_wait3A_36 : memref<128x1xf32, #tpu.memory_space<vmem_shared>>)
      tpu.yield
    }) : () -> ()
    %mul3A_13 = arith.constant 640 : i32
    %mul3A_14 = arith.muli %arg1, %mul3A_13 : i32
    %add3A_15 = arith.constant 256 : i32
    %add3A_16 = arith.addi %mul3A_14, %add3A_15 : i32
    "tpu.region"() ({
      %run_scoped3A = tpu.sem_alloc : memref<!tpu.dma_semaphore, #tpu.memory_space<semaphore_mem>>
      %dma_start3A = arith.constant 0 : i32
      %dma_start3A_32 = tpu.memref_slice %arg10[%add3A_16, %dma_start3A] : memref<10240x1xf32, #tpu.memory_space<vmem_shared>> -> memref<128x1xf32, #tpu.memory_space<vmem_shared>>
      %dma_start3A_33 = arith.constant 128 : i32
      %dma_start3A_34 = arith.constant 0 : i32
      %dma_start3A_35 = tpu.memref_slice %arg4[%dma_start3A_33, %dma_start3A_34] : memref<256x1xf32, #tpu.memory_space<hbm>> -> memref<128x1xf32, #tpu.memory_space<hbm>>
      tpu.enqueue_dma source(%dma_start3A_35 : memref<128x1xf32, #tpu.memory_space<hbm>>) target(%dma_start3A_32 : memref<128x1xf32, #tpu.memory_space<vmem_shared>>) target_semaphore(%run_scoped3A : memref<!tpu.dma_semaphore, #tpu.memory_space<semaphore_mem>>)
      %dma_wait3A = arith.constant 0 : i32
      %dma_wait3A_36 = tpu.memref_slice %arg10[%add3A_16, %dma_wait3A] : memref<10240x1xf32, #tpu.memory_space<vmem_shared>> -> memref<128x1xf32, #tpu.memory_space<vmem_shared>>
      %dma_wait3A_37 = arith.constant 128 : i32
      %dma_wait3A_38 = arith.constant 0 : i32
      %dma_wait3A_39 = tpu.memref_slice %arg4[%dma_wait3A_37, %dma_wait3A_38] : memref<256x1xf32, #tpu.memory_space<hbm>> -> memref<128x1xf32, #tpu.memory_space<hbm>>
      tpu.wait_dma2 semaphore(%run_scoped3A : memref<!tpu.dma_semaphore, #tpu.memory_space<semaphore_mem>>) src(%dma_wait3A_39 : memref<128x1xf32, #tpu.memory_space<hbm>>) dst(%dma_wait3A_36 : memref<128x1xf32, #tpu.memory_space<vmem_shared>>)
      tpu.yield
    }) : () -> ()
    "tpu.region"() ({
      %run_scoped3A = tpu.sem_alloc : memref<!tpu.dma_semaphore, #tpu.memory_space<semaphore_mem>>
      %dma_start3A = arith.constant 0 : i32
      %dma_start3A_32 = tpu.memref_slice %arg11[%add3A_16, %dma_start3A] : memref<10240x1xf32, #tpu.memory_space<vmem_shared>> -> memref<128x1xf32, #tpu.memory_space<vmem_shared>>
      %dma_start3A_33 = arith.constant 128 : i32
      %dma_start3A_34 = arith.constant 0 : i32
      %dma_start3A_35 = tpu.memref_slice %arg4[%dma_start3A_33, %dma_start3A_34] : memref<256x1xf32, #tpu.memory_space<hbm>> -> memref<128x1xf32, #tpu.memory_space<hbm>>
      tpu.enqueue_dma source(%dma_start3A_35 : memref<128x1xf32, #tpu.memory_space<hbm>>) target(%dma_start3A_32 : memref<128x1xf32, #tpu.memory_space<vmem_shared>>) target_semaphore(%run_scoped3A : memref<!tpu.dma_semaphore, #tpu.memory_space<semaphore_mem>>)
      %dma_wait3A = arith.constant 0 : i32
      %dma_wait3A_36 = tpu.memref_slice %arg11[%add3A_16, %dma_wait3A] : memref<10240x1xf32, #tpu.memory_space<vmem_shared>> -> memref<128x1xf32, #tpu.memory_space<vmem_shared>>
      %dma_wait3A_37 = arith.constant 128 : i32
      %dma_wait3A_38 = arith.constant 0 : i32
      %dma_wait3A_39 = tpu.memref_slice %arg4[%dma_wait3A_37, %dma_wait3A_38] : memref<256x1xf32, #tpu.memory_space<hbm>> -> memref<128x1xf32, #tpu.memory_space<hbm>>
      tpu.wait_dma2 semaphore(%run_scoped3A : memref<!tpu.dma_semaphore, #tpu.memory_space<semaphore_mem>>) src(%dma_wait3A_39 : memref<128x1xf32, #tpu.memory_space<hbm>>) dst(%dma_wait3A_36 : memref<128x1xf32, #tpu.memory_space<vmem_shared>>)
      tpu.yield
    }) : () -> ()
    %mul3A_17 = arith.constant 640 : i32
    %mul3A_18 = arith.muli %arg1, %mul3A_17 : i32
    %add3A_19 = arith.constant 384 : i32
    %add3A_20 = arith.addi %mul3A_18, %add3A_19 : i32
    "tpu.region"() ({
      %run_scoped3A = tpu.sem_alloc : memref<!tpu.dma_semaphore, #tpu.memory_space<semaphore_mem>>
      %dma_start3A = arith.constant 0 : i32
      %dma_start3A_32 = tpu.memref_slice %arg10[%add3A_20, %dma_start3A] : memref<10240x1xf32, #tpu.memory_space<vmem_shared>> -> memref<128x1xf32, #tpu.memory_space<vmem_shared>>
      %dma_start3A_33 = arith.constant 128 : i32
      %dma_start3A_34 = arith.constant 0 : i32
      %dma_start3A_35 = tpu.memref_slice %arg4[%dma_start3A_33, %dma_start3A_34] : memref<256x1xf32, #tpu.memory_space<hbm>> -> memref<128x1xf32, #tpu.memory_space<hbm>>
      tpu.enqueue_dma source(%dma_start3A_35 : memref<128x1xf32, #tpu.memory_space<hbm>>) target(%dma_start3A_32 : memref<128x1xf32, #tpu.memory_space<vmem_shared>>) target_semaphore(%run_scoped3A : memref<!tpu.dma_semaphore, #tpu.memory_space<semaphore_mem>>)
      %dma_wait3A = arith.constant 0 : i32
      %dma_wait3A_36 = tpu.memref_slice %arg10[%add3A_20, %dma_wait3A] : memref<10240x1xf32, #tpu.memory_space<vmem_shared>> -> memref<128x1xf32, #tpu.memory_space<vmem_shared>>
      %dma_wait3A_37 = arith.constant 128 : i32
      %dma_wait3A_38 = arith.constant 0 : i32
      %dma_wait3A_39 = tpu.memref_slice %arg4[%dma_wait3A_37, %dma_wait3A_38] : memref<256x1xf32, #tpu.memory_space<hbm>> -> memref<128x1xf32, #tpu.memory_space<hbm>>
      tpu.wait_dma2 semaphore(%run_scoped3A : memref<!tpu.dma_semaphore, #tpu.memory_space<semaphore_mem>>) src(%dma_wait3A_39 : memref<128x1xf32, #tpu.memory_space<hbm>>) dst(%dma_wait3A_36 : memref<128x1xf32, #tpu.memory_space<vmem_shared>>)
      tpu.yield
    }) : () -> ()
    "tpu.region"() ({
      %run_scoped3A = tpu.sem_alloc : memref<!tpu.dma_semaphore, #tpu.memory_space<semaphore_mem>>
      %dma_start3A = arith.constant 0 : i32
      %dma_start3A_32 = tpu.memref_slice %arg11[%add3A_20, %dma_start3A] : memref<10240x1xf32, #tpu.memory_space<vmem_shared>> -> memref<128x1xf32, #tpu.memory_space<vmem_shared>>
      %dma_start3A_33 = arith.constant 128 : i32
      %dma_start3A_34 = arith.constant 0 : i32
      %dma_start3A_35 = tpu.memref_slice %arg4[%dma_start3A_33, %dma_start3A_34] : memref<256x1xf32, #tpu.memory_space<hbm>> -> memref<128x1xf32, #tpu.memory_space<hbm>>
      tpu.enqueue_dma source(%dma_start3A_35 : memref<128x1xf32, #tpu.memory_space<hbm>>) target(%dma_start3A_32 : memref<128x1xf32, #tpu.memory_space<vmem_shared>>) target_semaphore(%run_scoped3A : memref<!tpu.dma_semaphore, #tpu.memory_space<semaphore_mem>>)
      %dma_wait3A = arith.constant 0 : i32
      %dma_wait3A_36 = tpu.memref_slice %arg11[%add3A_20, %dma_wait3A] : memref<10240x1xf32, #tpu.memory_space<vmem_shared>> -> memref<128x1xf32, #tpu.memory_space<vmem_shared>>
      %dma_wait3A_37 = arith.constant 128 : i32
      %dma_wait3A_38 = arith.constant 0 : i32
      %dma_wait3A_39 = tpu.memref_slice %arg4[%dma_wait3A_37, %dma_wait3A_38] : memref<256x1xf32, #tpu.memory_space<hbm>> -> memref<128x1xf32, #tpu.memory_space<hbm>>
      tpu.wait_dma2 semaphore(%run_scoped3A : memref<!tpu.dma_semaphore, #tpu.memory_space<semaphore_mem>>) src(%dma_wait3A_39 : memref<128x1xf32, #tpu.memory_space<hbm>>) dst(%dma_wait3A_36 : memref<128x1xf32, #tpu.memory_space<vmem_shared>>)
      tpu.yield
    }) : () -> ()
    %mul3A_21 = arith.constant 640 : i32
    %mul3A_22 = arith.muli %arg1, %mul3A_21 : i32
    %add3A_23 = arith.constant 512 : i32
    %add3A_24 = arith.addi %mul3A_22, %add3A_23 : i32
    "tpu.region"() ({
      %run_scoped3A = tpu.sem_alloc : memref<!tpu.dma_semaphore, #tpu.memory_space<semaphore_mem>>
      %dma_start3A = arith.constant 0 : i32
      %dma_start3A_32 = tpu.memref_slice %arg10[%add3A_24, %dma_start3A] : memref<10240x1xf32, #tpu.memory_space<vmem_shared>> -> memref<128x1xf32, #tpu.memory_space<vmem_shared>>
      %dma_start3A_33 = arith.constant 128 : i32
      %dma_start3A_34 = arith.constant 0 : i32
      %dma_start3A_35 = tpu.memref_slice %arg4[%dma_start3A_33, %dma_start3A_34] : memref<256x1xf32, #tpu.memory_space<hbm>> -> memref<128x1xf32, #tpu.memory_space<hbm>>
      tpu.enqueue_dma source(%dma_start3A_35 : memref<128x1xf32, #tpu.memory_space<hbm>>) target(%dma_start3A_32 : memref<128x1xf32, #tpu.memory_space<vmem_shared>>) target_semaphore(%run_scoped3A : memref<!tpu.dma_semaphore, #tpu.memory_space<semaphore_mem>>)
      %dma_wait3A = arith.constant 0 : i32
      %dma_wait3A_36 = tpu.memref_slice %arg10[%add3A_24, %dma_wait3A] : memref<10240x1xf32, #tpu.memory_space<vmem_shared>> -> memref<128x1xf32, #tpu.memory_space<vmem_shared>>
      %dma_wait3A_37 = arith.constant 128 : i32
      %dma_wait3A_38 = arith.constant 0 : i32
      %dma_wait3A_39 = tpu.memref_slice %arg4[%dma_wait3A_37, %dma_wait3A_38] : memref<256x1xf32, #tpu.memory_space<hbm>> -> memref<128x1xf32, #tpu.memory_space<hbm>>
      tpu.wait_dma2 semaphore(%run_scoped3A : memref<!tpu.dma_semaphore, #tpu.memory_space<semaphore_mem>>) src(%dma_wait3A_39 : memref<128x1xf32, #tpu.memory_space<hbm>>) dst(%dma_wait3A_36 : memref<128x1xf32, #tpu.memory_space<vmem_shared>>)
      tpu.yield
    }) : () -> ()
    "tpu.region"() ({
      %run_scoped3A = tpu.sem_alloc : memref<!tpu.dma_semaphore, #tpu.memory_space<semaphore_mem>>
      %dma_start3A = arith.constant 0 : i32
      %dma_start3A_32 = tpu.memref_slice %arg11[%add3A_24, %dma_start3A] : memref<10240x1xf32, #tpu.memory_space<vmem_shared>> -> memref<128x1xf32, #tpu.memory_space<vmem_shared>>
      %dma_start3A_33 = arith.constant 128 : i32
      %dma_start3A_34 = arith.constant 0 : i32
      %dma_start3A_35 = tpu.memref_slice %arg4[%dma_start3A_33, %dma_start3A_34] : memref<256x1xf32, #tpu.memory_space<hbm>> -> memref<128x1xf32, #tpu.memory_space<hbm>>
      tpu.enqueue_dma source(%dma_start3A_35 : memref<128x1xf32, #tpu.memory_space<hbm>>) target(%dma_start3A_32 : memref<128x1xf32, #tpu.memory_space<vmem_shared>>) target_semaphore(%run_scoped3A : memref<!tpu.dma_semaphore, #tpu.memory_space<semaphore_mem>>)
      %dma_wait3A = arith.constant 0 : i32
      %dma_wait3A_36 = tpu.memref_slice %arg11[%add3A_24, %dma_wait3A] : memref<10240x1xf32, #tpu.memory_space<vmem_shared>> -> memref<128x1xf32, #tpu.memory_space<vmem_shared>>
      %dma_wait3A_37 = arith.constant 128 : i32
      %dma_wait3A_38 = arith.constant 0 : i32
      %dma_wait3A_39 = tpu.memref_slice %arg4[%dma_wait3A_37, %dma_wait3A_38] : memref<256x1xf32, #tpu.memory_space<hbm>> -> memref<128x1xf32, #tpu.memory_space<hbm>>
      tpu.wait_dma2 semaphore(%run_scoped3A : memref<!tpu.dma_semaphore, #tpu.memory_space<semaphore_mem>>) src(%dma_wait3A_39 : memref<128x1xf32, #tpu.memory_space<hbm>>) dst(%dma_wait3A_36 : memref<128x1xf32, #tpu.memory_space<vmem_shared>>)
      tpu.yield
    }) : () -> ()
    %barrier3A = arith.constant 0 : index
    tpu.barrier barrier_id(%barrier3A)
    %scan3A = arith.constant 0 : i32
    %scan3A_25 = arith.constant 80 : i32
    %scan3A_26 = arith.addi %scan3A, %scan3A_25 : i32
    %scan3A_27 = arith.constant 1 : i32
    scf.for %scan3A_32 = %scan3A to %scan3A_26 step %scan3A_27  : i32 {
      "tpu.region"() ({
        %run_scoped3A = tpu.sem_alloc : memref<!tpu.dma_semaphore, #tpu.memory_space<semaphore_mem>>
        %dma_start3A = arith.constant 0 : i32
        %dma_start3A_33 = tpu.memref_slice %arg7[%scan3A_32, %dma_start3A] : memref<80x128xi32, #tpu.memory_space<vmem>> -> memref<1x128xi32, #tpu.memory_space<vmem>>
        %dma_start3A_34 = tpu.memref_squeeze %dma_start3A_33 : memref<1x128xi32, #tpu.memory_space<vmem>> -> memref<128xi32, #tpu.memory_space<vmem>>
        %dma_start3A_35 = arith.constant 0 : i32
        %dma_start3A_36 = arith.constant 0 : i32
        %dma_start3A_37 = tpu.memref_slice %arg10[%dma_start3A_35, %dma_start3A_36] : memref<10240x1xf32, #tpu.memory_space<vmem_shared>> -> memref<10240x1xf32, #tpu.memory_space<vmem_shared>>
        tpu.enqueue_indirect_dma source(%arg9 : memref<128x1xf32, #tpu.memory_space<vmem>>) target(%dma_start3A_37 : memref<10240x1xf32, #tpu.memory_space<vmem_shared>>) offsets(%dma_start3A_34 : memref<128xi32, #tpu.memory_space<vmem>>) semaphore(%run_scoped3A : memref<!tpu.dma_semaphore, #tpu.memory_space<semaphore_mem>>) {add = true}
        %dma_wait3A = arith.constant 0 : i32
        %dma_wait3A_38 = tpu.memref_slice %arg7[%scan3A_32, %dma_wait3A] : memref<80x128xi32, #tpu.memory_space<vmem>> -> memref<1x128xi32, #tpu.memory_space<vmem>>
        %dma_wait3A_39 = tpu.memref_squeeze %dma_wait3A_38 : memref<1x128xi32, #tpu.memory_space<vmem>> -> memref<128xi32, #tpu.memory_space<vmem>>
        %dma_wait3A_40 = arith.constant 0 : i32
        %dma_wait3A_41 = arith.constant 0 : i32
        %dma_wait3A_42 = tpu.memref_slice %arg10[%dma_wait3A_40, %dma_wait3A_41] : memref<10240x1xf32, #tpu.memory_space<vmem_shared>> -> memref<10240x1xf32, #tpu.memory_space<vmem_shared>>
        tpu.wait_indirect_dma semaphore(%run_scoped3A : memref<!tpu.dma_semaphore, #tpu.memory_space<semaphore_mem>>) src(%arg9 : memref<128x1xf32, #tpu.memory_space<vmem>>) dst(%dma_wait3A_42 : memref<10240x1xf32, #tpu.memory_space<vmem_shared>>)
        tpu.yield
      }) : () -> ()
      "tpu.region"() ({
        %run_scoped3A = tpu.sem_alloc : memref<!tpu.dma_semaphore, #tpu.memory_space<semaphore_mem>>
        %dma_start3A = arith.constant 0 : i32
        %dma_start3A_33 = tpu.memref_slice %arg8[%scan3A_32, %dma_start3A] : memref<80x128xi32, #tpu.memory_space<vmem>> -> memref<1x128xi32, #tpu.memory_space<vmem>>
        %dma_start3A_34 = tpu.memref_squeeze %dma_start3A_33 : memref<1x128xi32, #tpu.memory_space<vmem>> -> memref<128xi32, #tpu.memory_space<vmem>>
        %dma_start3A_35 = arith.constant 0 : i32
        %dma_start3A_36 = arith.constant 0 : i32
        %dma_start3A_37 = tpu.memref_slice %arg11[%dma_start3A_35, %dma_start3A_36] : memref<10240x1xf32, #tpu.memory_space<vmem_shared>> -> memref<10240x1xf32, #tpu.memory_space<vmem_shared>>
        tpu.enqueue_indirect_dma source(%arg9 : memref<128x1xf32, #tpu.memory_space<vmem>>) target(%dma_start3A_37 : memref<10240x1xf32, #tpu.memory_space<vmem_shared>>) offsets(%dma_start3A_34 : memref<128xi32, #tpu.memory_space<vmem>>) semaphore(%run_scoped3A : memref<!tpu.dma_semaphore, #tpu.memory_space<semaphore_mem>>) {add = true}
        %dma_wait3A = arith.constant 0 : i32
        %dma_wait3A_38 = tpu.memref_slice %arg8[%scan3A_32, %dma_wait3A] : memref<80x128xi32, #tpu.memory_space<vmem>> -> memref<1x128xi32, #tpu.memory_space<vmem>>
        %dma_wait3A_39 = tpu.memref_squeeze %dma_wait3A_38 : memref<1x128xi32, #tpu.memory_space<vmem>> -> memref<128xi32, #tpu.memory_space<vmem>>
        %dma_wait3A_40 = arith.constant 0 : i32
        %dma_wait3A_41 = arith.constant 0 : i32
        %dma_wait3A_42 = tpu.memref_slice %arg11[%dma_wait3A_40, %dma_wait3A_41] : memref<10240x1xf32, #tpu.memory_space<vmem_shared>> -> memref<10240x1xf32, #tpu.memory_space<vmem_shared>>
        tpu.wait_indirect_dma semaphore(%run_scoped3A : memref<!tpu.dma_semaphore, #tpu.memory_space<semaphore_mem>>) src(%arg9 : memref<128x1xf32, #tpu.memory_space<vmem>>) dst(%dma_wait3A_42 : memref<10240x1xf32, #tpu.memory_space<vmem_shared>>)
        tpu.yield
      }) : () -> ()
    }
    %scan3A_28 = arith.constant 80 : i32
    %barrier3A_29 = arith.constant 0 : index
    tpu.barrier barrier_id(%barrier3A_29)
    %mul3A_30 = arith.constant 640 : i32
    %mul3A_31 = arith.muli %arg1, %mul3A_30 : i32
    "tpu.region"() ({
      %run_scoped3A = tpu.sem_alloc : memref<!tpu.dma_semaphore, #tpu.memory_space<semaphore_mem>>
      %dma_start3A = arith.constant 0 : i32
      %dma_start3A_32 = tpu.memref_slice %arg5[%arg0, %mul3A_31, %dma_start3A] : memref<2x10240x1xf32, #tpu.memory_space<hbm>> -> memref<1x640x1xf32, #tpu.memory_space<hbm>>
      %dma_start3A_33 = tpu.memref_squeeze %dma_start3A_32 : memref<1x640x1xf32, #tpu.memory_space<hbm>> -> memref<640x1xf32, #tpu.memory_space<hbm>>
      %dma_start3A_34 = arith.constant 0 : i32
      %dma_start3A_35 = tpu.memref_slice %arg10[%mul3A_31, %dma_start3A_34] : memref<10240x1xf32, #tpu.memory_space<vmem_shared>> -> memref<640x1xf32, #tpu.memory_space<vmem_shared>>
      tpu.enqueue_dma source(%dma_start3A_35 : memref<640x1xf32, #tpu.memory_space<vmem_shared>>) target(%dma_start3A_33 : memref<640x1xf32, #tpu.memory_space<hbm>>) target_semaphore(%run_scoped3A : memref<!tpu.dma_semaphore, #tpu.memory_space<semaphore_mem>>)
      %dma_wait3A = arith.constant 0 : i32
      %dma_wait3A_36 = tpu.memref_slice %arg5[%arg0, %mul3A_31, %dma_wait3A] : memref<2x10240x1xf32, #tpu.memory_space<hbm>> -> memref<1x640x1xf32, #tpu.memory_space<hbm>>
      %dma_wait3A_37 = tpu.memref_squeeze %dma_wait3A_36 : memref<1x640x1xf32, #tpu.memory_space<hbm>> -> memref<640x1xf32, #tpu.memory_space<hbm>>
      %dma_wait3A_38 = arith.constant 0 : i32
      %dma_wait3A_39 = tpu.memref_slice %arg10[%mul3A_31, %dma_wait3A_38] : memref<10240x1xf32, #tpu.memory_space<vmem_shared>> -> memref<640x1xf32, #tpu.memory_space<vmem_shared>>
      tpu.wait_dma2 semaphore(%run_scoped3A : memref<!tpu.dma_semaphore, #tpu.memory_space<semaphore_mem>>) src(%dma_wait3A_39 : memref<640x1xf32, #tpu.memory_space<vmem_shared>>) dst(%dma_wait3A_37 : memref<640x1xf32, #tpu.memory_space<hbm>>)
      tpu.yield
    }) : () -> ()
    "tpu.region"() ({
      %run_scoped3A = tpu.sem_alloc : memref<!tpu.dma_semaphore, #tpu.memory_space<semaphore_mem>>
      %dma_start3A = arith.constant 0 : i32
      %dma_start3A_32 = tpu.memref_slice %arg6[%arg0, %mul3A_31, %dma_start3A] : memref<2x10240x1xf32, #tpu.memory_space<hbm>> -> memref<1x640x1xf32, #tpu.memory_space<hbm>>
      %dma_start3A_33 = tpu.memref_squeeze %dma_start3A_32 : memref<1x640x1xf32, #tpu.memory_space<hbm>> -> memref<640x1xf32, #tpu.memory_space<hbm>>
      %dma_start3A_34 = arith.constant 0 : i32
      %dma_start3A_35 = tpu.memref_slice %arg11[%mul3A_31, %dma_start3A_34] : memref<10240x1xf32, #tpu.memory_space<vmem_shared>> -> memref<640x1xf32, #tpu.memory_space<vmem_shared>>
      tpu.enqueue_dma source(%dma_start3A_35 : memref<640x1xf32, #tpu.memory_space<vmem_shared>>) target(%dma_start3A_33 : memref<640x1xf32, #tpu.memory_space<hbm>>) target_semaphore(%run_scoped3A : memref<!tpu.dma_semaphore, #tpu.memory_space<semaphore_mem>>)
      %dma_wait3A = arith.constant 0 : i32
      %dma_wait3A_36 = tpu.memref_slice %arg6[%arg0, %mul3A_31, %dma_wait3A] : memref<2x10240x1xf32, #tpu.memory_space<hbm>> -> memref<1x640x1xf32, #tpu.memory_space<hbm>>
      %dma_wait3A_37 = tpu.memref_squeeze %dma_wait3A_36 : memref<1x640x1xf32, #tpu.memory_space<hbm>> -> memref<640x1xf32, #tpu.memory_space<hbm>>
      %dma_wait3A_38 = arith.constant 0 : i32
      %dma_wait3A_39 = tpu.memref_slice %arg11[%mul3A_31, %dma_wait3A_38] : memref<10240x1xf32, #tpu.memory_space<vmem_shared>> -> memref<640x1xf32, #tpu.memory_space<vmem_shared>>
      tpu.wait_dma2 semaphore(%run_scoped3A : memref<!tpu.dma_semaphore, #tpu.memory_space<semaphore_mem>>) src(%dma_wait3A_39 : memref<640x1xf32, #tpu.memory_space<vmem_shared>>) dst(%dma_wait3A_37 : memref<640x1xf32, #tpu.memory_space<hbm>>)
      tpu.yield
    }) : () -> ()
    return
  }
}

#map = affine_map<(d0, d1) -> (0, 0)>
#map1 = affine_map<(d0, d1) -> (0, 0, 0)>
module attributes {stable_mosaic.version = 14 : i64} {
  func.func @_scatter_kernel(%arg0: i32, %arg1: i32, %arg2: memref<10240x128xf32, #tpu.memory_space<hbm>>, %arg3: memref<2560x128xi32, #tpu.memory_space<hbm>>, %arg4: memref<2560x128xi32, #tpu.memory_space<hbm>>, %arg5: memref<128x128xf32, #tpu.memory_space<hbm>>, %arg6: memref<2x10240x128xf32, #tpu.memory_space<hbm>>, %arg7: memref<40x128xi32, #tpu.memory_space<vmem>>, %arg8: memref<40x128xi32, #tpu.memory_space<vmem>>, %arg9: memref<128x128xf32, #tpu.memory_space<vmem>>, %arg10: memref<128x128xf32, #tpu.memory_space<vmem>>, %arg11: memref<10240x128xf32, #tpu.memory_space<vmem_shared>>, %arg12: memref<!tpu.dma_semaphore, #tpu.memory_space<semaphore_mem>>, %arg13: memref<!tpu.dma_semaphore, #tpu.memory_space<semaphore_mem>>) attributes {dimension_semantics = [#tpu.dimension_semantics<core_parallel>, #tpu.dimension_semantics<subcore_parallel>], iteration_bounds = array<i64: 2, 16>, scalar_prefetch = 0 : i64, scratch_operands = 7 : i64, tpu.core_type = #tpu.core_type<sc_vector_subcore>, window_params = [{transform_indices = #map}, {transform_indices = #map}, {transform_indices = #map}, {transform_indices = #map}, {transform_indices = #map1}]} {
    %mul3A = arith.constant 2 : i32
    %mul3A_0 = arith.muli %arg1, %mul3A : i32
    %add3A = arith.addi %mul3A_0, %arg0 : i32
    %mul3A_1 = arith.constant 640 : i32
    %mul3A_2 = arith.muli %arg1, %mul3A_1 : i32
    %add3A_3 = arith.constant 0 : i32
    %add3A_4 = arith.addi %mul3A_2, %add3A_3 : i32
    "tpu.region"() ({
      %run_scoped3A = tpu.sem_alloc : memref<!tpu.dma_semaphore, #tpu.memory_space<semaphore_mem>>
      %dma_start3A_68 = arith.constant 0 : i32
      %dma_start3A_69 = tpu.memref_slice %arg11[%add3A_4, %dma_start3A_68] : memref<10240x128xf32, #tpu.memory_space<vmem_shared>> -> memref<128x128xf32, #tpu.memory_space<vmem_shared>>
      tpu.enqueue_dma source(%arg5 : memref<128x128xf32, #tpu.memory_space<hbm>>) target(%dma_start3A_69 : memref<128x128xf32, #tpu.memory_space<vmem_shared>>) target_semaphore(%run_scoped3A : memref<!tpu.dma_semaphore, #tpu.memory_space<semaphore_mem>>)
      %dma_wait3A = arith.constant 0 : i32
      %dma_wait3A_70 = tpu.memref_slice %arg11[%add3A_4, %dma_wait3A] : memref<10240x128xf32, #tpu.memory_space<vmem_shared>> -> memref<128x128xf32, #tpu.memory_space<vmem_shared>>
      tpu.wait_dma2 semaphore(%run_scoped3A : memref<!tpu.dma_semaphore, #tpu.memory_space<semaphore_mem>>) src(%arg5 : memref<128x128xf32, #tpu.memory_space<hbm>>) dst(%dma_wait3A_70 : memref<128x128xf32, #tpu.memory_space<vmem_shared>>)
      tpu.yield
    }) : () -> ()
    %mul3A_5 = arith.constant 640 : i32
    %mul3A_6 = arith.muli %arg1, %mul3A_5 : i32
    %add3A_7 = arith.constant 128 : i32
    %add3A_8 = arith.addi %mul3A_6, %add3A_7 : i32
    "tpu.region"() ({
      %run_scoped3A = tpu.sem_alloc : memref<!tpu.dma_semaphore, #tpu.memory_space<semaphore_mem>>
      %dma_start3A_68 = arith.constant 0 : i32
      %dma_start3A_69 = tpu.memref_slice %arg11[%add3A_8, %dma_start3A_68] : memref<10240x128xf32, #tpu.memory_space<vmem_shared>> -> memref<128x128xf32, #tpu.memory_space<vmem_shared>>
      tpu.enqueue_dma source(%arg5 : memref<128x128xf32, #tpu.memory_space<hbm>>) target(%dma_start3A_69 : memref<128x128xf32, #tpu.memory_space<vmem_shared>>) target_semaphore(%run_scoped3A : memref<!tpu.dma_semaphore, #tpu.memory_space<semaphore_mem>>)
      %dma_wait3A = arith.constant 0 : i32
      %dma_wait3A_70 = tpu.memref_slice %arg11[%add3A_8, %dma_wait3A] : memref<10240x128xf32, #tpu.memory_space<vmem_shared>> -> memref<128x128xf32, #tpu.memory_space<vmem_shared>>
      tpu.wait_dma2 semaphore(%run_scoped3A : memref<!tpu.dma_semaphore, #tpu.memory_space<semaphore_mem>>) src(%arg5 : memref<128x128xf32, #tpu.memory_space<hbm>>) dst(%dma_wait3A_70 : memref<128x128xf32, #tpu.memory_space<vmem_shared>>)
      tpu.yield
    }) : () -> ()
    %mul3A_9 = arith.constant 640 : i32
    %mul3A_10 = arith.muli %arg1, %mul3A_9 : i32
    %add3A_11 = arith.constant 256 : i32
    %add3A_12 = arith.addi %mul3A_10, %add3A_11 : i32
    "tpu.region"() ({
      %run_scoped3A = tpu.sem_alloc : memref<!tpu.dma_semaphore, #tpu.memory_space<semaphore_mem>>
      %dma_start3A_68 = arith.constant 0 : i32
      %dma_start3A_69 = tpu.memref_slice %arg11[%add3A_12, %dma_start3A_68] : memref<10240x128xf32, #tpu.memory_space<vmem_shared>> -> memref<128x128xf32, #tpu.memory_space<vmem_shared>>
      tpu.enqueue_dma source(%arg5 : memref<128x128xf32, #tpu.memory_space<hbm>>) target(%dma_start3A_69 : memref<128x128xf32, #tpu.memory_space<vmem_shared>>) target_semaphore(%run_scoped3A : memref<!tpu.dma_semaphore, #tpu.memory_space<semaphore_mem>>)
      %dma_wait3A = arith.constant 0 : i32
      %dma_wait3A_70 = tpu.memref_slice %arg11[%add3A_12, %dma_wait3A] : memref<10240x128xf32, #tpu.memory_space<vmem_shared>> -> memref<128x128xf32, #tpu.memory_space<vmem_shared>>
      tpu.wait_dma2 semaphore(%run_scoped3A : memref<!tpu.dma_semaphore, #tpu.memory_space<semaphore_mem>>) src(%arg5 : memref<128x128xf32, #tpu.memory_space<hbm>>) dst(%dma_wait3A_70 : memref<128x128xf32, #tpu.memory_space<vmem_shared>>)
      tpu.yield
    }) : () -> ()
    %mul3A_13 = arith.constant 640 : i32
    %mul3A_14 = arith.muli %arg1, %mul3A_13 : i32
    %add3A_15 = arith.constant 384 : i32
    %add3A_16 = arith.addi %mul3A_14, %add3A_15 : i32
    "tpu.region"() ({
      %run_scoped3A = tpu.sem_alloc : memref<!tpu.dma_semaphore, #tpu.memory_space<semaphore_mem>>
      %dma_start3A_68 = arith.constant 0 : i32
      %dma_start3A_69 = tpu.memref_slice %arg11[%add3A_16, %dma_start3A_68] : memref<10240x128xf32, #tpu.memory_space<vmem_shared>> -> memref<128x128xf32, #tpu.memory_space<vmem_shared>>
      tpu.enqueue_dma source(%arg5 : memref<128x128xf32, #tpu.memory_space<hbm>>) target(%dma_start3A_69 : memref<128x128xf32, #tpu.memory_space<vmem_shared>>) target_semaphore(%run_scoped3A : memref<!tpu.dma_semaphore, #tpu.memory_space<semaphore_mem>>)
      %dma_wait3A = arith.constant 0 : i32
      %dma_wait3A_70 = tpu.memref_slice %arg11[%add3A_16, %dma_wait3A] : memref<10240x128xf32, #tpu.memory_space<vmem_shared>> -> memref<128x128xf32, #tpu.memory_space<vmem_shared>>
      tpu.wait_dma2 semaphore(%run_scoped3A : memref<!tpu.dma_semaphore, #tpu.memory_space<semaphore_mem>>) src(%arg5 : memref<128x128xf32, #tpu.memory_space<hbm>>) dst(%dma_wait3A_70 : memref<128x128xf32, #tpu.memory_space<vmem_shared>>)
      tpu.yield
    }) : () -> ()
    %mul3A_17 = arith.constant 640 : i32
    %mul3A_18 = arith.muli %arg1, %mul3A_17 : i32
    %add3A_19 = arith.constant 512 : i32
    %add3A_20 = arith.addi %mul3A_18, %add3A_19 : i32
    "tpu.region"() ({
      %run_scoped3A = tpu.sem_alloc : memref<!tpu.dma_semaphore, #tpu.memory_space<semaphore_mem>>
      %dma_start3A_68 = arith.constant 0 : i32
      %dma_start3A_69 = tpu.memref_slice %arg11[%add3A_20, %dma_start3A_68] : memref<10240x128xf32, #tpu.memory_space<vmem_shared>> -> memref<128x128xf32, #tpu.memory_space<vmem_shared>>
      tpu.enqueue_dma source(%arg5 : memref<128x128xf32, #tpu.memory_space<hbm>>) target(%dma_start3A_69 : memref<128x128xf32, #tpu.memory_space<vmem_shared>>) target_semaphore(%run_scoped3A : memref<!tpu.dma_semaphore, #tpu.memory_space<semaphore_mem>>)
      %dma_wait3A = arith.constant 0 : i32
      %dma_wait3A_70 = tpu.memref_slice %arg11[%add3A_20, %dma_wait3A] : memref<10240x128xf32, #tpu.memory_space<vmem_shared>> -> memref<128x128xf32, #tpu.memory_space<vmem_shared>>
      tpu.wait_dma2 semaphore(%run_scoped3A : memref<!tpu.dma_semaphore, #tpu.memory_space<semaphore_mem>>) src(%arg5 : memref<128x128xf32, #tpu.memory_space<hbm>>) dst(%dma_wait3A_70 : memref<128x128xf32, #tpu.memory_space<vmem_shared>>)
      tpu.yield
    }) : () -> ()
    %barrier3A = arith.constant 0 : index
    tpu.barrier barrier_id(%barrier3A)
    %mul3A_21 = arith.constant 80 : i32
    %mul3A_22 = arith.muli %add3A, %mul3A_21 : i32
    %add3A_23 = arith.constant 0 : i32
    %add3A_24 = arith.addi %mul3A_22, %add3A_23 : i32
    "tpu.region"() ({
      %run_scoped3A = tpu.sem_alloc : memref<!tpu.dma_semaphore, #tpu.memory_space<semaphore_mem>>
      %dma_start3A_68 = arith.constant 0 : i32
      %dma_start3A_69 = tpu.memref_slice %arg3[%add3A_24, %dma_start3A_68] : memref<2560x128xi32, #tpu.memory_space<hbm>> -> memref<40x128xi32, #tpu.memory_space<hbm>>
      %dma_start3A_70 = arith.constant 0 : i32
      %dma_start3A_71 = tpu.memref_slice %arg3[%add3A_24, %dma_start3A_70] : memref<2560x128xi32, #tpu.memory_space<hbm>> -> memref<40x128xi32, #tpu.memory_space<hbm>>
      tpu.enqueue_dma source(%dma_start3A_71 : memref<40x128xi32, #tpu.memory_space<hbm>>) target(%arg7 : memref<40x128xi32, #tpu.memory_space<vmem>>) target_semaphore(%run_scoped3A : memref<!tpu.dma_semaphore, #tpu.memory_space<semaphore_mem>>)
      %dma_wait3A = arith.constant 0 : i32
      %dma_wait3A_72 = tpu.memref_slice %arg3[%add3A_24, %dma_wait3A] : memref<2560x128xi32, #tpu.memory_space<hbm>> -> memref<40x128xi32, #tpu.memory_space<hbm>>
      %dma_wait3A_73 = arith.constant 0 : i32
      %dma_wait3A_74 = tpu.memref_slice %arg3[%add3A_24, %dma_wait3A_73] : memref<2560x128xi32, #tpu.memory_space<hbm>> -> memref<40x128xi32, #tpu.memory_space<hbm>>
      tpu.wait_dma2 semaphore(%run_scoped3A : memref<!tpu.dma_semaphore, #tpu.memory_space<semaphore_mem>>) src(%dma_wait3A_74 : memref<40x128xi32, #tpu.memory_space<hbm>>) dst(%arg7 : memref<40x128xi32, #tpu.memory_space<vmem>>)
      tpu.yield
    }) : () -> ()
    "tpu.region"() ({
      %run_scoped3A = tpu.sem_alloc : memref<!tpu.dma_semaphore, #tpu.memory_space<semaphore_mem>>
      %dma_start3A_68 = arith.constant 0 : i32
      %dma_start3A_69 = tpu.memref_slice %arg4[%add3A_24, %dma_start3A_68] : memref<2560x128xi32, #tpu.memory_space<hbm>> -> memref<40x128xi32, #tpu.memory_space<hbm>>
      %dma_start3A_70 = arith.constant 0 : i32
      %dma_start3A_71 = tpu.memref_slice %arg4[%add3A_24, %dma_start3A_70] : memref<2560x128xi32, #tpu.memory_space<hbm>> -> memref<40x128xi32, #tpu.memory_space<hbm>>
      tpu.enqueue_dma source(%dma_start3A_71 : memref<40x128xi32, #tpu.memory_space<hbm>>) target(%arg8 : memref<40x128xi32, #tpu.memory_space<vmem>>) target_semaphore(%run_scoped3A : memref<!tpu.dma_semaphore, #tpu.memory_space<semaphore_mem>>)
      %dma_wait3A = arith.constant 0 : i32
      %dma_wait3A_72 = tpu.memref_slice %arg4[%add3A_24, %dma_wait3A] : memref<2560x128xi32, #tpu.memory_space<hbm>> -> memref<40x128xi32, #tpu.memory_space<hbm>>
      %dma_wait3A_73 = arith.constant 0 : i32
      %dma_wait3A_74 = tpu.memref_slice %arg4[%add3A_24, %dma_wait3A_73] : memref<2560x128xi32, #tpu.memory_space<hbm>> -> memref<40x128xi32, #tpu.memory_space<hbm>>
      tpu.wait_dma2 semaphore(%run_scoped3A : memref<!tpu.dma_semaphore, #tpu.memory_space<semaphore_mem>>) src(%dma_wait3A_74 : memref<40x128xi32, #tpu.memory_space<hbm>>) dst(%arg8 : memref<40x128xi32, #tpu.memory_space<vmem>>)
      tpu.yield
    }) : () -> ()
    %dma_start3A = arith.constant 0 : i32
    %dma_start3A_25 = arith.constant 0 : i32
    %dma_start3A_26 = tpu.memref_slice %arg7[%dma_start3A, %dma_start3A_25] : memref<40x128xi32, #tpu.memory_space<vmem>> -> memref<1x128xi32, #tpu.memory_space<vmem>>
    %dma_start3A_27 = tpu.memref_squeeze %dma_start3A_26 : memref<1x128xi32, #tpu.memory_space<vmem>> -> memref<128xi32, #tpu.memory_space<vmem>>
    %dma_start3A_28 = arith.constant 0 : i32
    %dma_start3A_29 = arith.constant 0 : i32
    %dma_start3A_30 = tpu.memref_slice %arg2[%dma_start3A_28, %dma_start3A_29] : memref<10240x128xf32, #tpu.memory_space<hbm>> -> memref<10240x128xf32, #tpu.memory_space<hbm>>
    tpu.enqueue_indirect_dma source(%dma_start3A_30 : memref<10240x128xf32, #tpu.memory_space<hbm>>) target(%arg9 : memref<128x128xf32, #tpu.memory_space<vmem>>) offsets(%dma_start3A_27 : memref<128xi32, #tpu.memory_space<vmem>>) semaphore(%arg12 : memref<!tpu.dma_semaphore, #tpu.memory_space<semaphore_mem>>)
    %dma_start3A_31 = arith.constant 1 : i32
    %dma_start3A_32 = arith.constant 0 : i32
    %dma_start3A_33 = tpu.memref_slice %arg7[%dma_start3A_31, %dma_start3A_32] : memref<40x128xi32, #tpu.memory_space<vmem>> -> memref<1x128xi32, #tpu.memory_space<vmem>>
    %dma_start3A_34 = tpu.memref_squeeze %dma_start3A_33 : memref<1x128xi32, #tpu.memory_space<vmem>> -> memref<128xi32, #tpu.memory_space<vmem>>
    %dma_start3A_35 = arith.constant 0 : i32
    %dma_start3A_36 = arith.constant 0 : i32
    %dma_start3A_37 = tpu.memref_slice %arg2[%dma_start3A_35, %dma_start3A_36] : memref<10240x128xf32, #tpu.memory_space<hbm>> -> memref<10240x128xf32, #tpu.memory_space<hbm>>
    tpu.enqueue_indirect_dma source(%dma_start3A_37 : memref<10240x128xf32, #tpu.memory_space<hbm>>) target(%arg10 : memref<128x128xf32, #tpu.memory_space<vmem>>) offsets(%dma_start3A_34 : memref<128xi32, #tpu.memory_space<vmem>>) semaphore(%arg13 : memref<!tpu.dma_semaphore, #tpu.memory_space<semaphore_mem>>)
    %scan3A = arith.constant 0 : i32
    %scan3A_38 = arith.constant 20 : i32
    %scan3A_39 = arith.addi %scan3A, %scan3A_38 : i32
    %scan3A_40 = arith.constant 1 : i32
    scf.for %scan3A_68 = %scan3A to %scan3A_39 step %scan3A_40  : i32 {
      %mul3A_69 = arith.constant 2 : i32
      %mul3A_70 = arith.muli %mul3A_69, %scan3A_68 : i32
      %add3A_71 = arith.constant 0 : i32
      %add3A_72 = arith.addi %mul3A_70, %add3A_71 : i32
      %dma_wait3A = arith.constant 0 : i32
      %dma_wait3A_73 = tpu.memref_slice %arg7[%add3A_72, %dma_wait3A] : memref<40x128xi32, #tpu.memory_space<vmem>> -> memref<1x128xi32, #tpu.memory_space<vmem>>
      %dma_wait3A_74 = tpu.memref_squeeze %dma_wait3A_73 : memref<1x128xi32, #tpu.memory_space<vmem>> -> memref<128xi32, #tpu.memory_space<vmem>>
      %dma_wait3A_75 = arith.constant 0 : i32
      %dma_wait3A_76 = arith.constant 0 : i32
      %dma_wait3A_77 = tpu.memref_slice %arg2[%dma_wait3A_75, %dma_wait3A_76] : memref<10240x128xf32, #tpu.memory_space<hbm>> -> memref<10240x128xf32, #tpu.memory_space<hbm>>
      tpu.wait_indirect_dma semaphore(%arg12 : memref<!tpu.dma_semaphore, #tpu.memory_space<semaphore_mem>>) src(%dma_wait3A_77 : memref<10240x128xf32, #tpu.memory_space<hbm>>) dst(%arg9 : memref<128x128xf32, #tpu.memory_space<vmem>>)
      "tpu.region"() ({
        %run_scoped3A = tpu.sem_alloc : memref<!tpu.dma_semaphore, #tpu.memory_space<semaphore_mem>>
        %dma_start3A_99 = arith.constant 0 : i32
        %dma_start3A_100 = tpu.memref_slice %arg8[%add3A_72, %dma_start3A_99] : memref<40x128xi32, #tpu.memory_space<vmem>> -> memref<1x128xi32, #tpu.memory_space<vmem>>
        %dma_start3A_101 = tpu.memref_squeeze %dma_start3A_100 : memref<1x128xi32, #tpu.memory_space<vmem>> -> memref<128xi32, #tpu.memory_space<vmem>>
        %dma_start3A_102 = arith.constant 0 : i32
        %dma_start3A_103 = arith.constant 0 : i32
        %dma_start3A_104 = tpu.memref_slice %arg11[%dma_start3A_102, %dma_start3A_103] : memref<10240x128xf32, #tpu.memory_space<vmem_shared>> -> memref<10240x128xf32, #tpu.memory_space<vmem_shared>>
        tpu.enqueue_indirect_dma source(%arg9 : memref<128x128xf32, #tpu.memory_space<vmem>>) target(%dma_start3A_104 : memref<10240x128xf32, #tpu.memory_space<vmem_shared>>) offsets(%dma_start3A_101 : memref<128xi32, #tpu.memory_space<vmem>>) semaphore(%run_scoped3A : memref<!tpu.dma_semaphore, #tpu.memory_space<semaphore_mem>>) {add = true}
        %dma_wait3A_105 = arith.constant 0 : i32
        %dma_wait3A_106 = tpu.memref_slice %arg8[%add3A_72, %dma_wait3A_105] : memref<40x128xi32, #tpu.memory_space<vmem>> -> memref<1x128xi32, #tpu.memory_space<vmem>>
        %dma_wait3A_107 = tpu.memref_squeeze %dma_wait3A_106 : memref<1x128xi32, #tpu.memory_space<vmem>> -> memref<128xi32, #tpu.memory_space<vmem>>
        %dma_wait3A_108 = arith.constant 0 : i32
        %dma_wait3A_109 = arith.constant 0 : i32
        %dma_wait3A_110 = tpu.memref_slice %arg11[%dma_wait3A_108, %dma_wait3A_109] : memref<10240x128xf32, #tpu.memory_space<vmem_shared>> -> memref<10240x128xf32, #tpu.memory_space<vmem_shared>>
        tpu.wait_indirect_dma semaphore(%run_scoped3A : memref<!tpu.dma_semaphore, #tpu.memory_space<semaphore_mem>>) src(%arg9 : memref<128x128xf32, #tpu.memory_space<vmem>>) dst(%dma_wait3A_110 : memref<10240x128xf32, #tpu.memory_space<vmem_shared>>)
        tpu.yield
      }) : () -> ()
      %add3A_78 = arith.constant 2 : i32
      %add3A_79 = arith.addi %add3A_72, %add3A_78 : i32
      %lt3A = arith.constant 40 : i32
      %lt3A_80 = arith.cmpi slt, %add3A_79, %lt3A : i32
      %convert_element_type3A = arith.extui %lt3A_80 : i1 to i32
      %cond3A = arith.constant 0 : i32
      %cond3A_81 = arith.cmpi ne, %convert_element_type3A, %cond3A : i32
      scf.if %cond3A_81 {
        %add3A_99 = arith.constant 2 : i32
        %add3A_100 = arith.addi %add3A_72, %add3A_99 : i32
        %dma_start3A_101 = arith.constant 0 : i32
        %dma_start3A_102 = tpu.memref_slice %arg7[%add3A_100, %dma_start3A_101] : memref<40x128xi32, #tpu.memory_space<vmem>> -> memref<1x128xi32, #tpu.memory_space<vmem>>
        %dma_start3A_103 = tpu.memref_squeeze %dma_start3A_102 : memref<1x128xi32, #tpu.memory_space<vmem>> -> memref<128xi32, #tpu.memory_space<vmem>>
        %dma_start3A_104 = arith.constant 0 : i32
        %dma_start3A_105 = arith.constant 0 : i32
        %dma_start3A_106 = tpu.memref_slice %arg2[%dma_start3A_104, %dma_start3A_105] : memref<10240x128xf32, #tpu.memory_space<hbm>> -> memref<10240x128xf32, #tpu.memory_space<hbm>>
        tpu.enqueue_indirect_dma source(%dma_start3A_106 : memref<10240x128xf32, #tpu.memory_space<hbm>>) target(%arg9 : memref<128x128xf32, #tpu.memory_space<vmem>>) offsets(%dma_start3A_103 : memref<128xi32, #tpu.memory_space<vmem>>) semaphore(%arg12 : memref<!tpu.dma_semaphore, #tpu.memory_space<semaphore_mem>>)
      } else {
      }
      %mul3A_82 = arith.constant 2 : i32
      %mul3A_83 = arith.muli %mul3A_82, %scan3A_68 : i32
      %add3A_84 = arith.constant 1 : i32
      %add3A_85 = arith.addi %mul3A_83, %add3A_84 : i32
      %dma_wait3A_86 = arith.constant 0 : i32
      %dma_wait3A_87 = tpu.memref_slice %arg7[%add3A_85, %dma_wait3A_86] : memref<40x128xi32, #tpu.memory_space<vmem>> -> memref<1x128xi32, #tpu.memory_space<vmem>>
      %dma_wait3A_88 = tpu.memref_squeeze %dma_wait3A_87 : memref<1x128xi32, #tpu.memory_space<vmem>> -> memref<128xi32, #tpu.memory_space<vmem>>
      %dma_wait3A_89 = arith.constant 0 : i32
      %dma_wait3A_90 = arith.constant 0 : i32
      %dma_wait3A_91 = tpu.memref_slice %arg2[%dma_wait3A_89, %dma_wait3A_90] : memref<10240x128xf32, #tpu.memory_space<hbm>> -> memref<10240x128xf32, #tpu.memory_space<hbm>>
      tpu.wait_indirect_dma semaphore(%arg13 : memref<!tpu.dma_semaphore, #tpu.memory_space<semaphore_mem>>) src(%dma_wait3A_91 : memref<10240x128xf32, #tpu.memory_space<hbm>>) dst(%arg10 : memref<128x128xf32, #tpu.memory_space<vmem>>)
      "tpu.region"() ({
        %run_scoped3A = tpu.sem_alloc : memref<!tpu.dma_semaphore, #tpu.memory_space<semaphore_mem>>
        %dma_start3A_99 = arith.constant 0 : i32
        %dma_start3A_100 = tpu.memref_slice %arg8[%add3A_85, %dma_start3A_99] : memref<40x128xi32, #tpu.memory_space<vmem>> -> memref<1x128xi32, #tpu.memory_space<vmem>>
        %dma_start3A_101 = tpu.memref_squeeze %dma_start3A_100 : memref<1x128xi32, #tpu.memory_space<vmem>> -> memref<128xi32, #tpu.memory_space<vmem>>
        %dma_start3A_102 = arith.constant 0 : i32
        %dma_start3A_103 = arith.constant 0 : i32
        %dma_start3A_104 = tpu.memref_slice %arg11[%dma_start3A_102, %dma_start3A_103] : memref<10240x128xf32, #tpu.memory_space<vmem_shared>> -> memref<10240x128xf32, #tpu.memory_space<vmem_shared>>
        tpu.enqueue_indirect_dma source(%arg10 : memref<128x128xf32, #tpu.memory_space<vmem>>) target(%dma_start3A_104 : memref<10240x128xf32, #tpu.memory_space<vmem_shared>>) offsets(%dma_start3A_101 : memref<128xi32, #tpu.memory_space<vmem>>) semaphore(%run_scoped3A : memref<!tpu.dma_semaphore, #tpu.memory_space<semaphore_mem>>) {add = true}
        %dma_wait3A_105 = arith.constant 0 : i32
        %dma_wait3A_106 = tpu.memref_slice %arg8[%add3A_85, %dma_wait3A_105] : memref<40x128xi32, #tpu.memory_space<vmem>> -> memref<1x128xi32, #tpu.memory_space<vmem>>
        %dma_wait3A_107 = tpu.memref_squeeze %dma_wait3A_106 : memref<1x128xi32, #tpu.memory_space<vmem>> -> memref<128xi32, #tpu.memory_space<vmem>>
        %dma_wait3A_108 = arith.constant 0 : i32
        %dma_wait3A_109 = arith.constant 0 : i32
        %dma_wait3A_110 = tpu.memref_slice %arg11[%dma_wait3A_108, %dma_wait3A_109] : memref<10240x128xf32, #tpu.memory_space<vmem_shared>> -> memref<10240x128xf32, #tpu.memory_space<vmem_shared>>
        tpu.wait_indirect_dma semaphore(%run_scoped3A : memref<!tpu.dma_semaphore, #tpu.memory_space<semaphore_mem>>) src(%arg10 : memref<128x128xf32, #tpu.memory_space<vmem>>) dst(%dma_wait3A_110 : memref<10240x128xf32, #tpu.memory_space<vmem_shared>>)
        tpu.yield
      }) : () -> ()
      %add3A_92 = arith.constant 2 : i32
      %add3A_93 = arith.addi %add3A_85, %add3A_92 : i32
      %lt3A_94 = arith.constant 40 : i32
      %lt3A_95 = arith.cmpi slt, %add3A_93, %lt3A_94 : i32
      %convert_element_type3A_96 = arith.extui %lt3A_95 : i1 to i32
      %cond3A_97 = arith.constant 0 : i32
      %cond3A_98 = arith.cmpi ne, %convert_element_type3A_96, %cond3A_97 : i32
      scf.if %cond3A_98 {
        %add3A_99 = arith.constant 2 : i32
        %add3A_100 = arith.addi %add3A_85, %add3A_99 : i32
        %dma_start3A_101 = arith.constant 0 : i32
        %dma_start3A_102 = tpu.memref_slice %arg7[%add3A_100, %dma_start3A_101] : memref<40x128xi32, #tpu.memory_space<vmem>> -> memref<1x128xi32, #tpu.memory_space<vmem>>
        %dma_start3A_103 = tpu.memref_squeeze %dma_start3A_102 : memref<1x128xi32, #tpu.memory_space<vmem>> -> memref<128xi32, #tpu.memory_space<vmem>>
        %dma_start3A_104 = arith.constant 0 : i32
        %dma_start3A_105 = arith.constant 0 : i32
        %dma_start3A_106 = tpu.memref_slice %arg2[%dma_start3A_104, %dma_start3A_105] : memref<10240x128xf32, #tpu.memory_space<hbm>> -> memref<10240x128xf32, #tpu.memory_space<hbm>>
        tpu.enqueue_indirect_dma source(%dma_start3A_106 : memref<10240x128xf32, #tpu.memory_space<hbm>>) target(%arg10 : memref<128x128xf32, #tpu.memory_space<vmem>>) offsets(%dma_start3A_103 : memref<128xi32, #tpu.memory_space<vmem>>) semaphore(%arg13 : memref<!tpu.dma_semaphore, #tpu.memory_space<semaphore_mem>>)
      } else {
      }
    }
    %scan3A_41 = arith.constant 20 : i32
    %mul3A_42 = arith.constant 80 : i32
    %mul3A_43 = arith.muli %add3A, %mul3A_42 : i32
    %add3A_44 = arith.constant 40 : i32
    %add3A_45 = arith.addi %mul3A_43, %add3A_44 : i32
    "tpu.region"() ({
      %run_scoped3A = tpu.sem_alloc : memref<!tpu.dma_semaphore, #tpu.memory_space<semaphore_mem>>
      %dma_start3A_68 = arith.constant 0 : i32
      %dma_start3A_69 = tpu.memref_slice %arg3[%add3A_45, %dma_start3A_68] : memref<2560x128xi32, #tpu.memory_space<hbm>> -> memref<40x128xi32, #tpu.memory_space<hbm>>
      %dma_start3A_70 = arith.constant 0 : i32
      %dma_start3A_71 = tpu.memref_slice %arg3[%add3A_45, %dma_start3A_70] : memref<2560x128xi32, #tpu.memory_space<hbm>> -> memref<40x128xi32, #tpu.memory_space<hbm>>
      tpu.enqueue_dma source(%dma_start3A_71 : memref<40x128xi32, #tpu.memory_space<hbm>>) target(%arg7 : memref<40x128xi32, #tpu.memory_space<vmem>>) target_semaphore(%run_scoped3A : memref<!tpu.dma_semaphore, #tpu.memory_space<semaphore_mem>>)
      %dma_wait3A = arith.constant 0 : i32
      %dma_wait3A_72 = tpu.memref_slice %arg3[%add3A_45, %dma_wait3A] : memref<2560x128xi32, #tpu.memory_space<hbm>> -> memref<40x128xi32, #tpu.memory_space<hbm>>
      %dma_wait3A_73 = arith.constant 0 : i32
      %dma_wait3A_74 = tpu.memref_slice %arg3[%add3A_45, %dma_wait3A_73] : memref<2560x128xi32, #tpu.memory_space<hbm>> -> memref<40x128xi32, #tpu.memory_space<hbm>>
      tpu.wait_dma2 semaphore(%run_scoped3A : memref<!tpu.dma_semaphore, #tpu.memory_space<semaphore_mem>>) src(%dma_wait3A_74 : memref<40x128xi32, #tpu.memory_space<hbm>>) dst(%arg7 : memref<40x128xi32, #tpu.memory_space<vmem>>)
      tpu.yield
    }) : () -> ()
    "tpu.region"() ({
      %run_scoped3A = tpu.sem_alloc : memref<!tpu.dma_semaphore, #tpu.memory_space<semaphore_mem>>
      %dma_start3A_68 = arith.constant 0 : i32
      %dma_start3A_69 = tpu.memref_slice %arg4[%add3A_45, %dma_start3A_68] : memref<2560x128xi32, #tpu.memory_space<hbm>> -> memref<40x128xi32, #tpu.memory_space<hbm>>
      %dma_start3A_70 = arith.constant 0 : i32
      %dma_start3A_71 = tpu.memref_slice %arg4[%add3A_45, %dma_start3A_70] : memref<2560x128xi32, #tpu.memory_space<hbm>> -> memref<40x128xi32, #tpu.memory_space<hbm>>
      tpu.enqueue_dma source(%dma_start3A_71 : memref<40x128xi32, #tpu.memory_space<hbm>>) target(%arg8 : memref<40x128xi32, #tpu.memory_space<vmem>>) target_semaphore(%run_scoped3A : memref<!tpu.dma_semaphore, #tpu.memory_space<semaphore_mem>>)
      %dma_wait3A = arith.constant 0 : i32
      %dma_wait3A_72 = tpu.memref_slice %arg4[%add3A_45, %dma_wait3A] : memref<2560x128xi32, #tpu.memory_space<hbm>> -> memref<40x128xi32, #tpu.memory_space<hbm>>
      %dma_wait3A_73 = arith.constant 0 : i32
      %dma_wait3A_74 = tpu.memref_slice %arg4[%add3A_45, %dma_wait3A_73] : memref<2560x128xi32, #tpu.memory_space<hbm>> -> memref<40x128xi32, #tpu.memory_space<hbm>>
      tpu.wait_dma2 semaphore(%run_scoped3A : memref<!tpu.dma_semaphore, #tpu.memory_space<semaphore_mem>>) src(%dma_wait3A_74 : memref<40x128xi32, #tpu.memory_space<hbm>>) dst(%arg8 : memref<40x128xi32, #tpu.memory_space<vmem>>)
      tpu.yield
    }) : () -> ()
    %dma_start3A_46 = arith.constant 0 : i32
    %dma_start3A_47 = arith.constant 0 : i32
    %dma_start3A_48 = tpu.memref_slice %arg7[%dma_start3A_46, %dma_start3A_47] : memref<40x128xi32, #tpu.memory_space<vmem>> -> memref<1x128xi32, #tpu.memory_space<vmem>>
    %dma_start3A_49 = tpu.memref_squeeze %dma_start3A_48 : memref<1x128xi32, #tpu.memory_space<vmem>> -> memref<128xi32, #tpu.memory_space<vmem>>
    %dma_start3A_50 = arith.constant 0 : i32
    %dma_start3A_51 = arith.constant 0 : i32
    %dma_start3A_52 = tpu.memref_slice %arg2[%dma_start3A_50, %dma_start3A_51] : memref<10240x128xf32, #tpu.memory_space<hbm>> -> memref<10240x128xf32, #tpu.memory_space<hbm>>
    tpu.enqueue_indirect_dma source(%dma_start3A_52 : memref<10240x128xf32, #tpu.memory_space<hbm>>) target(%arg9 : memref<128x128xf32, #tpu.memory_space<vmem>>) offsets(%dma_start3A_49 : memref<128xi32, #tpu.memory_space<vmem>>) semaphore(%arg12 : memref<!tpu.dma_semaphore, #tpu.memory_space<semaphore_mem>>)
    %dma_start3A_53 = arith.constant 1 : i32
    %dma_start3A_54 = arith.constant 0 : i32
    %dma_start3A_55 = tpu.memref_slice %arg7[%dma_start3A_53, %dma_start3A_54] : memref<40x128xi32, #tpu.memory_space<vmem>> -> memref<1x128xi32, #tpu.memory_space<vmem>>
    %dma_start3A_56 = tpu.memref_squeeze %dma_start3A_55 : memref<1x128xi32, #tpu.memory_space<vmem>> -> memref<128xi32, #tpu.memory_space<vmem>>
    %dma_start3A_57 = arith.constant 0 : i32
    %dma_start3A_58 = arith.constant 0 : i32
    %dma_start3A_59 = tpu.memref_slice %arg2[%dma_start3A_57, %dma_start3A_58] : memref<10240x128xf32, #tpu.memory_space<hbm>> -> memref<10240x128xf32, #tpu.memory_space<hbm>>
    tpu.enqueue_indirect_dma source(%dma_start3A_59 : memref<10240x128xf32, #tpu.memory_space<hbm>>) target(%arg10 : memref<128x128xf32, #tpu.memory_space<vmem>>) offsets(%dma_start3A_56 : memref<128xi32, #tpu.memory_space<vmem>>) semaphore(%arg13 : memref<!tpu.dma_semaphore, #tpu.memory_space<semaphore_mem>>)
    %scan3A_60 = arith.constant 0 : i32
    %scan3A_61 = arith.constant 20 : i32
    %scan3A_62 = arith.addi %scan3A_60, %scan3A_61 : i32
    %scan3A_63 = arith.constant 1 : i32
    scf.for %scan3A_68 = %scan3A_60 to %scan3A_62 step %scan3A_63  : i32 {
      %mul3A_69 = arith.constant 2 : i32
      %mul3A_70 = arith.muli %mul3A_69, %scan3A_68 : i32
      %add3A_71 = arith.constant 0 : i32
      %add3A_72 = arith.addi %mul3A_70, %add3A_71 : i32
      %dma_wait3A = arith.constant 0 : i32
      %dma_wait3A_73 = tpu.memref_slice %arg7[%add3A_72, %dma_wait3A] : memref<40x128xi32, #tpu.memory_space<vmem>> -> memref<1x128xi32, #tpu.memory_space<vmem>>
      %dma_wait3A_74 = tpu.memref_squeeze %dma_wait3A_73 : memref<1x128xi32, #tpu.memory_space<vmem>> -> memref<128xi32, #tpu.memory_space<vmem>>
      %dma_wait3A_75 = arith.constant 0 : i32
      %dma_wait3A_76 = arith.constant 0 : i32
      %dma_wait3A_77 = tpu.memref_slice %arg2[%dma_wait3A_75, %dma_wait3A_76] : memref<10240x128xf32, #tpu.memory_space<hbm>> -> memref<10240x128xf32, #tpu.memory_space<hbm>>
      tpu.wait_indirect_dma semaphore(%arg12 : memref<!tpu.dma_semaphore, #tpu.memory_space<semaphore_mem>>) src(%dma_wait3A_77 : memref<10240x128xf32, #tpu.memory_space<hbm>>) dst(%arg9 : memref<128x128xf32, #tpu.memory_space<vmem>>)
      "tpu.region"() ({
        %run_scoped3A = tpu.sem_alloc : memref<!tpu.dma_semaphore, #tpu.memory_space<semaphore_mem>>
        %dma_start3A_99 = arith.constant 0 : i32
        %dma_start3A_100 = tpu.memref_slice %arg8[%add3A_72, %dma_start3A_99] : memref<40x128xi32, #tpu.memory_space<vmem>> -> memref<1x128xi32, #tpu.memory_space<vmem>>
        %dma_start3A_101 = tpu.memref_squeeze %dma_start3A_100 : memref<1x128xi32, #tpu.memory_space<vmem>> -> memref<128xi32, #tpu.memory_space<vmem>>
        %dma_start3A_102 = arith.constant 0 : i32
        %dma_start3A_103 = arith.constant 0 : i32
        %dma_start3A_104 = tpu.memref_slice %arg11[%dma_start3A_102, %dma_start3A_103] : memref<10240x128xf32, #tpu.memory_space<vmem_shared>> -> memref<10240x128xf32, #tpu.memory_space<vmem_shared>>
        tpu.enqueue_indirect_dma source(%arg9 : memref<128x128xf32, #tpu.memory_space<vmem>>) target(%dma_start3A_104 : memref<10240x128xf32, #tpu.memory_space<vmem_shared>>) offsets(%dma_start3A_101 : memref<128xi32, #tpu.memory_space<vmem>>) semaphore(%run_scoped3A : memref<!tpu.dma_semaphore, #tpu.memory_space<semaphore_mem>>) {add = true}
        %dma_wait3A_105 = arith.constant 0 : i32
        %dma_wait3A_106 = tpu.memref_slice %arg8[%add3A_72, %dma_wait3A_105] : memref<40x128xi32, #tpu.memory_space<vmem>> -> memref<1x128xi32, #tpu.memory_space<vmem>>
        %dma_wait3A_107 = tpu.memref_squeeze %dma_wait3A_106 : memref<1x128xi32, #tpu.memory_space<vmem>> -> memref<128xi32, #tpu.memory_space<vmem>>
        %dma_wait3A_108 = arith.constant 0 : i32
        %dma_wait3A_109 = arith.constant 0 : i32
        %dma_wait3A_110 = tpu.memref_slice %arg11[%dma_wait3A_108, %dma_wait3A_109] : memref<10240x128xf32, #tpu.memory_space<vmem_shared>> -> memref<10240x128xf32, #tpu.memory_space<vmem_shared>>
        tpu.wait_indirect_dma semaphore(%run_scoped3A : memref<!tpu.dma_semaphore, #tpu.memory_space<semaphore_mem>>) src(%arg9 : memref<128x128xf32, #tpu.memory_space<vmem>>) dst(%dma_wait3A_110 : memref<10240x128xf32, #tpu.memory_space<vmem_shared>>)
        tpu.yield
      }) : () -> ()
      %add3A_78 = arith.constant 2 : i32
      %add3A_79 = arith.addi %add3A_72, %add3A_78 : i32
      %lt3A = arith.constant 40 : i32
      %lt3A_80 = arith.cmpi slt, %add3A_79, %lt3A : i32
      %convert_element_type3A = arith.extui %lt3A_80 : i1 to i32
      %cond3A = arith.constant 0 : i32
      %cond3A_81 = arith.cmpi ne, %convert_element_type3A, %cond3A : i32
      scf.if %cond3A_81 {
        %add3A_99 = arith.constant 2 : i32
        %add3A_100 = arith.addi %add3A_72, %add3A_99 : i32
        %dma_start3A_101 = arith.constant 0 : i32
        %dma_start3A_102 = tpu.memref_slice %arg7[%add3A_100, %dma_start3A_101] : memref<40x128xi32, #tpu.memory_space<vmem>> -> memref<1x128xi32, #tpu.memory_space<vmem>>
        %dma_start3A_103 = tpu.memref_squeeze %dma_start3A_102 : memref<1x128xi32, #tpu.memory_space<vmem>> -> memref<128xi32, #tpu.memory_space<vmem>>
        %dma_start3A_104 = arith.constant 0 : i32
        %dma_start3A_105 = arith.constant 0 : i32
        %dma_start3A_106 = tpu.memref_slice %arg2[%dma_start3A_104, %dma_start3A_105] : memref<10240x128xf32, #tpu.memory_space<hbm>> -> memref<10240x128xf32, #tpu.memory_space<hbm>>
        tpu.enqueue_indirect_dma source(%dma_start3A_106 : memref<10240x128xf32, #tpu.memory_space<hbm>>) target(%arg9 : memref<128x128xf32, #tpu.memory_space<vmem>>) offsets(%dma_start3A_103 : memref<128xi32, #tpu.memory_space<vmem>>) semaphore(%arg12 : memref<!tpu.dma_semaphore, #tpu.memory_space<semaphore_mem>>)
      } else {
      }
      %mul3A_82 = arith.constant 2 : i32
      %mul3A_83 = arith.muli %mul3A_82, %scan3A_68 : i32
      %add3A_84 = arith.constant 1 : i32
      %add3A_85 = arith.addi %mul3A_83, %add3A_84 : i32
      %dma_wait3A_86 = arith.constant 0 : i32
      %dma_wait3A_87 = tpu.memref_slice %arg7[%add3A_85, %dma_wait3A_86] : memref<40x128xi32, #tpu.memory_space<vmem>> -> memref<1x128xi32, #tpu.memory_space<vmem>>
      %dma_wait3A_88 = tpu.memref_squeeze %dma_wait3A_87 : memref<1x128xi32, #tpu.memory_space<vmem>> -> memref<128xi32, #tpu.memory_space<vmem>>
      %dma_wait3A_89 = arith.constant 0 : i32
      %dma_wait3A_90 = arith.constant 0 : i32
      %dma_wait3A_91 = tpu.memref_slice %arg2[%dma_wait3A_89, %dma_wait3A_90] : memref<10240x128xf32, #tpu.memory_space<hbm>> -> memref<10240x128xf32, #tpu.memory_space<hbm>>
      tpu.wait_indirect_dma semaphore(%arg13 : memref<!tpu.dma_semaphore, #tpu.memory_space<semaphore_mem>>) src(%dma_wait3A_91 : memref<10240x128xf32, #tpu.memory_space<hbm>>) dst(%arg10 : memref<128x128xf32, #tpu.memory_space<vmem>>)
      "tpu.region"() ({
        %run_scoped3A = tpu.sem_alloc : memref<!tpu.dma_semaphore, #tpu.memory_space<semaphore_mem>>
        %dma_start3A_99 = arith.constant 0 : i32
        %dma_start3A_100 = tpu.memref_slice %arg8[%add3A_85, %dma_start3A_99] : memref<40x128xi32, #tpu.memory_space<vmem>> -> memref<1x128xi32, #tpu.memory_space<vmem>>
        %dma_start3A_101 = tpu.memref_squeeze %dma_start3A_100 : memref<1x128xi32, #tpu.memory_space<vmem>> -> memref<128xi32, #tpu.memory_space<vmem>>
        %dma_start3A_102 = arith.constant 0 : i32
        %dma_start3A_103 = arith.constant 0 : i32
        %dma_start3A_104 = tpu.memref_slice %arg11[%dma_start3A_102, %dma_start3A_103] : memref<10240x128xf32, #tpu.memory_space<vmem_shared>> -> memref<10240x128xf32, #tpu.memory_space<vmem_shared>>
        tpu.enqueue_indirect_dma source(%arg10 : memref<128x128xf32, #tpu.memory_space<vmem>>) target(%dma_start3A_104 : memref<10240x128xf32, #tpu.memory_space<vmem_shared>>) offsets(%dma_start3A_101 : memref<128xi32, #tpu.memory_space<vmem>>) semaphore(%run_scoped3A : memref<!tpu.dma_semaphore, #tpu.memory_space<semaphore_mem>>) {add = true}
        %dma_wait3A_105 = arith.constant 0 : i32
        %dma_wait3A_106 = tpu.memref_slice %arg8[%add3A_85, %dma_wait3A_105] : memref<40x128xi32, #tpu.memory_space<vmem>> -> memref<1x128xi32, #tpu.memory_space<vmem>>
        %dma_wait3A_107 = tpu.memref_squeeze %dma_wait3A_106 : memref<1x128xi32, #tpu.memory_space<vmem>> -> memref<128xi32, #tpu.memory_space<vmem>>
        %dma_wait3A_108 = arith.constant 0 : i32
        %dma_wait3A_109 = arith.constant 0 : i32
        %dma_wait3A_110 = tpu.memref_slice %arg11[%dma_wait3A_108, %dma_wait3A_109] : memref<10240x128xf32, #tpu.memory_space<vmem_shared>> -> memref<10240x128xf32, #tpu.memory_space<vmem_shared>>
        tpu.wait_indirect_dma semaphore(%run_scoped3A : memref<!tpu.dma_semaphore, #tpu.memory_space<semaphore_mem>>) src(%arg10 : memref<128x128xf32, #tpu.memory_space<vmem>>) dst(%dma_wait3A_110 : memref<10240x128xf32, #tpu.memory_space<vmem_shared>>)
        tpu.yield
      }) : () -> ()
      %add3A_92 = arith.constant 2 : i32
      %add3A_93 = arith.addi %add3A_85, %add3A_92 : i32
      %lt3A_94 = arith.constant 40 : i32
      %lt3A_95 = arith.cmpi slt, %add3A_93, %lt3A_94 : i32
      %convert_element_type3A_96 = arith.extui %lt3A_95 : i1 to i32
      %cond3A_97 = arith.constant 0 : i32
      %cond3A_98 = arith.cmpi ne, %convert_element_type3A_96, %cond3A_97 : i32
      scf.if %cond3A_98 {
        %add3A_99 = arith.constant 2 : i32
        %add3A_100 = arith.addi %add3A_85, %add3A_99 : i32
        %dma_start3A_101 = arith.constant 0 : i32
        %dma_start3A_102 = tpu.memref_slice %arg7[%add3A_100, %dma_start3A_101] : memref<40x128xi32, #tpu.memory_space<vmem>> -> memref<1x128xi32, #tpu.memory_space<vmem>>
        %dma_start3A_103 = tpu.memref_squeeze %dma_start3A_102 : memref<1x128xi32, #tpu.memory_space<vmem>> -> memref<128xi32, #tpu.memory_space<vmem>>
        %dma_start3A_104 = arith.constant 0 : i32
        %dma_start3A_105 = arith.constant 0 : i32
        %dma_start3A_106 = tpu.memref_slice %arg2[%dma_start3A_104, %dma_start3A_105] : memref<10240x128xf32, #tpu.memory_space<hbm>> -> memref<10240x128xf32, #tpu.memory_space<hbm>>
        tpu.enqueue_indirect_dma source(%dma_start3A_106 : memref<10240x128xf32, #tpu.memory_space<hbm>>) target(%arg10 : memref<128x128xf32, #tpu.memory_space<vmem>>) offsets(%dma_start3A_103 : memref<128xi32, #tpu.memory_space<vmem>>) semaphore(%arg13 : memref<!tpu.dma_semaphore, #tpu.memory_space<semaphore_mem>>)
      } else {
      }
    }
    %scan3A_64 = arith.constant 20 : i32
    %barrier3A_65 = arith.constant 0 : index
    tpu.barrier barrier_id(%barrier3A_65)
    %mul3A_66 = arith.constant 640 : i32
    %mul3A_67 = arith.muli %arg1, %mul3A_66 : i32
    "tpu.region"() ({
      %run_scoped3A = tpu.sem_alloc : memref<!tpu.dma_semaphore, #tpu.memory_space<semaphore_mem>>
      %dma_start3A_68 = arith.constant 0 : i32
      %dma_start3A_69 = tpu.memref_slice %arg6[%arg0, %mul3A_67, %dma_start3A_68] : memref<2x10240x128xf32, #tpu.memory_space<hbm>> -> memref<1x640x128xf32, #tpu.memory_space<hbm>>
      %dma_start3A_70 = tpu.memref_squeeze %dma_start3A_69 : memref<1x640x128xf32, #tpu.memory_space<hbm>> -> memref<640x128xf32, #tpu.memory_space<hbm>>
      %dma_start3A_71 = arith.constant 0 : i32
      %dma_start3A_72 = tpu.memref_slice %arg11[%mul3A_67, %dma_start3A_71] : memref<10240x128xf32, #tpu.memory_space<vmem_shared>> -> memref<640x128xf32, #tpu.memory_space<vmem_shared>>
      tpu.enqueue_dma source(%dma_start3A_72 : memref<640x128xf32, #tpu.memory_space<vmem_shared>>) target(%dma_start3A_70 : memref<640x128xf32, #tpu.memory_space<hbm>>) target_semaphore(%run_scoped3A : memref<!tpu.dma_semaphore, #tpu.memory_space<semaphore_mem>>)
      %dma_wait3A = arith.constant 0 : i32
      %dma_wait3A_73 = tpu.memref_slice %arg6[%arg0, %mul3A_67, %dma_wait3A] : memref<2x10240x128xf32, #tpu.memory_space<hbm>> -> memref<1x640x128xf32, #tpu.memory_space<hbm>>
      %dma_wait3A_74 = tpu.memref_squeeze %dma_wait3A_73 : memref<1x640x128xf32, #tpu.memory_space<hbm>> -> memref<640x128xf32, #tpu.memory_space<hbm>>
      %dma_wait3A_75 = arith.constant 0 : i32
      %dma_wait3A_76 = tpu.memref_slice %arg11[%mul3A_67, %dma_wait3A_75] : memref<10240x128xf32, #tpu.memory_space<vmem_shared>> -> memref<640x128xf32, #tpu.memory_space<vmem_shared>>
      tpu.wait_dma2 semaphore(%run_scoped3A : memref<!tpu.dma_semaphore, #tpu.memory_space<semaphore_mem>>) src(%dma_wait3A_76 : memref<640x128xf32, #tpu.memory_space<vmem_shared>>) dst(%dma_wait3A_74 : memref<640x128xf32, #tpu.memory_space<hbm>>)
      tpu.yield
    }) : () -> ()
    return
  }
}

#map = affine_map<(d0, d1) -> (0, 0)>
#map1 = affine_map<(d0, d1) -> (0, 0, 0)>
module attributes {stable_mosaic.version = 14 : i64} {
  func.func @_scatter_kernel(%arg0: i32, %arg1: i32, %arg2: memref<10240x128xf32, #tpu.memory_space<hbm>>, %arg3: memref<2560x128xi32, #tpu.memory_space<hbm>>, %arg4: memref<2560x128xi32, #tpu.memory_space<hbm>>, %arg5: memref<128x128xf32, #tpu.memory_space<hbm>>, %arg6: memref<2x10240x128xf32, #tpu.memory_space<hbm>>, %arg7: memref<40x128xi32, #tpu.memory_space<vmem>>, %arg8: memref<40x128xi32, #tpu.memory_space<vmem>>, %arg9: memref<128x128xf32, #tpu.memory_space<vmem>>, %arg10: memref<128x128xf32, #tpu.memory_space<vmem>>, %arg11: memref<10240x128xf32, #tpu.memory_space<vmem_shared>>, %arg12: memref<!tpu.dma_semaphore, #tpu.memory_space<semaphore_mem>>, %arg13: memref<!tpu.dma_semaphore, #tpu.memory_space<semaphore_mem>>) attributes {dimension_semantics = [#tpu.dimension_semantics<core_parallel>, #tpu.dimension_semantics<subcore_parallel>], iteration_bounds = array<i64: 2, 16>, scalar_prefetch = 0 : i64, scratch_operands = 7 : i64, tpu.core_type = #tpu.core_type<sc_vector_subcore>, window_params = [{transform_indices = #map}, {transform_indices = #map}, {transform_indices = #map}, {transform_indices = #map}, {transform_indices = #map1}]} {
    %mul3A = arith.constant 2 : i32
    %mul3A_0 = arith.muli %arg1, %mul3A : i32
    %add3A = arith.addi %mul3A_0, %arg0 : i32
    %mul3A_1 = arith.constant 640 : i32
    %mul3A_2 = arith.muli %arg1, %mul3A_1 : i32
    %add3A_3 = arith.constant 0 : i32
    %add3A_4 = arith.addi %mul3A_2, %add3A_3 : i32
    "tpu.region"() ({
      %run_scoped3A = tpu.sem_alloc : memref<!tpu.dma_semaphore, #tpu.memory_space<semaphore_mem>>
      %dma_start3A_68 = arith.constant 0 : i32
      %dma_start3A_69 = tpu.memref_slice %arg11[%add3A_4, %dma_start3A_68] : memref<10240x128xf32, #tpu.memory_space<vmem_shared>> -> memref<128x128xf32, #tpu.memory_space<vmem_shared>>
      tpu.enqueue_dma source(%arg5 : memref<128x128xf32, #tpu.memory_space<hbm>>) target(%dma_start3A_69 : memref<128x128xf32, #tpu.memory_space<vmem_shared>>) target_semaphore(%run_scoped3A : memref<!tpu.dma_semaphore, #tpu.memory_space<semaphore_mem>>)
      %dma_wait3A = arith.constant 0 : i32
      %dma_wait3A_70 = tpu.memref_slice %arg11[%add3A_4, %dma_wait3A] : memref<10240x128xf32, #tpu.memory_space<vmem_shared>> -> memref<128x128xf32, #tpu.memory_space<vmem_shared>>
      tpu.wait_dma2 semaphore(%run_scoped3A : memref<!tpu.dma_semaphore, #tpu.memory_space<semaphore_mem>>) src(%arg5 : memref<128x128xf32, #tpu.memory_space<hbm>>) dst(%dma_wait3A_70 : memref<128x128xf32, #tpu.memory_space<vmem_shared>>)
      tpu.yield
    }) : () -> ()
    %mul3A_5 = arith.constant 640 : i32
    %mul3A_6 = arith.muli %arg1, %mul3A_5 : i32
    %add3A_7 = arith.constant 128 : i32
    %add3A_8 = arith.addi %mul3A_6, %add3A_7 : i32
    "tpu.region"() ({
      %run_scoped3A = tpu.sem_alloc : memref<!tpu.dma_semaphore, #tpu.memory_space<semaphore_mem>>
      %dma_start3A_68 = arith.constant 0 : i32
      %dma_start3A_69 = tpu.memref_slice %arg11[%add3A_8, %dma_start3A_68] : memref<10240x128xf32, #tpu.memory_space<vmem_shared>> -> memref<128x128xf32, #tpu.memory_space<vmem_shared>>
      tpu.enqueue_dma source(%arg5 : memref<128x128xf32, #tpu.memory_space<hbm>>) target(%dma_start3A_69 : memref<128x128xf32, #tpu.memory_space<vmem_shared>>) target_semaphore(%run_scoped3A : memref<!tpu.dma_semaphore, #tpu.memory_space<semaphore_mem>>)
      %dma_wait3A = arith.constant 0 : i32
      %dma_wait3A_70 = tpu.memref_slice %arg11[%add3A_8, %dma_wait3A] : memref<10240x128xf32, #tpu.memory_space<vmem_shared>> -> memref<128x128xf32, #tpu.memory_space<vmem_shared>>
      tpu.wait_dma2 semaphore(%run_scoped3A : memref<!tpu.dma_semaphore, #tpu.memory_space<semaphore_mem>>) src(%arg5 : memref<128x128xf32, #tpu.memory_space<hbm>>) dst(%dma_wait3A_70 : memref<128x128xf32, #tpu.memory_space<vmem_shared>>)
      tpu.yield
    }) : () -> ()
    %mul3A_9 = arith.constant 640 : i32
    %mul3A_10 = arith.muli %arg1, %mul3A_9 : i32
    %add3A_11 = arith.constant 256 : i32
    %add3A_12 = arith.addi %mul3A_10, %add3A_11 : i32
    "tpu.region"() ({
      %run_scoped3A = tpu.sem_alloc : memref<!tpu.dma_semaphore, #tpu.memory_space<semaphore_mem>>
      %dma_start3A_68 = arith.constant 0 : i32
      %dma_start3A_69 = tpu.memref_slice %arg11[%add3A_12, %dma_start3A_68] : memref<10240x128xf32, #tpu.memory_space<vmem_shared>> -> memref<128x128xf32, #tpu.memory_space<vmem_shared>>
      tpu.enqueue_dma source(%arg5 : memref<128x128xf32, #tpu.memory_space<hbm>>) target(%dma_start3A_69 : memref<128x128xf32, #tpu.memory_space<vmem_shared>>) target_semaphore(%run_scoped3A : memref<!tpu.dma_semaphore, #tpu.memory_space<semaphore_mem>>)
      %dma_wait3A = arith.constant 0 : i32
      %dma_wait3A_70 = tpu.memref_slice %arg11[%add3A_12, %dma_wait3A] : memref<10240x128xf32, #tpu.memory_space<vmem_shared>> -> memref<128x128xf32, #tpu.memory_space<vmem_shared>>
      tpu.wait_dma2 semaphore(%run_scoped3A : memref<!tpu.dma_semaphore, #tpu.memory_space<semaphore_mem>>) src(%arg5 : memref<128x128xf32, #tpu.memory_space<hbm>>) dst(%dma_wait3A_70 : memref<128x128xf32, #tpu.memory_space<vmem_shared>>)
      tpu.yield
    }) : () -> ()
    %mul3A_13 = arith.constant 640 : i32
    %mul3A_14 = arith.muli %arg1, %mul3A_13 : i32
    %add3A_15 = arith.constant 384 : i32
    %add3A_16 = arith.addi %mul3A_14, %add3A_15 : i32
    "tpu.region"() ({
      %run_scoped3A = tpu.sem_alloc : memref<!tpu.dma_semaphore, #tpu.memory_space<semaphore_mem>>
      %dma_start3A_68 = arith.constant 0 : i32
      %dma_start3A_69 = tpu.memref_slice %arg11[%add3A_16, %dma_start3A_68] : memref<10240x128xf32, #tpu.memory_space<vmem_shared>> -> memref<128x128xf32, #tpu.memory_space<vmem_shared>>
      tpu.enqueue_dma source(%arg5 : memref<128x128xf32, #tpu.memory_space<hbm>>) target(%dma_start3A_69 : memref<128x128xf32, #tpu.memory_space<vmem_shared>>) target_semaphore(%run_scoped3A : memref<!tpu.dma_semaphore, #tpu.memory_space<semaphore_mem>>)
      %dma_wait3A = arith.constant 0 : i32
      %dma_wait3A_70 = tpu.memref_slice %arg11[%add3A_16, %dma_wait3A] : memref<10240x128xf32, #tpu.memory_space<vmem_shared>> -> memref<128x128xf32, #tpu.memory_space<vmem_shared>>
      tpu.wait_dma2 semaphore(%run_scoped3A : memref<!tpu.dma_semaphore, #tpu.memory_space<semaphore_mem>>) src(%arg5 : memref<128x128xf32, #tpu.memory_space<hbm>>) dst(%dma_wait3A_70 : memref<128x128xf32, #tpu.memory_space<vmem_shared>>)
      tpu.yield
    }) : () -> ()
    %mul3A_17 = arith.constant 640 : i32
    %mul3A_18 = arith.muli %arg1, %mul3A_17 : i32
    %add3A_19 = arith.constant 512 : i32
    %add3A_20 = arith.addi %mul3A_18, %add3A_19 : i32
    "tpu.region"() ({
      %run_scoped3A = tpu.sem_alloc : memref<!tpu.dma_semaphore, #tpu.memory_space<semaphore_mem>>
      %dma_start3A_68 = arith.constant 0 : i32
      %dma_start3A_69 = tpu.memref_slice %arg11[%add3A_20, %dma_start3A_68] : memref<10240x128xf32, #tpu.memory_space<vmem_shared>> -> memref<128x128xf32, #tpu.memory_space<vmem_shared>>
      tpu.enqueue_dma source(%arg5 : memref<128x128xf32, #tpu.memory_space<hbm>>) target(%dma_start3A_69 : memref<128x128xf32, #tpu.memory_space<vmem_shared>>) target_semaphore(%run_scoped3A : memref<!tpu.dma_semaphore, #tpu.memory_space<semaphore_mem>>)
      %dma_wait3A = arith.constant 0 : i32
      %dma_wait3A_70 = tpu.memref_slice %arg11[%add3A_20, %dma_wait3A] : memref<10240x128xf32, #tpu.memory_space<vmem_shared>> -> memref<128x128xf32, #tpu.memory_space<vmem_shared>>
      tpu.wait_dma2 semaphore(%run_scoped3A : memref<!tpu.dma_semaphore, #tpu.memory_space<semaphore_mem>>) src(%arg5 : memref<128x128xf32, #tpu.memory_space<hbm>>) dst(%dma_wait3A_70 : memref<128x128xf32, #tpu.memory_space<vmem_shared>>)
      tpu.yield
    }) : () -> ()
    %barrier3A = arith.constant 0 : index
    tpu.barrier barrier_id(%barrier3A)
    %mul3A_21 = arith.constant 80 : i32
    %mul3A_22 = arith.muli %add3A, %mul3A_21 : i32
    %add3A_23 = arith.constant 0 : i32
    %add3A_24 = arith.addi %mul3A_22, %add3A_23 : i32
    "tpu.region"() ({
      %run_scoped3A = tpu.sem_alloc : memref<!tpu.dma_semaphore, #tpu.memory_space<semaphore_mem>>
      %dma_start3A_68 = arith.constant 0 : i32
      %dma_start3A_69 = tpu.memref_slice %arg3[%add3A_24, %dma_start3A_68] : memref<2560x128xi32, #tpu.memory_space<hbm>> -> memref<40x128xi32, #tpu.memory_space<hbm>>
      %dma_start3A_70 = arith.constant 0 : i32
      %dma_start3A_71 = tpu.memref_slice %arg3[%add3A_24, %dma_start3A_70] : memref<2560x128xi32, #tpu.memory_space<hbm>> -> memref<40x128xi32, #tpu.memory_space<hbm>>
      tpu.enqueue_dma source(%dma_start3A_71 : memref<40x128xi32, #tpu.memory_space<hbm>>) target(%arg7 : memref<40x128xi32, #tpu.memory_space<vmem>>) target_semaphore(%run_scoped3A : memref<!tpu.dma_semaphore, #tpu.memory_space<semaphore_mem>>)
      %dma_wait3A = arith.constant 0 : i32
      %dma_wait3A_72 = tpu.memref_slice %arg3[%add3A_24, %dma_wait3A] : memref<2560x128xi32, #tpu.memory_space<hbm>> -> memref<40x128xi32, #tpu.memory_space<hbm>>
      %dma_wait3A_73 = arith.constant 0 : i32
      %dma_wait3A_74 = tpu.memref_slice %arg3[%add3A_24, %dma_wait3A_73] : memref<2560x128xi32, #tpu.memory_space<hbm>> -> memref<40x128xi32, #tpu.memory_space<hbm>>
      tpu.wait_dma2 semaphore(%run_scoped3A : memref<!tpu.dma_semaphore, #tpu.memory_space<semaphore_mem>>) src(%dma_wait3A_74 : memref<40x128xi32, #tpu.memory_space<hbm>>) dst(%arg7 : memref<40x128xi32, #tpu.memory_space<vmem>>)
      tpu.yield
    }) : () -> ()
    "tpu.region"() ({
      %run_scoped3A = tpu.sem_alloc : memref<!tpu.dma_semaphore, #tpu.memory_space<semaphore_mem>>
      %dma_start3A_68 = arith.constant 0 : i32
      %dma_start3A_69 = tpu.memref_slice %arg4[%add3A_24, %dma_start3A_68] : memref<2560x128xi32, #tpu.memory_space<hbm>> -> memref<40x128xi32, #tpu.memory_space<hbm>>
      %dma_start3A_70 = arith.constant 0 : i32
      %dma_start3A_71 = tpu.memref_slice %arg4[%add3A_24, %dma_start3A_70] : memref<2560x128xi32, #tpu.memory_space<hbm>> -> memref<40x128xi32, #tpu.memory_space<hbm>>
      tpu.enqueue_dma source(%dma_start3A_71 : memref<40x128xi32, #tpu.memory_space<hbm>>) target(%arg8 : memref<40x128xi32, #tpu.memory_space<vmem>>) target_semaphore(%run_scoped3A : memref<!tpu.dma_semaphore, #tpu.memory_space<semaphore_mem>>)
      %dma_wait3A = arith.constant 0 : i32
      %dma_wait3A_72 = tpu.memref_slice %arg4[%add3A_24, %dma_wait3A] : memref<2560x128xi32, #tpu.memory_space<hbm>> -> memref<40x128xi32, #tpu.memory_space<hbm>>
      %dma_wait3A_73 = arith.constant 0 : i32
      %dma_wait3A_74 = tpu.memref_slice %arg4[%add3A_24, %dma_wait3A_73] : memref<2560x128xi32, #tpu.memory_space<hbm>> -> memref<40x128xi32, #tpu.memory_space<hbm>>
      tpu.wait_dma2 semaphore(%run_scoped3A : memref<!tpu.dma_semaphore, #tpu.memory_space<semaphore_mem>>) src(%dma_wait3A_74 : memref<40x128xi32, #tpu.memory_space<hbm>>) dst(%arg8 : memref<40x128xi32, #tpu.memory_space<vmem>>)
      tpu.yield
    }) : () -> ()
    %dma_start3A = arith.constant 0 : i32
    %dma_start3A_25 = arith.constant 0 : i32
    %dma_start3A_26 = tpu.memref_slice %arg7[%dma_start3A, %dma_start3A_25] : memref<40x128xi32, #tpu.memory_space<vmem>> -> memref<1x128xi32, #tpu.memory_space<vmem>>
    %dma_start3A_27 = tpu.memref_squeeze %dma_start3A_26 : memref<1x128xi32, #tpu.memory_space<vmem>> -> memref<128xi32, #tpu.memory_space<vmem>>
    %dma_start3A_28 = arith.constant 0 : i32
    %dma_start3A_29 = arith.constant 0 : i32
    %dma_start3A_30 = tpu.memref_slice %arg2[%dma_start3A_28, %dma_start3A_29] : memref<10240x128xf32, #tpu.memory_space<hbm>> -> memref<10240x128xf32, #tpu.memory_space<hbm>>
    tpu.enqueue_indirect_dma source(%dma_start3A_30 : memref<10240x128xf32, #tpu.memory_space<hbm>>) target(%arg9 : memref<128x128xf32, #tpu.memory_space<vmem>>) offsets(%dma_start3A_27 : memref<128xi32, #tpu.memory_space<vmem>>) semaphore(%arg12 : memref<!tpu.dma_semaphore, #tpu.memory_space<semaphore_mem>>)
    %dma_start3A_31 = arith.constant 1 : i32
    %dma_start3A_32 = arith.constant 0 : i32
    %dma_start3A_33 = tpu.memref_slice %arg7[%dma_start3A_31, %dma_start3A_32] : memref<40x128xi32, #tpu.memory_space<vmem>> -> memref<1x128xi32, #tpu.memory_space<vmem>>
    %dma_start3A_34 = tpu.memref_squeeze %dma_start3A_33 : memref<1x128xi32, #tpu.memory_space<vmem>> -> memref<128xi32, #tpu.memory_space<vmem>>
    %dma_start3A_35 = arith.constant 0 : i32
    %dma_start3A_36 = arith.constant 0 : i32
    %dma_start3A_37 = tpu.memref_slice %arg2[%dma_start3A_35, %dma_start3A_36] : memref<10240x128xf32, #tpu.memory_space<hbm>> -> memref<10240x128xf32, #tpu.memory_space<hbm>>
    tpu.enqueue_indirect_dma source(%dma_start3A_37 : memref<10240x128xf32, #tpu.memory_space<hbm>>) target(%arg10 : memref<128x128xf32, #tpu.memory_space<vmem>>) offsets(%dma_start3A_34 : memref<128xi32, #tpu.memory_space<vmem>>) semaphore(%arg13 : memref<!tpu.dma_semaphore, #tpu.memory_space<semaphore_mem>>)
    %scan3A = arith.constant 0 : i32
    %scan3A_38 = arith.constant 20 : i32
    %scan3A_39 = arith.addi %scan3A, %scan3A_38 : i32
    %scan3A_40 = arith.constant 1 : i32
    scf.for %scan3A_68 = %scan3A to %scan3A_39 step %scan3A_40  : i32 {
      %mul3A_69 = arith.constant 2 : i32
      %mul3A_70 = arith.muli %mul3A_69, %scan3A_68 : i32
      %add3A_71 = arith.constant 0 : i32
      %add3A_72 = arith.addi %mul3A_70, %add3A_71 : i32
      %dma_wait3A = arith.constant 0 : i32
      %dma_wait3A_73 = tpu.memref_slice %arg7[%add3A_72, %dma_wait3A] : memref<40x128xi32, #tpu.memory_space<vmem>> -> memref<1x128xi32, #tpu.memory_space<vmem>>
      %dma_wait3A_74 = tpu.memref_squeeze %dma_wait3A_73 : memref<1x128xi32, #tpu.memory_space<vmem>> -> memref<128xi32, #tpu.memory_space<vmem>>
      %dma_wait3A_75 = arith.constant 0 : i32
      %dma_wait3A_76 = arith.constant 0 : i32
      %dma_wait3A_77 = tpu.memref_slice %arg2[%dma_wait3A_75, %dma_wait3A_76] : memref<10240x128xf32, #tpu.memory_space<hbm>> -> memref<10240x128xf32, #tpu.memory_space<hbm>>
      tpu.wait_indirect_dma semaphore(%arg12 : memref<!tpu.dma_semaphore, #tpu.memory_space<semaphore_mem>>) src(%dma_wait3A_77 : memref<10240x128xf32, #tpu.memory_space<hbm>>) dst(%arg9 : memref<128x128xf32, #tpu.memory_space<vmem>>)
      "tpu.region"() ({
        %run_scoped3A = tpu.sem_alloc : memref<!tpu.dma_semaphore, #tpu.memory_space<semaphore_mem>>
        %dma_start3A_99 = arith.constant 0 : i32
        %dma_start3A_100 = tpu.memref_slice %arg8[%add3A_72, %dma_start3A_99] : memref<40x128xi32, #tpu.memory_space<vmem>> -> memref<1x128xi32, #tpu.memory_space<vmem>>
        %dma_start3A_101 = tpu.memref_squeeze %dma_start3A_100 : memref<1x128xi32, #tpu.memory_space<vmem>> -> memref<128xi32, #tpu.memory_space<vmem>>
        %dma_start3A_102 = arith.constant 0 : i32
        %dma_start3A_103 = arith.constant 0 : i32
        %dma_start3A_104 = tpu.memref_slice %arg11[%dma_start3A_102, %dma_start3A_103] : memref<10240x128xf32, #tpu.memory_space<vmem_shared>> -> memref<10240x128xf32, #tpu.memory_space<vmem_shared>>
        tpu.enqueue_indirect_dma source(%arg9 : memref<128x128xf32, #tpu.memory_space<vmem>>) target(%dma_start3A_104 : memref<10240x128xf32, #tpu.memory_space<vmem_shared>>) offsets(%dma_start3A_101 : memref<128xi32, #tpu.memory_space<vmem>>) semaphore(%run_scoped3A : memref<!tpu.dma_semaphore, #tpu.memory_space<semaphore_mem>>) {add = true}
        %dma_wait3A_105 = arith.constant 0 : i32
        %dma_wait3A_106 = tpu.memref_slice %arg8[%add3A_72, %dma_wait3A_105] : memref<40x128xi32, #tpu.memory_space<vmem>> -> memref<1x128xi32, #tpu.memory_space<vmem>>
        %dma_wait3A_107 = tpu.memref_squeeze %dma_wait3A_106 : memref<1x128xi32, #tpu.memory_space<vmem>> -> memref<128xi32, #tpu.memory_space<vmem>>
        %dma_wait3A_108 = arith.constant 0 : i32
        %dma_wait3A_109 = arith.constant 0 : i32
        %dma_wait3A_110 = tpu.memref_slice %arg11[%dma_wait3A_108, %dma_wait3A_109] : memref<10240x128xf32, #tpu.memory_space<vmem_shared>> -> memref<10240x128xf32, #tpu.memory_space<vmem_shared>>
        tpu.wait_indirect_dma semaphore(%run_scoped3A : memref<!tpu.dma_semaphore, #tpu.memory_space<semaphore_mem>>) src(%arg9 : memref<128x128xf32, #tpu.memory_space<vmem>>) dst(%dma_wait3A_110 : memref<10240x128xf32, #tpu.memory_space<vmem_shared>>)
        tpu.yield
      }) : () -> ()
      %add3A_78 = arith.constant 2 : i32
      %add3A_79 = arith.addi %add3A_72, %add3A_78 : i32
      %lt3A = arith.constant 40 : i32
      %lt3A_80 = arith.cmpi slt, %add3A_79, %lt3A : i32
      %convert_element_type3A = arith.extui %lt3A_80 : i1 to i32
      %cond3A = arith.constant 0 : i32
      %cond3A_81 = arith.cmpi ne, %convert_element_type3A, %cond3A : i32
      scf.if %cond3A_81 {
        %add3A_99 = arith.constant 2 : i32
        %add3A_100 = arith.addi %add3A_72, %add3A_99 : i32
        %dma_start3A_101 = arith.constant 0 : i32
        %dma_start3A_102 = tpu.memref_slice %arg7[%add3A_100, %dma_start3A_101] : memref<40x128xi32, #tpu.memory_space<vmem>> -> memref<1x128xi32, #tpu.memory_space<vmem>>
        %dma_start3A_103 = tpu.memref_squeeze %dma_start3A_102 : memref<1x128xi32, #tpu.memory_space<vmem>> -> memref<128xi32, #tpu.memory_space<vmem>>
        %dma_start3A_104 = arith.constant 0 : i32
        %dma_start3A_105 = arith.constant 0 : i32
        %dma_start3A_106 = tpu.memref_slice %arg2[%dma_start3A_104, %dma_start3A_105] : memref<10240x128xf32, #tpu.memory_space<hbm>> -> memref<10240x128xf32, #tpu.memory_space<hbm>>
        tpu.enqueue_indirect_dma source(%dma_start3A_106 : memref<10240x128xf32, #tpu.memory_space<hbm>>) target(%arg9 : memref<128x128xf32, #tpu.memory_space<vmem>>) offsets(%dma_start3A_103 : memref<128xi32, #tpu.memory_space<vmem>>) semaphore(%arg12 : memref<!tpu.dma_semaphore, #tpu.memory_space<semaphore_mem>>)
      } else {
      }
      %mul3A_82 = arith.constant 2 : i32
      %mul3A_83 = arith.muli %mul3A_82, %scan3A_68 : i32
      %add3A_84 = arith.constant 1 : i32
      %add3A_85 = arith.addi %mul3A_83, %add3A_84 : i32
      %dma_wait3A_86 = arith.constant 0 : i32
      %dma_wait3A_87 = tpu.memref_slice %arg7[%add3A_85, %dma_wait3A_86] : memref<40x128xi32, #tpu.memory_space<vmem>> -> memref<1x128xi32, #tpu.memory_space<vmem>>
      %dma_wait3A_88 = tpu.memref_squeeze %dma_wait3A_87 : memref<1x128xi32, #tpu.memory_space<vmem>> -> memref<128xi32, #tpu.memory_space<vmem>>
      %dma_wait3A_89 = arith.constant 0 : i32
      %dma_wait3A_90 = arith.constant 0 : i32
      %dma_wait3A_91 = tpu.memref_slice %arg2[%dma_wait3A_89, %dma_wait3A_90] : memref<10240x128xf32, #tpu.memory_space<hbm>> -> memref<10240x128xf32, #tpu.memory_space<hbm>>
      tpu.wait_indirect_dma semaphore(%arg13 : memref<!tpu.dma_semaphore, #tpu.memory_space<semaphore_mem>>) src(%dma_wait3A_91 : memref<10240x128xf32, #tpu.memory_space<hbm>>) dst(%arg10 : memref<128x128xf32, #tpu.memory_space<vmem>>)
      "tpu.region"() ({
        %run_scoped3A = tpu.sem_alloc : memref<!tpu.dma_semaphore, #tpu.memory_space<semaphore_mem>>
        %dma_start3A_99 = arith.constant 0 : i32
        %dma_start3A_100 = tpu.memref_slice %arg8[%add3A_85, %dma_start3A_99] : memref<40x128xi32, #tpu.memory_space<vmem>> -> memref<1x128xi32, #tpu.memory_space<vmem>>
        %dma_start3A_101 = tpu.memref_squeeze %dma_start3A_100 : memref<1x128xi32, #tpu.memory_space<vmem>> -> memref<128xi32, #tpu.memory_space<vmem>>
        %dma_start3A_102 = arith.constant 0 : i32
        %dma_start3A_103 = arith.constant 0 : i32
        %dma_start3A_104 = tpu.memref_slice %arg11[%dma_start3A_102, %dma_start3A_103] : memref<10240x128xf32, #tpu.memory_space<vmem_shared>> -> memref<10240x128xf32, #tpu.memory_space<vmem_shared>>
        tpu.enqueue_indirect_dma source(%arg10 : memref<128x128xf32, #tpu.memory_space<vmem>>) target(%dma_start3A_104 : memref<10240x128xf32, #tpu.memory_space<vmem_shared>>) offsets(%dma_start3A_101 : memref<128xi32, #tpu.memory_space<vmem>>) semaphore(%run_scoped3A : memref<!tpu.dma_semaphore, #tpu.memory_space<semaphore_mem>>) {add = true}
        %dma_wait3A_105 = arith.constant 0 : i32
        %dma_wait3A_106 = tpu.memref_slice %arg8[%add3A_85, %dma_wait3A_105] : memref<40x128xi32, #tpu.memory_space<vmem>> -> memref<1x128xi32, #tpu.memory_space<vmem>>
        %dma_wait3A_107 = tpu.memref_squeeze %dma_wait3A_106 : memref<1x128xi32, #tpu.memory_space<vmem>> -> memref<128xi32, #tpu.memory_space<vmem>>
        %dma_wait3A_108 = arith.constant 0 : i32
        %dma_wait3A_109 = arith.constant 0 : i32
        %dma_wait3A_110 = tpu.memref_slice %arg11[%dma_wait3A_108, %dma_wait3A_109] : memref<10240x128xf32, #tpu.memory_space<vmem_shared>> -> memref<10240x128xf32, #tpu.memory_space<vmem_shared>>
        tpu.wait_indirect_dma semaphore(%run_scoped3A : memref<!tpu.dma_semaphore, #tpu.memory_space<semaphore_mem>>) src(%arg10 : memref<128x128xf32, #tpu.memory_space<vmem>>) dst(%dma_wait3A_110 : memref<10240x128xf32, #tpu.memory_space<vmem_shared>>)
        tpu.yield
      }) : () -> ()
      %add3A_92 = arith.constant 2 : i32
      %add3A_93 = arith.addi %add3A_85, %add3A_92 : i32
      %lt3A_94 = arith.constant 40 : i32
      %lt3A_95 = arith.cmpi slt, %add3A_93, %lt3A_94 : i32
      %convert_element_type3A_96 = arith.extui %lt3A_95 : i1 to i32
      %cond3A_97 = arith.constant 0 : i32
      %cond3A_98 = arith.cmpi ne, %convert_element_type3A_96, %cond3A_97 : i32
      scf.if %cond3A_98 {
        %add3A_99 = arith.constant 2 : i32
        %add3A_100 = arith.addi %add3A_85, %add3A_99 : i32
        %dma_start3A_101 = arith.constant 0 : i32
        %dma_start3A_102 = tpu.memref_slice %arg7[%add3A_100, %dma_start3A_101] : memref<40x128xi32, #tpu.memory_space<vmem>> -> memref<1x128xi32, #tpu.memory_space<vmem>>
        %dma_start3A_103 = tpu.memref_squeeze %dma_start3A_102 : memref<1x128xi32, #tpu.memory_space<vmem>> -> memref<128xi32, #tpu.memory_space<vmem>>
        %dma_start3A_104 = arith.constant 0 : i32
        %dma_start3A_105 = arith.constant 0 : i32
        %dma_start3A_106 = tpu.memref_slice %arg2[%dma_start3A_104, %dma_start3A_105] : memref<10240x128xf32, #tpu.memory_space<hbm>> -> memref<10240x128xf32, #tpu.memory_space<hbm>>
        tpu.enqueue_indirect_dma source(%dma_start3A_106 : memref<10240x128xf32, #tpu.memory_space<hbm>>) target(%arg10 : memref<128x128xf32, #tpu.memory_space<vmem>>) offsets(%dma_start3A_103 : memref<128xi32, #tpu.memory_space<vmem>>) semaphore(%arg13 : memref<!tpu.dma_semaphore, #tpu.memory_space<semaphore_mem>>)
      } else {
      }
    }
    %scan3A_41 = arith.constant 20 : i32
    %mul3A_42 = arith.constant 80 : i32
    %mul3A_43 = arith.muli %add3A, %mul3A_42 : i32
    %add3A_44 = arith.constant 40 : i32
    %add3A_45 = arith.addi %mul3A_43, %add3A_44 : i32
    "tpu.region"() ({
      %run_scoped3A = tpu.sem_alloc : memref<!tpu.dma_semaphore, #tpu.memory_space<semaphore_mem>>
      %dma_start3A_68 = arith.constant 0 : i32
      %dma_start3A_69 = tpu.memref_slice %arg3[%add3A_45, %dma_start3A_68] : memref<2560x128xi32, #tpu.memory_space<hbm>> -> memref<40x128xi32, #tpu.memory_space<hbm>>
      %dma_start3A_70 = arith.constant 0 : i32
      %dma_start3A_71 = tpu.memref_slice %arg3[%add3A_45, %dma_start3A_70] : memref<2560x128xi32, #tpu.memory_space<hbm>> -> memref<40x128xi32, #tpu.memory_space<hbm>>
      tpu.enqueue_dma source(%dma_start3A_71 : memref<40x128xi32, #tpu.memory_space<hbm>>) target(%arg7 : memref<40x128xi32, #tpu.memory_space<vmem>>) target_semaphore(%run_scoped3A : memref<!tpu.dma_semaphore, #tpu.memory_space<semaphore_mem>>)
      %dma_wait3A = arith.constant 0 : i32
      %dma_wait3A_72 = tpu.memref_slice %arg3[%add3A_45, %dma_wait3A] : memref<2560x128xi32, #tpu.memory_space<hbm>> -> memref<40x128xi32, #tpu.memory_space<hbm>>
      %dma_wait3A_73 = arith.constant 0 : i32
      %dma_wait3A_74 = tpu.memref_slice %arg3[%add3A_45, %dma_wait3A_73] : memref<2560x128xi32, #tpu.memory_space<hbm>> -> memref<40x128xi32, #tpu.memory_space<hbm>>
      tpu.wait_dma2 semaphore(%run_scoped3A : memref<!tpu.dma_semaphore, #tpu.memory_space<semaphore_mem>>) src(%dma_wait3A_74 : memref<40x128xi32, #tpu.memory_space<hbm>>) dst(%arg7 : memref<40x128xi32, #tpu.memory_space<vmem>>)
      tpu.yield
    }) : () -> ()
    "tpu.region"() ({
      %run_scoped3A = tpu.sem_alloc : memref<!tpu.dma_semaphore, #tpu.memory_space<semaphore_mem>>
      %dma_start3A_68 = arith.constant 0 : i32
      %dma_start3A_69 = tpu.memref_slice %arg4[%add3A_45, %dma_start3A_68] : memref<2560x128xi32, #tpu.memory_space<hbm>> -> memref<40x128xi32, #tpu.memory_space<hbm>>
      %dma_start3A_70 = arith.constant 0 : i32
      %dma_start3A_71 = tpu.memref_slice %arg4[%add3A_45, %dma_start3A_70] : memref<2560x128xi32, #tpu.memory_space<hbm>> -> memref<40x128xi32, #tpu.memory_space<hbm>>
      tpu.enqueue_dma source(%dma_start3A_71 : memref<40x128xi32, #tpu.memory_space<hbm>>) target(%arg8 : memref<40x128xi32, #tpu.memory_space<vmem>>) target_semaphore(%run_scoped3A : memref<!tpu.dma_semaphore, #tpu.memory_space<semaphore_mem>>)
      %dma_wait3A = arith.constant 0 : i32
      %dma_wait3A_72 = tpu.memref_slice %arg4[%add3A_45, %dma_wait3A] : memref<2560x128xi32, #tpu.memory_space<hbm>> -> memref<40x128xi32, #tpu.memory_space<hbm>>
      %dma_wait3A_73 = arith.constant 0 : i32
      %dma_wait3A_74 = tpu.memref_slice %arg4[%add3A_45, %dma_wait3A_73] : memref<2560x128xi32, #tpu.memory_space<hbm>> -> memref<40x128xi32, #tpu.memory_space<hbm>>
      tpu.wait_dma2 semaphore(%run_scoped3A : memref<!tpu.dma_semaphore, #tpu.memory_space<semaphore_mem>>) src(%dma_wait3A_74 : memref<40x128xi32, #tpu.memory_space<hbm>>) dst(%arg8 : memref<40x128xi32, #tpu.memory_space<vmem>>)
      tpu.yield
    }) : () -> ()
    %dma_start3A_46 = arith.constant 0 : i32
    %dma_start3A_47 = arith.constant 0 : i32
    %dma_start3A_48 = tpu.memref_slice %arg7[%dma_start3A_46, %dma_start3A_47] : memref<40x128xi32, #tpu.memory_space<vmem>> -> memref<1x128xi32, #tpu.memory_space<vmem>>
    %dma_start3A_49 = tpu.memref_squeeze %dma_start3A_48 : memref<1x128xi32, #tpu.memory_space<vmem>> -> memref<128xi32, #tpu.memory_space<vmem>>
    %dma_start3A_50 = arith.constant 0 : i32
    %dma_start3A_51 = arith.constant 0 : i32
    %dma_start3A_52 = tpu.memref_slice %arg2[%dma_start3A_50, %dma_start3A_51] : memref<10240x128xf32, #tpu.memory_space<hbm>> -> memref<10240x128xf32, #tpu.memory_space<hbm>>
    tpu.enqueue_indirect_dma source(%dma_start3A_52 : memref<10240x128xf32, #tpu.memory_space<hbm>>) target(%arg9 : memref<128x128xf32, #tpu.memory_space<vmem>>) offsets(%dma_start3A_49 : memref<128xi32, #tpu.memory_space<vmem>>) semaphore(%arg12 : memref<!tpu.dma_semaphore, #tpu.memory_space<semaphore_mem>>)
    %dma_start3A_53 = arith.constant 1 : i32
    %dma_start3A_54 = arith.constant 0 : i32
    %dma_start3A_55 = tpu.memref_slice %arg7[%dma_start3A_53, %dma_start3A_54] : memref<40x128xi32, #tpu.memory_space<vmem>> -> memref<1x128xi32, #tpu.memory_space<vmem>>
    %dma_start3A_56 = tpu.memref_squeeze %dma_start3A_55 : memref<1x128xi32, #tpu.memory_space<vmem>> -> memref<128xi32, #tpu.memory_space<vmem>>
    %dma_start3A_57 = arith.constant 0 : i32
    %dma_start3A_58 = arith.constant 0 : i32
    %dma_start3A_59 = tpu.memref_slice %arg2[%dma_start3A_57, %dma_start3A_58] : memref<10240x128xf32, #tpu.memory_space<hbm>> -> memref<10240x128xf32, #tpu.memory_space<hbm>>
    tpu.enqueue_indirect_dma source(%dma_start3A_59 : memref<10240x128xf32, #tpu.memory_space<hbm>>) target(%arg10 : memref<128x128xf32, #tpu.memory_space<vmem>>) offsets(%dma_start3A_56 : memref<128xi32, #tpu.memory_space<vmem>>) semaphore(%arg13 : memref<!tpu.dma_semaphore, #tpu.memory_space<semaphore_mem>>)
    %scan3A_60 = arith.constant 0 : i32
    %scan3A_61 = arith.constant 20 : i32
    %scan3A_62 = arith.addi %scan3A_60, %scan3A_61 : i32
    %scan3A_63 = arith.constant 1 : i32
    scf.for %scan3A_68 = %scan3A_60 to %scan3A_62 step %scan3A_63  : i32 {
      %mul3A_69 = arith.constant 2 : i32
      %mul3A_70 = arith.muli %mul3A_69, %scan3A_68 : i32
      %add3A_71 = arith.constant 0 : i32
      %add3A_72 = arith.addi %mul3A_70, %add3A_71 : i32
      %dma_wait3A = arith.constant 0 : i32
      %dma_wait3A_73 = tpu.memref_slice %arg7[%add3A_72, %dma_wait3A] : memref<40x128xi32, #tpu.memory_space<vmem>> -> memref<1x128xi32, #tpu.memory_space<vmem>>
      %dma_wait3A_74 = tpu.memref_squeeze %dma_wait3A_73 : memref<1x128xi32, #tpu.memory_space<vmem>> -> memref<128xi32, #tpu.memory_space<vmem>>
      %dma_wait3A_75 = arith.constant 0 : i32
      %dma_wait3A_76 = arith.constant 0 : i32
      %dma_wait3A_77 = tpu.memref_slice %arg2[%dma_wait3A_75, %dma_wait3A_76] : memref<10240x128xf32, #tpu.memory_space<hbm>> -> memref<10240x128xf32, #tpu.memory_space<hbm>>
      tpu.wait_indirect_dma semaphore(%arg12 : memref<!tpu.dma_semaphore, #tpu.memory_space<semaphore_mem>>) src(%dma_wait3A_77 : memref<10240x128xf32, #tpu.memory_space<hbm>>) dst(%arg9 : memref<128x128xf32, #tpu.memory_space<vmem>>)
      "tpu.region"() ({
        %run_scoped3A = tpu.sem_alloc : memref<!tpu.dma_semaphore, #tpu.memory_space<semaphore_mem>>
        %dma_start3A_99 = arith.constant 0 : i32
        %dma_start3A_100 = tpu.memref_slice %arg8[%add3A_72, %dma_start3A_99] : memref<40x128xi32, #tpu.memory_space<vmem>> -> memref<1x128xi32, #tpu.memory_space<vmem>>
        %dma_start3A_101 = tpu.memref_squeeze %dma_start3A_100 : memref<1x128xi32, #tpu.memory_space<vmem>> -> memref<128xi32, #tpu.memory_space<vmem>>
        %dma_start3A_102 = arith.constant 0 : i32
        %dma_start3A_103 = arith.constant 0 : i32
        %dma_start3A_104 = tpu.memref_slice %arg11[%dma_start3A_102, %dma_start3A_103] : memref<10240x128xf32, #tpu.memory_space<vmem_shared>> -> memref<10240x128xf32, #tpu.memory_space<vmem_shared>>
        tpu.enqueue_indirect_dma source(%arg9 : memref<128x128xf32, #tpu.memory_space<vmem>>) target(%dma_start3A_104 : memref<10240x128xf32, #tpu.memory_space<vmem_shared>>) offsets(%dma_start3A_101 : memref<128xi32, #tpu.memory_space<vmem>>) semaphore(%run_scoped3A : memref<!tpu.dma_semaphore, #tpu.memory_space<semaphore_mem>>) {add = true}
        %dma_wait3A_105 = arith.constant 0 : i32
        %dma_wait3A_106 = tpu.memref_slice %arg8[%add3A_72, %dma_wait3A_105] : memref<40x128xi32, #tpu.memory_space<vmem>> -> memref<1x128xi32, #tpu.memory_space<vmem>>
        %dma_wait3A_107 = tpu.memref_squeeze %dma_wait3A_106 : memref<1x128xi32, #tpu.memory_space<vmem>> -> memref<128xi32, #tpu.memory_space<vmem>>
        %dma_wait3A_108 = arith.constant 0 : i32
        %dma_wait3A_109 = arith.constant 0 : i32
        %dma_wait3A_110 = tpu.memref_slice %arg11[%dma_wait3A_108, %dma_wait3A_109] : memref<10240x128xf32, #tpu.memory_space<vmem_shared>> -> memref<10240x128xf32, #tpu.memory_space<vmem_shared>>
        tpu.wait_indirect_dma semaphore(%run_scoped3A : memref<!tpu.dma_semaphore, #tpu.memory_space<semaphore_mem>>) src(%arg9 : memref<128x128xf32, #tpu.memory_space<vmem>>) dst(%dma_wait3A_110 : memref<10240x128xf32, #tpu.memory_space<vmem_shared>>)
        tpu.yield
      }) : () -> ()
      %add3A_78 = arith.constant 2 : i32
      %add3A_79 = arith.addi %add3A_72, %add3A_78 : i32
      %lt3A = arith.constant 40 : i32
      %lt3A_80 = arith.cmpi slt, %add3A_79, %lt3A : i32
      %convert_element_type3A = arith.extui %lt3A_80 : i1 to i32
      %cond3A = arith.constant 0 : i32
      %cond3A_81 = arith.cmpi ne, %convert_element_type3A, %cond3A : i32
      scf.if %cond3A_81 {
        %add3A_99 = arith.constant 2 : i32
        %add3A_100 = arith.addi %add3A_72, %add3A_99 : i32
        %dma_start3A_101 = arith.constant 0 : i32
        %dma_start3A_102 = tpu.memref_slice %arg7[%add3A_100, %dma_start3A_101] : memref<40x128xi32, #tpu.memory_space<vmem>> -> memref<1x128xi32, #tpu.memory_space<vmem>>
        %dma_start3A_103 = tpu.memref_squeeze %dma_start3A_102 : memref<1x128xi32, #tpu.memory_space<vmem>> -> memref<128xi32, #tpu.memory_space<vmem>>
        %dma_start3A_104 = arith.constant 0 : i32
        %dma_start3A_105 = arith.constant 0 : i32
        %dma_start3A_106 = tpu.memref_slice %arg2[%dma_start3A_104, %dma_start3A_105] : memref<10240x128xf32, #tpu.memory_space<hbm>> -> memref<10240x128xf32, #tpu.memory_space<hbm>>
        tpu.enqueue_indirect_dma source(%dma_start3A_106 : memref<10240x128xf32, #tpu.memory_space<hbm>>) target(%arg9 : memref<128x128xf32, #tpu.memory_space<vmem>>) offsets(%dma_start3A_103 : memref<128xi32, #tpu.memory_space<vmem>>) semaphore(%arg12 : memref<!tpu.dma_semaphore, #tpu.memory_space<semaphore_mem>>)
      } else {
      }
      %mul3A_82 = arith.constant 2 : i32
      %mul3A_83 = arith.muli %mul3A_82, %scan3A_68 : i32
      %add3A_84 = arith.constant 1 : i32
      %add3A_85 = arith.addi %mul3A_83, %add3A_84 : i32
      %dma_wait3A_86 = arith.constant 0 : i32
      %dma_wait3A_87 = tpu.memref_slice %arg7[%add3A_85, %dma_wait3A_86] : memref<40x128xi32, #tpu.memory_space<vmem>> -> memref<1x128xi32, #tpu.memory_space<vmem>>
      %dma_wait3A_88 = tpu.memref_squeeze %dma_wait3A_87 : memref<1x128xi32, #tpu.memory_space<vmem>> -> memref<128xi32, #tpu.memory_space<vmem>>
      %dma_wait3A_89 = arith.constant 0 : i32
      %dma_wait3A_90 = arith.constant 0 : i32
      %dma_wait3A_91 = tpu.memref_slice %arg2[%dma_wait3A_89, %dma_wait3A_90] : memref<10240x128xf32, #tpu.memory_space<hbm>> -> memref<10240x128xf32, #tpu.memory_space<hbm>>
      tpu.wait_indirect_dma semaphore(%arg13 : memref<!tpu.dma_semaphore, #tpu.memory_space<semaphore_mem>>) src(%dma_wait3A_91 : memref<10240x128xf32, #tpu.memory_space<hbm>>) dst(%arg10 : memref<128x128xf32, #tpu.memory_space<vmem>>)
      "tpu.region"() ({
        %run_scoped3A = tpu.sem_alloc : memref<!tpu.dma_semaphore, #tpu.memory_space<semaphore_mem>>
        %dma_start3A_99 = arith.constant 0 : i32
        %dma_start3A_100 = tpu.memref_slice %arg8[%add3A_85, %dma_start3A_99] : memref<40x128xi32, #tpu.memory_space<vmem>> -> memref<1x128xi32, #tpu.memory_space<vmem>>
        %dma_start3A_101 = tpu.memref_squeeze %dma_start3A_100 : memref<1x128xi32, #tpu.memory_space<vmem>> -> memref<128xi32, #tpu.memory_space<vmem>>
        %dma_start3A_102 = arith.constant 0 : i32
        %dma_start3A_103 = arith.constant 0 : i32
        %dma_start3A_104 = tpu.memref_slice %arg11[%dma_start3A_102, %dma_start3A_103] : memref<10240x128xf32, #tpu.memory_space<vmem_shared>> -> memref<10240x128xf32, #tpu.memory_space<vmem_shared>>
        tpu.enqueue_indirect_dma source(%arg10 : memref<128x128xf32, #tpu.memory_space<vmem>>) target(%dma_start3A_104 : memref<10240x128xf32, #tpu.memory_space<vmem_shared>>) offsets(%dma_start3A_101 : memref<128xi32, #tpu.memory_space<vmem>>) semaphore(%run_scoped3A : memref<!tpu.dma_semaphore, #tpu.memory_space<semaphore_mem>>) {add = true}
        %dma_wait3A_105 = arith.constant 0 : i32
        %dma_wait3A_106 = tpu.memref_slice %arg8[%add3A_85, %dma_wait3A_105] : memref<40x128xi32, #tpu.memory_space<vmem>> -> memref<1x128xi32, #tpu.memory_space<vmem>>
        %dma_wait3A_107 = tpu.memref_squeeze %dma_wait3A_106 : memref<1x128xi32, #tpu.memory_space<vmem>> -> memref<128xi32, #tpu.memory_space<vmem>>
        %dma_wait3A_108 = arith.constant 0 : i32
        %dma_wait3A_109 = arith.constant 0 : i32
        %dma_wait3A_110 = tpu.memref_slice %arg11[%dma_wait3A_108, %dma_wait3A_109] : memref<10240x128xf32, #tpu.memory_space<vmem_shared>> -> memref<10240x128xf32, #tpu.memory_space<vmem_shared>>
        tpu.wait_indirect_dma semaphore(%run_scoped3A : memref<!tpu.dma_semaphore, #tpu.memory_space<semaphore_mem>>) src(%arg10 : memref<128x128xf32, #tpu.memory_space<vmem>>) dst(%dma_wait3A_110 : memref<10240x128xf32, #tpu.memory_space<vmem_shared>>)
        tpu.yield
      }) : () -> ()
      %add3A_92 = arith.constant 2 : i32
      %add3A_93 = arith.addi %add3A_85, %add3A_92 : i32
      %lt3A_94 = arith.constant 40 : i32
      %lt3A_95 = arith.cmpi slt, %add3A_93, %lt3A_94 : i32
      %convert_element_type3A_96 = arith.extui %lt3A_95 : i1 to i32
      %cond3A_97 = arith.constant 0 : i32
      %cond3A_98 = arith.cmpi ne, %convert_element_type3A_96, %cond3A_97 : i32
      scf.if %cond3A_98 {
        %add3A_99 = arith.constant 2 : i32
        %add3A_100 = arith.addi %add3A_85, %add3A_99 : i32
        %dma_start3A_101 = arith.constant 0 : i32
        %dma_start3A_102 = tpu.memref_slice %arg7[%add3A_100, %dma_start3A_101] : memref<40x128xi32, #tpu.memory_space<vmem>> -> memref<1x128xi32, #tpu.memory_space<vmem>>
        %dma_start3A_103 = tpu.memref_squeeze %dma_start3A_102 : memref<1x128xi32, #tpu.memory_space<vmem>> -> memref<128xi32, #tpu.memory_space<vmem>>
        %dma_start3A_104 = arith.constant 0 : i32
        %dma_start3A_105 = arith.constant 0 : i32
        %dma_start3A_106 = tpu.memref_slice %arg2[%dma_start3A_104, %dma_start3A_105] : memref<10240x128xf32, #tpu.memory_space<hbm>> -> memref<10240x128xf32, #tpu.memory_space<hbm>>
        tpu.enqueue_indirect_dma source(%dma_start3A_106 : memref<10240x128xf32, #tpu.memory_space<hbm>>) target(%arg10 : memref<128x128xf32, #tpu.memory_space<vmem>>) offsets(%dma_start3A_103 : memref<128xi32, #tpu.memory_space<vmem>>) semaphore(%arg13 : memref<!tpu.dma_semaphore, #tpu.memory_space<semaphore_mem>>)
      } else {
      }
    }
    %scan3A_64 = arith.constant 20 : i32
    %barrier3A_65 = arith.constant 0 : index
    tpu.barrier barrier_id(%barrier3A_65)
    %mul3A_66 = arith.constant 640 : i32
    %mul3A_67 = arith.muli %arg1, %mul3A_66 : i32
    "tpu.region"() ({
      %run_scoped3A = tpu.sem_alloc : memref<!tpu.dma_semaphore, #tpu.memory_space<semaphore_mem>>
      %dma_start3A_68 = arith.constant 0 : i32
      %dma_start3A_69 = tpu.memref_slice %arg6[%arg0, %mul3A_67, %dma_start3A_68] : memref<2x10240x128xf32, #tpu.memory_space<hbm>> -> memref<1x640x128xf32, #tpu.memory_space<hbm>>
      %dma_start3A_70 = tpu.memref_squeeze %dma_start3A_69 : memref<1x640x128xf32, #tpu.memory_space<hbm>> -> memref<640x128xf32, #tpu.memory_space<hbm>>
      %dma_start3A_71 = arith.constant 0 : i32
      %dma_start3A_72 = tpu.memref_slice %arg11[%mul3A_67, %dma_start3A_71] : memref<10240x128xf32, #tpu.memory_space<vmem_shared>> -> memref<640x128xf32, #tpu.memory_space<vmem_shared>>
      tpu.enqueue_dma source(%dma_start3A_72 : memref<640x128xf32, #tpu.memory_space<vmem_shared>>) target(%dma_start3A_70 : memref<640x128xf32, #tpu.memory_space<hbm>>) target_semaphore(%run_scoped3A : memref<!tpu.dma_semaphore, #tpu.memory_space<semaphore_mem>>)
      %dma_wait3A = arith.constant 0 : i32
      %dma_wait3A_73 = tpu.memref_slice %arg6[%arg0, %mul3A_67, %dma_wait3A] : memref<2x10240x128xf32, #tpu.memory_space<hbm>> -> memref<1x640x128xf32, #tpu.memory_space<hbm>>
      %dma_wait3A_74 = tpu.memref_squeeze %dma_wait3A_73 : memref<1x640x128xf32, #tpu.memory_space<hbm>> -> memref<640x128xf32, #tpu.memory_space<hbm>>
      %dma_wait3A_75 = arith.constant 0 : i32
      %dma_wait3A_76 = tpu.memref_slice %arg11[%mul3A_67, %dma_wait3A_75] : memref<10240x128xf32, #tpu.memory_space<vmem_shared>> -> memref<640x128xf32, #tpu.memory_space<vmem_shared>>
      tpu.wait_dma2 semaphore(%run_scoped3A : memref<!tpu.dma_semaphore, #tpu.memory_space<semaphore_mem>>) src(%dma_wait3A_76 : memref<640x128xf32, #tpu.memory_space<vmem_shared>>) dst(%dma_wait3A_74 : memref<640x128xf32, #tpu.memory_space<hbm>>)
      tpu.yield
    }) : () -> ()
    return
  }
}

#map = affine_map<(d0, d1) -> (0, 0)>
#map1 = affine_map<(d0, d1) -> (0, 0, 0)>
module attributes {stable_mosaic.version = 14 : i64} {
  func.func @_scatter_kernel(%arg0: i32, %arg1: i32, %arg2: memref<10240x128xf32, #tpu.memory_space<hbm>>, %arg3: memref<2560x128xi32, #tpu.memory_space<hbm>>, %arg4: memref<2560x128xi32, #tpu.memory_space<hbm>>, %arg5: memref<128x128xf32, #tpu.memory_space<hbm>>, %arg6: memref<2x10240x128xf32, #tpu.memory_space<hbm>>, %arg7: memref<40x128xi32, #tpu.memory_space<vmem>>, %arg8: memref<40x128xi32, #tpu.memory_space<vmem>>, %arg9: memref<128x128xf32, #tpu.memory_space<vmem>>, %arg10: memref<128x128xf32, #tpu.memory_space<vmem>>, %arg11: memref<10240x128xf32, #tpu.memory_space<vmem_shared>>, %arg12: memref<!tpu.dma_semaphore, #tpu.memory_space<semaphore_mem>>, %arg13: memref<!tpu.dma_semaphore, #tpu.memory_space<semaphore_mem>>) attributes {dimension_semantics = [#tpu.dimension_semantics<core_parallel>, #tpu.dimension_semantics<subcore_parallel>], iteration_bounds = array<i64: 2, 16>, scalar_prefetch = 0 : i64, scratch_operands = 7 : i64, tpu.core_type = #tpu.core_type<sc_vector_subcore>, window_params = [{transform_indices = #map}, {transform_indices = #map}, {transform_indices = #map}, {transform_indices = #map}, {transform_indices = #map1}]} {
    %mul3A = arith.constant 2 : i32
    %mul3A_0 = arith.muli %arg1, %mul3A : i32
    %add3A = arith.addi %mul3A_0, %arg0 : i32
    %mul3A_1 = arith.constant 640 : i32
    %mul3A_2 = arith.muli %arg1, %mul3A_1 : i32
    %add3A_3 = arith.constant 0 : i32
    %add3A_4 = arith.addi %mul3A_2, %add3A_3 : i32
    "tpu.region"() ({
      %run_scoped3A = tpu.sem_alloc : memref<!tpu.dma_semaphore, #tpu.memory_space<semaphore_mem>>
      %dma_start3A_68 = arith.constant 0 : i32
      %dma_start3A_69 = tpu.memref_slice %arg11[%add3A_4, %dma_start3A_68] : memref<10240x128xf32, #tpu.memory_space<vmem_shared>> -> memref<128x128xf32, #tpu.memory_space<vmem_shared>>
      tpu.enqueue_dma source(%arg5 : memref<128x128xf32, #tpu.memory_space<hbm>>) target(%dma_start3A_69 : memref<128x128xf32, #tpu.memory_space<vmem_shared>>) target_semaphore(%run_scoped3A : memref<!tpu.dma_semaphore, #tpu.memory_space<semaphore_mem>>)
      %dma_wait3A = arith.constant 0 : i32
      %dma_wait3A_70 = tpu.memref_slice %arg11[%add3A_4, %dma_wait3A] : memref<10240x128xf32, #tpu.memory_space<vmem_shared>> -> memref<128x128xf32, #tpu.memory_space<vmem_shared>>
      tpu.wait_dma2 semaphore(%run_scoped3A : memref<!tpu.dma_semaphore, #tpu.memory_space<semaphore_mem>>) src(%arg5 : memref<128x128xf32, #tpu.memory_space<hbm>>) dst(%dma_wait3A_70 : memref<128x128xf32, #tpu.memory_space<vmem_shared>>)
      tpu.yield
    }) : () -> ()
    %mul3A_5 = arith.constant 640 : i32
    %mul3A_6 = arith.muli %arg1, %mul3A_5 : i32
    %add3A_7 = arith.constant 128 : i32
    %add3A_8 = arith.addi %mul3A_6, %add3A_7 : i32
    "tpu.region"() ({
      %run_scoped3A = tpu.sem_alloc : memref<!tpu.dma_semaphore, #tpu.memory_space<semaphore_mem>>
      %dma_start3A_68 = arith.constant 0 : i32
      %dma_start3A_69 = tpu.memref_slice %arg11[%add3A_8, %dma_start3A_68] : memref<10240x128xf32, #tpu.memory_space<vmem_shared>> -> memref<128x128xf32, #tpu.memory_space<vmem_shared>>
      tpu.enqueue_dma source(%arg5 : memref<128x128xf32, #tpu.memory_space<hbm>>) target(%dma_start3A_69 : memref<128x128xf32, #tpu.memory_space<vmem_shared>>) target_semaphore(%run_scoped3A : memref<!tpu.dma_semaphore, #tpu.memory_space<semaphore_mem>>)
      %dma_wait3A = arith.constant 0 : i32
      %dma_wait3A_70 = tpu.memref_slice %arg11[%add3A_8, %dma_wait3A] : memref<10240x128xf32, #tpu.memory_space<vmem_shared>> -> memref<128x128xf32, #tpu.memory_space<vmem_shared>>
      tpu.wait_dma2 semaphore(%run_scoped3A : memref<!tpu.dma_semaphore, #tpu.memory_space<semaphore_mem>>) src(%arg5 : memref<128x128xf32, #tpu.memory_space<hbm>>) dst(%dma_wait3A_70 : memref<128x128xf32, #tpu.memory_space<vmem_shared>>)
      tpu.yield
    }) : () -> ()
    %mul3A_9 = arith.constant 640 : i32
    %mul3A_10 = arith.muli %arg1, %mul3A_9 : i32
    %add3A_11 = arith.constant 256 : i32
    %add3A_12 = arith.addi %mul3A_10, %add3A_11 : i32
    "tpu.region"() ({
      %run_scoped3A = tpu.sem_alloc : memref<!tpu.dma_semaphore, #tpu.memory_space<semaphore_mem>>
      %dma_start3A_68 = arith.constant 0 : i32
      %dma_start3A_69 = tpu.memref_slice %arg11[%add3A_12, %dma_start3A_68] : memref<10240x128xf32, #tpu.memory_space<vmem_shared>> -> memref<128x128xf32, #tpu.memory_space<vmem_shared>>
      tpu.enqueue_dma source(%arg5 : memref<128x128xf32, #tpu.memory_space<hbm>>) target(%dma_start3A_69 : memref<128x128xf32, #tpu.memory_space<vmem_shared>>) target_semaphore(%run_scoped3A : memref<!tpu.dma_semaphore, #tpu.memory_space<semaphore_mem>>)
      %dma_wait3A = arith.constant 0 : i32
      %dma_wait3A_70 = tpu.memref_slice %arg11[%add3A_12, %dma_wait3A] : memref<10240x128xf32, #tpu.memory_space<vmem_shared>> -> memref<128x128xf32, #tpu.memory_space<vmem_shared>>
      tpu.wait_dma2 semaphore(%run_scoped3A : memref<!tpu.dma_semaphore, #tpu.memory_space<semaphore_mem>>) src(%arg5 : memref<128x128xf32, #tpu.memory_space<hbm>>) dst(%dma_wait3A_70 : memref<128x128xf32, #tpu.memory_space<vmem_shared>>)
      tpu.yield
    }) : () -> ()
    %mul3A_13 = arith.constant 640 : i32
    %mul3A_14 = arith.muli %arg1, %mul3A_13 : i32
    %add3A_15 = arith.constant 384 : i32
    %add3A_16 = arith.addi %mul3A_14, %add3A_15 : i32
    "tpu.region"() ({
      %run_scoped3A = tpu.sem_alloc : memref<!tpu.dma_semaphore, #tpu.memory_space<semaphore_mem>>
      %dma_start3A_68 = arith.constant 0 : i32
      %dma_start3A_69 = tpu.memref_slice %arg11[%add3A_16, %dma_start3A_68] : memref<10240x128xf32, #tpu.memory_space<vmem_shared>> -> memref<128x128xf32, #tpu.memory_space<vmem_shared>>
      tpu.enqueue_dma source(%arg5 : memref<128x128xf32, #tpu.memory_space<hbm>>) target(%dma_start3A_69 : memref<128x128xf32, #tpu.memory_space<vmem_shared>>) target_semaphore(%run_scoped3A : memref<!tpu.dma_semaphore, #tpu.memory_space<semaphore_mem>>)
      %dma_wait3A = arith.constant 0 : i32
      %dma_wait3A_70 = tpu.memref_slice %arg11[%add3A_16, %dma_wait3A] : memref<10240x128xf32, #tpu.memory_space<vmem_shared>> -> memref<128x128xf32, #tpu.memory_space<vmem_shared>>
      tpu.wait_dma2 semaphore(%run_scoped3A : memref<!tpu.dma_semaphore, #tpu.memory_space<semaphore_mem>>) src(%arg5 : memref<128x128xf32, #tpu.memory_space<hbm>>) dst(%dma_wait3A_70 : memref<128x128xf32, #tpu.memory_space<vmem_shared>>)
      tpu.yield
    }) : () -> ()
    %mul3A_17 = arith.constant 640 : i32
    %mul3A_18 = arith.muli %arg1, %mul3A_17 : i32
    %add3A_19 = arith.constant 512 : i32
    %add3A_20 = arith.addi %mul3A_18, %add3A_19 : i32
    "tpu.region"() ({
      %run_scoped3A = tpu.sem_alloc : memref<!tpu.dma_semaphore, #tpu.memory_space<semaphore_mem>>
      %dma_start3A_68 = arith.constant 0 : i32
      %dma_start3A_69 = tpu.memref_slice %arg11[%add3A_20, %dma_start3A_68] : memref<10240x128xf32, #tpu.memory_space<vmem_shared>> -> memref<128x128xf32, #tpu.memory_space<vmem_shared>>
      tpu.enqueue_dma source(%arg5 : memref<128x128xf32, #tpu.memory_space<hbm>>) target(%dma_start3A_69 : memref<128x128xf32, #tpu.memory_space<vmem_shared>>) target_semaphore(%run_scoped3A : memref<!tpu.dma_semaphore, #tpu.memory_space<semaphore_mem>>)
      %dma_wait3A = arith.constant 0 : i32
      %dma_wait3A_70 = tpu.memref_slice %arg11[%add3A_20, %dma_wait3A] : memref<10240x128xf32, #tpu.memory_space<vmem_shared>> -> memref<128x128xf32, #tpu.memory_space<vmem_shared>>
      tpu.wait_dma2 semaphore(%run_scoped3A : memref<!tpu.dma_semaphore, #tpu.memory_space<semaphore_mem>>) src(%arg5 : memref<128x128xf32, #tpu.memory_space<hbm>>) dst(%dma_wait3A_70 : memref<128x128xf32, #tpu.memory_space<vmem_shared>>)
      tpu.yield
    }) : () -> ()
    %barrier3A = arith.constant 0 : index
    tpu.barrier barrier_id(%barrier3A)
    %mul3A_21 = arith.constant 80 : i32
    %mul3A_22 = arith.muli %add3A, %mul3A_21 : i32
    %add3A_23 = arith.constant 0 : i32
    %add3A_24 = arith.addi %mul3A_22, %add3A_23 : i32
    "tpu.region"() ({
      %run_scoped3A = tpu.sem_alloc : memref<!tpu.dma_semaphore, #tpu.memory_space<semaphore_mem>>
      %dma_start3A_68 = arith.constant 0 : i32
      %dma_start3A_69 = tpu.memref_slice %arg3[%add3A_24, %dma_start3A_68] : memref<2560x128xi32, #tpu.memory_space<hbm>> -> memref<40x128xi32, #tpu.memory_space<hbm>>
      %dma_start3A_70 = arith.constant 0 : i32
      %dma_start3A_71 = tpu.memref_slice %arg3[%add3A_24, %dma_start3A_70] : memref<2560x128xi32, #tpu.memory_space<hbm>> -> memref<40x128xi32, #tpu.memory_space<hbm>>
      tpu.enqueue_dma source(%dma_start3A_71 : memref<40x128xi32, #tpu.memory_space<hbm>>) target(%arg7 : memref<40x128xi32, #tpu.memory_space<vmem>>) target_semaphore(%run_scoped3A : memref<!tpu.dma_semaphore, #tpu.memory_space<semaphore_mem>>)
      %dma_wait3A = arith.constant 0 : i32
      %dma_wait3A_72 = tpu.memref_slice %arg3[%add3A_24, %dma_wait3A] : memref<2560x128xi32, #tpu.memory_space<hbm>> -> memref<40x128xi32, #tpu.memory_space<hbm>>
      %dma_wait3A_73 = arith.constant 0 : i32
      %dma_wait3A_74 = tpu.memref_slice %arg3[%add3A_24, %dma_wait3A_73] : memref<2560x128xi32, #tpu.memory_space<hbm>> -> memref<40x128xi32, #tpu.memory_space<hbm>>
      tpu.wait_dma2 semaphore(%run_scoped3A : memref<!tpu.dma_semaphore, #tpu.memory_space<semaphore_mem>>) src(%dma_wait3A_74 : memref<40x128xi32, #tpu.memory_space<hbm>>) dst(%arg7 : memref<40x128xi32, #tpu.memory_space<vmem>>)
      tpu.yield
    }) : () -> ()
    "tpu.region"() ({
      %run_scoped3A = tpu.sem_alloc : memref<!tpu.dma_semaphore, #tpu.memory_space<semaphore_mem>>
      %dma_start3A_68 = arith.constant 0 : i32
      %dma_start3A_69 = tpu.memref_slice %arg4[%add3A_24, %dma_start3A_68] : memref<2560x128xi32, #tpu.memory_space<hbm>> -> memref<40x128xi32, #tpu.memory_space<hbm>>
      %dma_start3A_70 = arith.constant 0 : i32
      %dma_start3A_71 = tpu.memref_slice %arg4[%add3A_24, %dma_start3A_70] : memref<2560x128xi32, #tpu.memory_space<hbm>> -> memref<40x128xi32, #tpu.memory_space<hbm>>
      tpu.enqueue_dma source(%dma_start3A_71 : memref<40x128xi32, #tpu.memory_space<hbm>>) target(%arg8 : memref<40x128xi32, #tpu.memory_space<vmem>>) target_semaphore(%run_scoped3A : memref<!tpu.dma_semaphore, #tpu.memory_space<semaphore_mem>>)
      %dma_wait3A = arith.constant 0 : i32
      %dma_wait3A_72 = tpu.memref_slice %arg4[%add3A_24, %dma_wait3A] : memref<2560x128xi32, #tpu.memory_space<hbm>> -> memref<40x128xi32, #tpu.memory_space<hbm>>
      %dma_wait3A_73 = arith.constant 0 : i32
      %dma_wait3A_74 = tpu.memref_slice %arg4[%add3A_24, %dma_wait3A_73] : memref<2560x128xi32, #tpu.memory_space<hbm>> -> memref<40x128xi32, #tpu.memory_space<hbm>>
      tpu.wait_dma2 semaphore(%run_scoped3A : memref<!tpu.dma_semaphore, #tpu.memory_space<semaphore_mem>>) src(%dma_wait3A_74 : memref<40x128xi32, #tpu.memory_space<hbm>>) dst(%arg8 : memref<40x128xi32, #tpu.memory_space<vmem>>)
      tpu.yield
    }) : () -> ()
    %dma_start3A = arith.constant 0 : i32
    %dma_start3A_25 = arith.constant 0 : i32
    %dma_start3A_26 = tpu.memref_slice %arg7[%dma_start3A, %dma_start3A_25] : memref<40x128xi32, #tpu.memory_space<vmem>> -> memref<1x128xi32, #tpu.memory_space<vmem>>
    %dma_start3A_27 = tpu.memref_squeeze %dma_start3A_26 : memref<1x128xi32, #tpu.memory_space<vmem>> -> memref<128xi32, #tpu.memory_space<vmem>>
    %dma_start3A_28 = arith.constant 0 : i32
    %dma_start3A_29 = arith.constant 0 : i32
    %dma_start3A_30 = tpu.memref_slice %arg2[%dma_start3A_28, %dma_start3A_29] : memref<10240x128xf32, #tpu.memory_space<hbm>> -> memref<10240x128xf32, #tpu.memory_space<hbm>>
    tpu.enqueue_indirect_dma source(%dma_start3A_30 : memref<10240x128xf32, #tpu.memory_space<hbm>>) target(%arg9 : memref<128x128xf32, #tpu.memory_space<vmem>>) offsets(%dma_start3A_27 : memref<128xi32, #tpu.memory_space<vmem>>) semaphore(%arg12 : memref<!tpu.dma_semaphore, #tpu.memory_space<semaphore_mem>>)
    %dma_start3A_31 = arith.constant 1 : i32
    %dma_start3A_32 = arith.constant 0 : i32
    %dma_start3A_33 = tpu.memref_slice %arg7[%dma_start3A_31, %dma_start3A_32] : memref<40x128xi32, #tpu.memory_space<vmem>> -> memref<1x128xi32, #tpu.memory_space<vmem>>
    %dma_start3A_34 = tpu.memref_squeeze %dma_start3A_33 : memref<1x128xi32, #tpu.memory_space<vmem>> -> memref<128xi32, #tpu.memory_space<vmem>>
    %dma_start3A_35 = arith.constant 0 : i32
    %dma_start3A_36 = arith.constant 0 : i32
    %dma_start3A_37 = tpu.memref_slice %arg2[%dma_start3A_35, %dma_start3A_36] : memref<10240x128xf32, #tpu.memory_space<hbm>> -> memref<10240x128xf32, #tpu.memory_space<hbm>>
    tpu.enqueue_indirect_dma source(%dma_start3A_37 : memref<10240x128xf32, #tpu.memory_space<hbm>>) target(%arg10 : memref<128x128xf32, #tpu.memory_space<vmem>>) offsets(%dma_start3A_34 : memref<128xi32, #tpu.memory_space<vmem>>) semaphore(%arg13 : memref<!tpu.dma_semaphore, #tpu.memory_space<semaphore_mem>>)
    %scan3A = arith.constant 0 : i32
    %scan3A_38 = arith.constant 20 : i32
    %scan3A_39 = arith.addi %scan3A, %scan3A_38 : i32
    %scan3A_40 = arith.constant 1 : i32
    scf.for %scan3A_68 = %scan3A to %scan3A_39 step %scan3A_40  : i32 {
      %mul3A_69 = arith.constant 2 : i32
      %mul3A_70 = arith.muli %mul3A_69, %scan3A_68 : i32
      %add3A_71 = arith.constant 0 : i32
      %add3A_72 = arith.addi %mul3A_70, %add3A_71 : i32
      %dma_wait3A = arith.constant 0 : i32
      %dma_wait3A_73 = tpu.memref_slice %arg7[%add3A_72, %dma_wait3A] : memref<40x128xi32, #tpu.memory_space<vmem>> -> memref<1x128xi32, #tpu.memory_space<vmem>>
      %dma_wait3A_74 = tpu.memref_squeeze %dma_wait3A_73 : memref<1x128xi32, #tpu.memory_space<vmem>> -> memref<128xi32, #tpu.memory_space<vmem>>
      %dma_wait3A_75 = arith.constant 0 : i32
      %dma_wait3A_76 = arith.constant 0 : i32
      %dma_wait3A_77 = tpu.memref_slice %arg2[%dma_wait3A_75, %dma_wait3A_76] : memref<10240x128xf32, #tpu.memory_space<hbm>> -> memref<10240x128xf32, #tpu.memory_space<hbm>>
      tpu.wait_indirect_dma semaphore(%arg12 : memref<!tpu.dma_semaphore, #tpu.memory_space<semaphore_mem>>) src(%dma_wait3A_77 : memref<10240x128xf32, #tpu.memory_space<hbm>>) dst(%arg9 : memref<128x128xf32, #tpu.memory_space<vmem>>)
      "tpu.region"() ({
        %run_scoped3A = tpu.sem_alloc : memref<!tpu.dma_semaphore, #tpu.memory_space<semaphore_mem>>
        %dma_start3A_99 = arith.constant 0 : i32
        %dma_start3A_100 = tpu.memref_slice %arg8[%add3A_72, %dma_start3A_99] : memref<40x128xi32, #tpu.memory_space<vmem>> -> memref<1x128xi32, #tpu.memory_space<vmem>>
        %dma_start3A_101 = tpu.memref_squeeze %dma_start3A_100 : memref<1x128xi32, #tpu.memory_space<vmem>> -> memref<128xi32, #tpu.memory_space<vmem>>
        %dma_start3A_102 = arith.constant 0 : i32
        %dma_start3A_103 = arith.constant 0 : i32
        %dma_start3A_104 = tpu.memref_slice %arg11[%dma_start3A_102, %dma_start3A_103] : memref<10240x128xf32, #tpu.memory_space<vmem_shared>> -> memref<10240x128xf32, #tpu.memory_space<vmem_shared>>
        tpu.enqueue_indirect_dma source(%arg9 : memref<128x128xf32, #tpu.memory_space<vmem>>) target(%dma_start3A_104 : memref<10240x128xf32, #tpu.memory_space<vmem_shared>>) offsets(%dma_start3A_101 : memref<128xi32, #tpu.memory_space<vmem>>) semaphore(%run_scoped3A : memref<!tpu.dma_semaphore, #tpu.memory_space<semaphore_mem>>) {add = true}
        %dma_wait3A_105 = arith.constant 0 : i32
        %dma_wait3A_106 = tpu.memref_slice %arg8[%add3A_72, %dma_wait3A_105] : memref<40x128xi32, #tpu.memory_space<vmem>> -> memref<1x128xi32, #tpu.memory_space<vmem>>
        %dma_wait3A_107 = tpu.memref_squeeze %dma_wait3A_106 : memref<1x128xi32, #tpu.memory_space<vmem>> -> memref<128xi32, #tpu.memory_space<vmem>>
        %dma_wait3A_108 = arith.constant 0 : i32
        %dma_wait3A_109 = arith.constant 0 : i32
        %dma_wait3A_110 = tpu.memref_slice %arg11[%dma_wait3A_108, %dma_wait3A_109] : memref<10240x128xf32, #tpu.memory_space<vmem_shared>> -> memref<10240x128xf32, #tpu.memory_space<vmem_shared>>
        tpu.wait_indirect_dma semaphore(%run_scoped3A : memref<!tpu.dma_semaphore, #tpu.memory_space<semaphore_mem>>) src(%arg9 : memref<128x128xf32, #tpu.memory_space<vmem>>) dst(%dma_wait3A_110 : memref<10240x128xf32, #tpu.memory_space<vmem_shared>>)
        tpu.yield
      }) : () -> ()
      %add3A_78 = arith.constant 2 : i32
      %add3A_79 = arith.addi %add3A_72, %add3A_78 : i32
      %lt3A = arith.constant 40 : i32
      %lt3A_80 = arith.cmpi slt, %add3A_79, %lt3A : i32
      %convert_element_type3A = arith.extui %lt3A_80 : i1 to i32
      %cond3A = arith.constant 0 : i32
      %cond3A_81 = arith.cmpi ne, %convert_element_type3A, %cond3A : i32
      scf.if %cond3A_81 {
        %add3A_99 = arith.constant 2 : i32
        %add3A_100 = arith.addi %add3A_72, %add3A_99 : i32
        %dma_start3A_101 = arith.constant 0 : i32
        %dma_start3A_102 = tpu.memref_slice %arg7[%add3A_100, %dma_start3A_101] : memref<40x128xi32, #tpu.memory_space<vmem>> -> memref<1x128xi32, #tpu.memory_space<vmem>>
        %dma_start3A_103 = tpu.memref_squeeze %dma_start3A_102 : memref<1x128xi32, #tpu.memory_space<vmem>> -> memref<128xi32, #tpu.memory_space<vmem>>
        %dma_start3A_104 = arith.constant 0 : i32
        %dma_start3A_105 = arith.constant 0 : i32
        %dma_start3A_106 = tpu.memref_slice %arg2[%dma_start3A_104, %dma_start3A_105] : memref<10240x128xf32, #tpu.memory_space<hbm>> -> memref<10240x128xf32, #tpu.memory_space<hbm>>
        tpu.enqueue_indirect_dma source(%dma_start3A_106 : memref<10240x128xf32, #tpu.memory_space<hbm>>) target(%arg9 : memref<128x128xf32, #tpu.memory_space<vmem>>) offsets(%dma_start3A_103 : memref<128xi32, #tpu.memory_space<vmem>>) semaphore(%arg12 : memref<!tpu.dma_semaphore, #tpu.memory_space<semaphore_mem>>)
      } else {
      }
      %mul3A_82 = arith.constant 2 : i32
      %mul3A_83 = arith.muli %mul3A_82, %scan3A_68 : i32
      %add3A_84 = arith.constant 1 : i32
      %add3A_85 = arith.addi %mul3A_83, %add3A_84 : i32
      %dma_wait3A_86 = arith.constant 0 : i32
      %dma_wait3A_87 = tpu.memref_slice %arg7[%add3A_85, %dma_wait3A_86] : memref<40x128xi32, #tpu.memory_space<vmem>> -> memref<1x128xi32, #tpu.memory_space<vmem>>
      %dma_wait3A_88 = tpu.memref_squeeze %dma_wait3A_87 : memref<1x128xi32, #tpu.memory_space<vmem>> -> memref<128xi32, #tpu.memory_space<vmem>>
      %dma_wait3A_89 = arith.constant 0 : i32
      %dma_wait3A_90 = arith.constant 0 : i32
      %dma_wait3A_91 = tpu.memref_slice %arg2[%dma_wait3A_89, %dma_wait3A_90] : memref<10240x128xf32, #tpu.memory_space<hbm>> -> memref<10240x128xf32, #tpu.memory_space<hbm>>
      tpu.wait_indirect_dma semaphore(%arg13 : memref<!tpu.dma_semaphore, #tpu.memory_space<semaphore_mem>>) src(%dma_wait3A_91 : memref<10240x128xf32, #tpu.memory_space<hbm>>) dst(%arg10 : memref<128x128xf32, #tpu.memory_space<vmem>>)
      "tpu.region"() ({
        %run_scoped3A = tpu.sem_alloc : memref<!tpu.dma_semaphore, #tpu.memory_space<semaphore_mem>>
        %dma_start3A_99 = arith.constant 0 : i32
        %dma_start3A_100 = tpu.memref_slice %arg8[%add3A_85, %dma_start3A_99] : memref<40x128xi32, #tpu.memory_space<vmem>> -> memref<1x128xi32, #tpu.memory_space<vmem>>
        %dma_start3A_101 = tpu.memref_squeeze %dma_start3A_100 : memref<1x128xi32, #tpu.memory_space<vmem>> -> memref<128xi32, #tpu.memory_space<vmem>>
        %dma_start3A_102 = arith.constant 0 : i32
        %dma_start3A_103 = arith.constant 0 : i32
        %dma_start3A_104 = tpu.memref_slice %arg11[%dma_start3A_102, %dma_start3A_103] : memref<10240x128xf32, #tpu.memory_space<vmem_shared>> -> memref<10240x128xf32, #tpu.memory_space<vmem_shared>>
        tpu.enqueue_indirect_dma source(%arg10 : memref<128x128xf32, #tpu.memory_space<vmem>>) target(%dma_start3A_104 : memref<10240x128xf32, #tpu.memory_space<vmem_shared>>) offsets(%dma_start3A_101 : memref<128xi32, #tpu.memory_space<vmem>>) semaphore(%run_scoped3A : memref<!tpu.dma_semaphore, #tpu.memory_space<semaphore_mem>>) {add = true}
        %dma_wait3A_105 = arith.constant 0 : i32
        %dma_wait3A_106 = tpu.memref_slice %arg8[%add3A_85, %dma_wait3A_105] : memref<40x128xi32, #tpu.memory_space<vmem>> -> memref<1x128xi32, #tpu.memory_space<vmem>>
        %dma_wait3A_107 = tpu.memref_squeeze %dma_wait3A_106 : memref<1x128xi32, #tpu.memory_space<vmem>> -> memref<128xi32, #tpu.memory_space<vmem>>
        %dma_wait3A_108 = arith.constant 0 : i32
        %dma_wait3A_109 = arith.constant 0 : i32
        %dma_wait3A_110 = tpu.memref_slice %arg11[%dma_wait3A_108, %dma_wait3A_109] : memref<10240x128xf32, #tpu.memory_space<vmem_shared>> -> memref<10240x128xf32, #tpu.memory_space<vmem_shared>>
        tpu.wait_indirect_dma semaphore(%run_scoped3A : memref<!tpu.dma_semaphore, #tpu.memory_space<semaphore_mem>>) src(%arg10 : memref<128x128xf32, #tpu.memory_space<vmem>>) dst(%dma_wait3A_110 : memref<10240x128xf32, #tpu.memory_space<vmem_shared>>)
        tpu.yield
      }) : () -> ()
      %add3A_92 = arith.constant 2 : i32
      %add3A_93 = arith.addi %add3A_85, %add3A_92 : i32
      %lt3A_94 = arith.constant 40 : i32
      %lt3A_95 = arith.cmpi slt, %add3A_93, %lt3A_94 : i32
      %convert_element_type3A_96 = arith.extui %lt3A_95 : i1 to i32
      %cond3A_97 = arith.constant 0 : i32
      %cond3A_98 = arith.cmpi ne, %convert_element_type3A_96, %cond3A_97 : i32
      scf.if %cond3A_98 {
        %add3A_99 = arith.constant 2 : i32
        %add3A_100 = arith.addi %add3A_85, %add3A_99 : i32
        %dma_start3A_101 = arith.constant 0 : i32
        %dma_start3A_102 = tpu.memref_slice %arg7[%add3A_100, %dma_start3A_101] : memref<40x128xi32, #tpu.memory_space<vmem>> -> memref<1x128xi32, #tpu.memory_space<vmem>>
        %dma_start3A_103 = tpu.memref_squeeze %dma_start3A_102 : memref<1x128xi32, #tpu.memory_space<vmem>> -> memref<128xi32, #tpu.memory_space<vmem>>
        %dma_start3A_104 = arith.constant 0 : i32
        %dma_start3A_105 = arith.constant 0 : i32
        %dma_start3A_106 = tpu.memref_slice %arg2[%dma_start3A_104, %dma_start3A_105] : memref<10240x128xf32, #tpu.memory_space<hbm>> -> memref<10240x128xf32, #tpu.memory_space<hbm>>
        tpu.enqueue_indirect_dma source(%dma_start3A_106 : memref<10240x128xf32, #tpu.memory_space<hbm>>) target(%arg10 : memref<128x128xf32, #tpu.memory_space<vmem>>) offsets(%dma_start3A_103 : memref<128xi32, #tpu.memory_space<vmem>>) semaphore(%arg13 : memref<!tpu.dma_semaphore, #tpu.memory_space<semaphore_mem>>)
      } else {
      }
    }
    %scan3A_41 = arith.constant 20 : i32
    %mul3A_42 = arith.constant 80 : i32
    %mul3A_43 = arith.muli %add3A, %mul3A_42 : i32
    %add3A_44 = arith.constant 40 : i32
    %add3A_45 = arith.addi %mul3A_43, %add3A_44 : i32
    "tpu.region"() ({
      %run_scoped3A = tpu.sem_alloc : memref<!tpu.dma_semaphore, #tpu.memory_space<semaphore_mem>>
      %dma_start3A_68 = arith.constant 0 : i32
      %dma_start3A_69 = tpu.memref_slice %arg3[%add3A_45, %dma_start3A_68] : memref<2560x128xi32, #tpu.memory_space<hbm>> -> memref<40x128xi32, #tpu.memory_space<hbm>>
      %dma_start3A_70 = arith.constant 0 : i32
      %dma_start3A_71 = tpu.memref_slice %arg3[%add3A_45, %dma_start3A_70] : memref<2560x128xi32, #tpu.memory_space<hbm>> -> memref<40x128xi32, #tpu.memory_space<hbm>>
      tpu.enqueue_dma source(%dma_start3A_71 : memref<40x128xi32, #tpu.memory_space<hbm>>) target(%arg7 : memref<40x128xi32, #tpu.memory_space<vmem>>) target_semaphore(%run_scoped3A : memref<!tpu.dma_semaphore, #tpu.memory_space<semaphore_mem>>)
      %dma_wait3A = arith.constant 0 : i32
      %dma_wait3A_72 = tpu.memref_slice %arg3[%add3A_45, %dma_wait3A] : memref<2560x128xi32, #tpu.memory_space<hbm>> -> memref<40x128xi32, #tpu.memory_space<hbm>>
      %dma_wait3A_73 = arith.constant 0 : i32
      %dma_wait3A_74 = tpu.memref_slice %arg3[%add3A_45, %dma_wait3A_73] : memref<2560x128xi32, #tpu.memory_space<hbm>> -> memref<40x128xi32, #tpu.memory_space<hbm>>
      tpu.wait_dma2 semaphore(%run_scoped3A : memref<!tpu.dma_semaphore, #tpu.memory_space<semaphore_mem>>) src(%dma_wait3A_74 : memref<40x128xi32, #tpu.memory_space<hbm>>) dst(%arg7 : memref<40x128xi32, #tpu.memory_space<vmem>>)
      tpu.yield
    }) : () -> ()
    "tpu.region"() ({
      %run_scoped3A = tpu.sem_alloc : memref<!tpu.dma_semaphore, #tpu.memory_space<semaphore_mem>>
      %dma_start3A_68 = arith.constant 0 : i32
      %dma_start3A_69 = tpu.memref_slice %arg4[%add3A_45, %dma_start3A_68] : memref<2560x128xi32, #tpu.memory_space<hbm>> -> memref<40x128xi32, #tpu.memory_space<hbm>>
      %dma_start3A_70 = arith.constant 0 : i32
      %dma_start3A_71 = tpu.memref_slice %arg4[%add3A_45, %dma_start3A_70] : memref<2560x128xi32, #tpu.memory_space<hbm>> -> memref<40x128xi32, #tpu.memory_space<hbm>>
      tpu.enqueue_dma source(%dma_start3A_71 : memref<40x128xi32, #tpu.memory_space<hbm>>) target(%arg8 : memref<40x128xi32, #tpu.memory_space<vmem>>) target_semaphore(%run_scoped3A : memref<!tpu.dma_semaphore, #tpu.memory_space<semaphore_mem>>)
      %dma_wait3A = arith.constant 0 : i32
      %dma_wait3A_72 = tpu.memref_slice %arg4[%add3A_45, %dma_wait3A] : memref<2560x128xi32, #tpu.memory_space<hbm>> -> memref<40x128xi32, #tpu.memory_space<hbm>>
      %dma_wait3A_73 = arith.constant 0 : i32
      %dma_wait3A_74 = tpu.memref_slice %arg4[%add3A_45, %dma_wait3A_73] : memref<2560x128xi32, #tpu.memory_space<hbm>> -> memref<40x128xi32, #tpu.memory_space<hbm>>
      tpu.wait_dma2 semaphore(%run_scoped3A : memref<!tpu.dma_semaphore, #tpu.memory_space<semaphore_mem>>) src(%dma_wait3A_74 : memref<40x128xi32, #tpu.memory_space<hbm>>) dst(%arg8 : memref<40x128xi32, #tpu.memory_space<vmem>>)
      tpu.yield
    }) : () -> ()
    %dma_start3A_46 = arith.constant 0 : i32
    %dma_start3A_47 = arith.constant 0 : i32
    %dma_start3A_48 = tpu.memref_slice %arg7[%dma_start3A_46, %dma_start3A_47] : memref<40x128xi32, #tpu.memory_space<vmem>> -> memref<1x128xi32, #tpu.memory_space<vmem>>
    %dma_start3A_49 = tpu.memref_squeeze %dma_start3A_48 : memref<1x128xi32, #tpu.memory_space<vmem>> -> memref<128xi32, #tpu.memory_space<vmem>>
    %dma_start3A_50 = arith.constant 0 : i32
    %dma_start3A_51 = arith.constant 0 : i32
    %dma_start3A_52 = tpu.memref_slice %arg2[%dma_start3A_50, %dma_start3A_51] : memref<10240x128xf32, #tpu.memory_space<hbm>> -> memref<10240x128xf32, #tpu.memory_space<hbm>>
    tpu.enqueue_indirect_dma source(%dma_start3A_52 : memref<10240x128xf32, #tpu.memory_space<hbm>>) target(%arg9 : memref<128x128xf32, #tpu.memory_space<vmem>>) offsets(%dma_start3A_49 : memref<128xi32, #tpu.memory_space<vmem>>) semaphore(%arg12 : memref<!tpu.dma_semaphore, #tpu.memory_space<semaphore_mem>>)
    %dma_start3A_53 = arith.constant 1 : i32
    %dma_start3A_54 = arith.constant 0 : i32
    %dma_start3A_55 = tpu.memref_slice %arg7[%dma_start3A_53, %dma_start3A_54] : memref<40x128xi32, #tpu.memory_space<vmem>> -> memref<1x128xi32, #tpu.memory_space<vmem>>
    %dma_start3A_56 = tpu.memref_squeeze %dma_start3A_55 : memref<1x128xi32, #tpu.memory_space<vmem>> -> memref<128xi32, #tpu.memory_space<vmem>>
    %dma_start3A_57 = arith.constant 0 : i32
    %dma_start3A_58 = arith.constant 0 : i32
    %dma_start3A_59 = tpu.memref_slice %arg2[%dma_start3A_57, %dma_start3A_58] : memref<10240x128xf32, #tpu.memory_space<hbm>> -> memref<10240x128xf32, #tpu.memory_space<hbm>>
    tpu.enqueue_indirect_dma source(%dma_start3A_59 : memref<10240x128xf32, #tpu.memory_space<hbm>>) target(%arg10 : memref<128x128xf32, #tpu.memory_space<vmem>>) offsets(%dma_start3A_56 : memref<128xi32, #tpu.memory_space<vmem>>) semaphore(%arg13 : memref<!tpu.dma_semaphore, #tpu.memory_space<semaphore_mem>>)
    %scan3A_60 = arith.constant 0 : i32
    %scan3A_61 = arith.constant 20 : i32
    %scan3A_62 = arith.addi %scan3A_60, %scan3A_61 : i32
    %scan3A_63 = arith.constant 1 : i32
    scf.for %scan3A_68 = %scan3A_60 to %scan3A_62 step %scan3A_63  : i32 {
      %mul3A_69 = arith.constant 2 : i32
      %mul3A_70 = arith.muli %mul3A_69, %scan3A_68 : i32
      %add3A_71 = arith.constant 0 : i32
      %add3A_72 = arith.addi %mul3A_70, %add3A_71 : i32
      %dma_wait3A = arith.constant 0 : i32
      %dma_wait3A_73 = tpu.memref_slice %arg7[%add3A_72, %dma_wait3A] : memref<40x128xi32, #tpu.memory_space<vmem>> -> memref<1x128xi32, #tpu.memory_space<vmem>>
      %dma_wait3A_74 = tpu.memref_squeeze %dma_wait3A_73 : memref<1x128xi32, #tpu.memory_space<vmem>> -> memref<128xi32, #tpu.memory_space<vmem>>
      %dma_wait3A_75 = arith.constant 0 : i32
      %dma_wait3A_76 = arith.constant 0 : i32
      %dma_wait3A_77 = tpu.memref_slice %arg2[%dma_wait3A_75, %dma_wait3A_76] : memref<10240x128xf32, #tpu.memory_space<hbm>> -> memref<10240x128xf32, #tpu.memory_space<hbm>>
      tpu.wait_indirect_dma semaphore(%arg12 : memref<!tpu.dma_semaphore, #tpu.memory_space<semaphore_mem>>) src(%dma_wait3A_77 : memref<10240x128xf32, #tpu.memory_space<hbm>>) dst(%arg9 : memref<128x128xf32, #tpu.memory_space<vmem>>)
      "tpu.region"() ({
        %run_scoped3A = tpu.sem_alloc : memref<!tpu.dma_semaphore, #tpu.memory_space<semaphore_mem>>
        %dma_start3A_99 = arith.constant 0 : i32
        %dma_start3A_100 = tpu.memref_slice %arg8[%add3A_72, %dma_start3A_99] : memref<40x128xi32, #tpu.memory_space<vmem>> -> memref<1x128xi32, #tpu.memory_space<vmem>>
        %dma_start3A_101 = tpu.memref_squeeze %dma_start3A_100 : memref<1x128xi32, #tpu.memory_space<vmem>> -> memref<128xi32, #tpu.memory_space<vmem>>
        %dma_start3A_102 = arith.constant 0 : i32
        %dma_start3A_103 = arith.constant 0 : i32
        %dma_start3A_104 = tpu.memref_slice %arg11[%dma_start3A_102, %dma_start3A_103] : memref<10240x128xf32, #tpu.memory_space<vmem_shared>> -> memref<10240x128xf32, #tpu.memory_space<vmem_shared>>
        tpu.enqueue_indirect_dma source(%arg9 : memref<128x128xf32, #tpu.memory_space<vmem>>) target(%dma_start3A_104 : memref<10240x128xf32, #tpu.memory_space<vmem_shared>>) offsets(%dma_start3A_101 : memref<128xi32, #tpu.memory_space<vmem>>) semaphore(%run_scoped3A : memref<!tpu.dma_semaphore, #tpu.memory_space<semaphore_mem>>) {add = true}
        %dma_wait3A_105 = arith.constant 0 : i32
        %dma_wait3A_106 = tpu.memref_slice %arg8[%add3A_72, %dma_wait3A_105] : memref<40x128xi32, #tpu.memory_space<vmem>> -> memref<1x128xi32, #tpu.memory_space<vmem>>
        %dma_wait3A_107 = tpu.memref_squeeze %dma_wait3A_106 : memref<1x128xi32, #tpu.memory_space<vmem>> -> memref<128xi32, #tpu.memory_space<vmem>>
        %dma_wait3A_108 = arith.constant 0 : i32
        %dma_wait3A_109 = arith.constant 0 : i32
        %dma_wait3A_110 = tpu.memref_slice %arg11[%dma_wait3A_108, %dma_wait3A_109] : memref<10240x128xf32, #tpu.memory_space<vmem_shared>> -> memref<10240x128xf32, #tpu.memory_space<vmem_shared>>
        tpu.wait_indirect_dma semaphore(%run_scoped3A : memref<!tpu.dma_semaphore, #tpu.memory_space<semaphore_mem>>) src(%arg9 : memref<128x128xf32, #tpu.memory_space<vmem>>) dst(%dma_wait3A_110 : memref<10240x128xf32, #tpu.memory_space<vmem_shared>>)
        tpu.yield
      }) : () -> ()
      %add3A_78 = arith.constant 2 : i32
      %add3A_79 = arith.addi %add3A_72, %add3A_78 : i32
      %lt3A = arith.constant 40 : i32
      %lt3A_80 = arith.cmpi slt, %add3A_79, %lt3A : i32
      %convert_element_type3A = arith.extui %lt3A_80 : i1 to i32
      %cond3A = arith.constant 0 : i32
      %cond3A_81 = arith.cmpi ne, %convert_element_type3A, %cond3A : i32
      scf.if %cond3A_81 {
        %add3A_99 = arith.constant 2 : i32
        %add3A_100 = arith.addi %add3A_72, %add3A_99 : i32
        %dma_start3A_101 = arith.constant 0 : i32
        %dma_start3A_102 = tpu.memref_slice %arg7[%add3A_100, %dma_start3A_101] : memref<40x128xi32, #tpu.memory_space<vmem>> -> memref<1x128xi32, #tpu.memory_space<vmem>>
        %dma_start3A_103 = tpu.memref_squeeze %dma_start3A_102 : memref<1x128xi32, #tpu.memory_space<vmem>> -> memref<128xi32, #tpu.memory_space<vmem>>
        %dma_start3A_104 = arith.constant 0 : i32
        %dma_start3A_105 = arith.constant 0 : i32
        %dma_start3A_106 = tpu.memref_slice %arg2[%dma_start3A_104, %dma_start3A_105] : memref<10240x128xf32, #tpu.memory_space<hbm>> -> memref<10240x128xf32, #tpu.memory_space<hbm>>
        tpu.enqueue_indirect_dma source(%dma_start3A_106 : memref<10240x128xf32, #tpu.memory_space<hbm>>) target(%arg9 : memref<128x128xf32, #tpu.memory_space<vmem>>) offsets(%dma_start3A_103 : memref<128xi32, #tpu.memory_space<vmem>>) semaphore(%arg12 : memref<!tpu.dma_semaphore, #tpu.memory_space<semaphore_mem>>)
      } else {
      }
      %mul3A_82 = arith.constant 2 : i32
      %mul3A_83 = arith.muli %mul3A_82, %scan3A_68 : i32
      %add3A_84 = arith.constant 1 : i32
      %add3A_85 = arith.addi %mul3A_83, %add3A_84 : i32
      %dma_wait3A_86 = arith.constant 0 : i32
      %dma_wait3A_87 = tpu.memref_slice %arg7[%add3A_85, %dma_wait3A_86] : memref<40x128xi32, #tpu.memory_space<vmem>> -> memref<1x128xi32, #tpu.memory_space<vmem>>
      %dma_wait3A_88 = tpu.memref_squeeze %dma_wait3A_87 : memref<1x128xi32, #tpu.memory_space<vmem>> -> memref<128xi32, #tpu.memory_space<vmem>>
      %dma_wait3A_89 = arith.constant 0 : i32
      %dma_wait3A_90 = arith.constant 0 : i32
      %dma_wait3A_91 = tpu.memref_slice %arg2[%dma_wait3A_89, %dma_wait3A_90] : memref<10240x128xf32, #tpu.memory_space<hbm>> -> memref<10240x128xf32, #tpu.memory_space<hbm>>
      tpu.wait_indirect_dma semaphore(%arg13 : memref<!tpu.dma_semaphore, #tpu.memory_space<semaphore_mem>>) src(%dma_wait3A_91 : memref<10240x128xf32, #tpu.memory_space<hbm>>) dst(%arg10 : memref<128x128xf32, #tpu.memory_space<vmem>>)
      "tpu.region"() ({
        %run_scoped3A = tpu.sem_alloc : memref<!tpu.dma_semaphore, #tpu.memory_space<semaphore_mem>>
        %dma_start3A_99 = arith.constant 0 : i32
        %dma_start3A_100 = tpu.memref_slice %arg8[%add3A_85, %dma_start3A_99] : memref<40x128xi32, #tpu.memory_space<vmem>> -> memref<1x128xi32, #tpu.memory_space<vmem>>
        %dma_start3A_101 = tpu.memref_squeeze %dma_start3A_100 : memref<1x128xi32, #tpu.memory_space<vmem>> -> memref<128xi32, #tpu.memory_space<vmem>>
        %dma_start3A_102 = arith.constant 0 : i32
        %dma_start3A_103 = arith.constant 0 : i32
        %dma_start3A_104 = tpu.memref_slice %arg11[%dma_start3A_102, %dma_start3A_103] : memref<10240x128xf32, #tpu.memory_space<vmem_shared>> -> memref<10240x128xf32, #tpu.memory_space<vmem_shared>>
        tpu.enqueue_indirect_dma source(%arg10 : memref<128x128xf32, #tpu.memory_space<vmem>>) target(%dma_start3A_104 : memref<10240x128xf32, #tpu.memory_space<vmem_shared>>) offsets(%dma_start3A_101 : memref<128xi32, #tpu.memory_space<vmem>>) semaphore(%run_scoped3A : memref<!tpu.dma_semaphore, #tpu.memory_space<semaphore_mem>>) {add = true}
        %dma_wait3A_105 = arith.constant 0 : i32
        %dma_wait3A_106 = tpu.memref_slice %arg8[%add3A_85, %dma_wait3A_105] : memref<40x128xi32, #tpu.memory_space<vmem>> -> memref<1x128xi32, #tpu.memory_space<vmem>>
        %dma_wait3A_107 = tpu.memref_squeeze %dma_wait3A_106 : memref<1x128xi32, #tpu.memory_space<vmem>> -> memref<128xi32, #tpu.memory_space<vmem>>
        %dma_wait3A_108 = arith.constant 0 : i32
        %dma_wait3A_109 = arith.constant 0 : i32
        %dma_wait3A_110 = tpu.memref_slice %arg11[%dma_wait3A_108, %dma_wait3A_109] : memref<10240x128xf32, #tpu.memory_space<vmem_shared>> -> memref<10240x128xf32, #tpu.memory_space<vmem_shared>>
        tpu.wait_indirect_dma semaphore(%run_scoped3A : memref<!tpu.dma_semaphore, #tpu.memory_space<semaphore_mem>>) src(%arg10 : memref<128x128xf32, #tpu.memory_space<vmem>>) dst(%dma_wait3A_110 : memref<10240x128xf32, #tpu.memory_space<vmem_shared>>)
        tpu.yield
      }) : () -> ()
      %add3A_92 = arith.constant 2 : i32
      %add3A_93 = arith.addi %add3A_85, %add3A_92 : i32
      %lt3A_94 = arith.constant 40 : i32
      %lt3A_95 = arith.cmpi slt, %add3A_93, %lt3A_94 : i32
      %convert_element_type3A_96 = arith.extui %lt3A_95 : i1 to i32
      %cond3A_97 = arith.constant 0 : i32
      %cond3A_98 = arith.cmpi ne, %convert_element_type3A_96, %cond3A_97 : i32
      scf.if %cond3A_98 {
        %add3A_99 = arith.constant 2 : i32
        %add3A_100 = arith.addi %add3A_85, %add3A_99 : i32
        %dma_start3A_101 = arith.constant 0 : i32
        %dma_start3A_102 = tpu.memref_slice %arg7[%add3A_100, %dma_start3A_101] : memref<40x128xi32, #tpu.memory_space<vmem>> -> memref<1x128xi32, #tpu.memory_space<vmem>>
        %dma_start3A_103 = tpu.memref_squeeze %dma_start3A_102 : memref<1x128xi32, #tpu.memory_space<vmem>> -> memref<128xi32, #tpu.memory_space<vmem>>
        %dma_start3A_104 = arith.constant 0 : i32
        %dma_start3A_105 = arith.constant 0 : i32
        %dma_start3A_106 = tpu.memref_slice %arg2[%dma_start3A_104, %dma_start3A_105] : memref<10240x128xf32, #tpu.memory_space<hbm>> -> memref<10240x128xf32, #tpu.memory_space<hbm>>
        tpu.enqueue_indirect_dma source(%dma_start3A_106 : memref<10240x128xf32, #tpu.memory_space<hbm>>) target(%arg10 : memref<128x128xf32, #tpu.memory_space<vmem>>) offsets(%dma_start3A_103 : memref<128xi32, #tpu.memory_space<vmem>>) semaphore(%arg13 : memref<!tpu.dma_semaphore, #tpu.memory_space<semaphore_mem>>)
      } else {
      }
    }
    %scan3A_64 = arith.constant 20 : i32
    %barrier3A_65 = arith.constant 0 : index
    tpu.barrier barrier_id(%barrier3A_65)
    %mul3A_66 = arith.constant 640 : i32
    %mul3A_67 = arith.muli %arg1, %mul3A_66 : i32
    "tpu.region"() ({
      %run_scoped3A = tpu.sem_alloc : memref<!tpu.dma_semaphore, #tpu.memory_space<semaphore_mem>>
      %dma_start3A_68 = arith.constant 0 : i32
      %dma_start3A_69 = tpu.memref_slice %arg6[%arg0, %mul3A_67, %dma_start3A_68] : memref<2x10240x128xf32, #tpu.memory_space<hbm>> -> memref<1x640x128xf32, #tpu.memory_space<hbm>>
      %dma_start3A_70 = tpu.memref_squeeze %dma_start3A_69 : memref<1x640x128xf32, #tpu.memory_space<hbm>> -> memref<640x128xf32, #tpu.memory_space<hbm>>
      %dma_start3A_71 = arith.constant 0 : i32
      %dma_start3A_72 = tpu.memref_slice %arg11[%mul3A_67, %dma_start3A_71] : memref<10240x128xf32, #tpu.memory_space<vmem_shared>> -> memref<640x128xf32, #tpu.memory_space<vmem_shared>>
      tpu.enqueue_dma source(%dma_start3A_72 : memref<640x128xf32, #tpu.memory_space<vmem_shared>>) target(%dma_start3A_70 : memref<640x128xf32, #tpu.memory_space<hbm>>) target_semaphore(%run_scoped3A : memref<!tpu.dma_semaphore, #tpu.memory_space<semaphore_mem>>)
      %dma_wait3A = arith.constant 0 : i32
      %dma_wait3A_73 = tpu.memref_slice %arg6[%arg0, %mul3A_67, %dma_wait3A] : memref<2x10240x128xf32, #tpu.memory_space<hbm>> -> memref<1x640x128xf32, #tpu.memory_space<hbm>>
      %dma_wait3A_74 = tpu.memref_squeeze %dma_wait3A_73 : memref<1x640x128xf32, #tpu.memory_space<hbm>> -> memref<640x128xf32, #tpu.memory_space<hbm>>
      %dma_wait3A_75 = arith.constant 0 : i32
      %dma_wait3A_76 = tpu.memref_slice %arg11[%mul3A_67, %dma_wait3A_75] : memref<10240x128xf32, #tpu.memory_space<vmem_shared>> -> memref<640x128xf32, #tpu.memory_space<vmem_shared>>
      tpu.wait_dma2 semaphore(%run_scoped3A : memref<!tpu.dma_semaphore, #tpu.memory_space<semaphore_mem>>) src(%dma_wait3A_76 : memref<640x128xf32, #tpu.memory_space<vmem_shared>>) dst(%dma_wait3A_74 : memref<640x128xf32, #tpu.memory_space<hbm>>)
      tpu.yield
    }) : () -> ()
    return
  }
}

module attributes {stable_mosaic.version = 14 : i64} {
  func.func @_mm_first_body(%arg0: i32, %arg1: memref<1024x128xf32, #tpu.memory_space<vmem>>, %arg2: memref<1024x1xf32, #tpu.memory_space<vmem>>, %arg3: memref<1024x1xf32, #tpu.memory_space<vmem>>, %arg4: memref<128x128xf32, #tpu.memory_space<vmem>>, %arg5: memref<1024x128xf32, #tpu.memory_space<vmem>>) attributes {dimension_semantics = [#tpu.dimension_semantics<arbitrary>], iteration_bounds = array<i64: 10>, scalar_prefetch = 0 : i64, scratch_operands = 0 : i64, tpu.core_type = #tpu.core_type<tc>, window_params = [{transform_indices = @transform_0, window_bounds = array<i64: 1024, 128>}, {transform_indices = @transform_1, window_bounds = array<i64: 1024, 1>}, {transform_indices = @transform_2, window_bounds = array<i64: 1024, 1>}, {pipeline_mode = #tpu.pipeline_mode<synchronous>, transform_indices = @transform_3, window_bounds = array<i64: 128, 128>}, {transform_indices = @transform_4, window_bounds = array<i64: 1024, 128>}]} {
    %get3A = arith.constant 0 : index
    %get3A_0 = arith.constant 0 : index
    %get3A_1 = vector.load %arg2[%get3A, %get3A_0] : memref<1024x1xf32, #tpu.memory_space<vmem>>, vector<1024x1xf32>
    %get3A_2 = arith.constant 0 : index
    %get3A_3 = arith.constant 0 : index
    %get3A_4 = vector.load %arg3[%get3A_2, %get3A_3] : memref<1024x1xf32, #tpu.memory_space<vmem>>, vector<1024x1xf32>
    %add3A = arith.addf %get3A_1, %get3A_4 : vector<1024x1xf32>
    %add3A_5 = arith.constant 1.000000e+00 : f32
    %add3A_6 = vector.broadcast %add3A_5 : f32 to vector<1024x1xf32>
    %add3A_7 = arith.addf %add3A, %add3A_6 : vector<1024x1xf32>
    %max3A = arith.constant 1.000000e+00 : f32
    %max3A_8 = vector.broadcast %max3A : f32 to vector<1024x1xf32>
    %max3A_9 = arith.maximumf %add3A_7, %max3A_8 : vector<1024x1xf32>
    %rsqrt3A = math.rsqrt %max3A_9 : vector<1024x1xf32>
    %get3A_10 = arith.constant 0 : index
    %get3A_11 = arith.constant 0 : index
    %get3A_12 = vector.load %arg1[%get3A_10, %get3A_11] : memref<1024x128xf32, #tpu.memory_space<vmem>>, vector<1024x128xf32>
    %mul3A = vector.broadcast %rsqrt3A : vector<1024x1xf32> to vector<1024x128xf32>
    %mul3A_13 = arith.mulf %get3A_12, %mul3A : vector<1024x128xf32>
    %get3A_14 = arith.constant 0 : index
    %get3A_15 = arith.constant 0 : index
    %get3A_16 = vector.load %arg4[%get3A_14, %get3A_15] : memref<128x128xf32, #tpu.memory_space<vmem>>, vector<128x128xf32>
    %dot_general3A = arith.constant dense<0.000000e+00> : vector<1024x128xf32>
    %dot_general3A_17 = tpu.matmul %mul3A_13, %get3A_16, %dot_general3A {dimension_numbers = #tpu.dot_dimension_numbers<[1], [0], [0], [1], [0, 0, 1, 1], [], []>, transpose_lhs_hint = false} : vector<1024x128xf32>, vector<128x128xf32>, vector<1024x128xf32> -> vector<1024x128xf32>
    %swap3A = arith.constant 0 : index
    %swap3A_18 = arith.constant 0 : index
    %swap3A_19 = vector.load %arg5[%swap3A, %swap3A_18] : memref<1024x128xf32, #tpu.memory_space<vmem>>, vector<1024x128xf32>
    tpu.vector_store %arg5[%swap3A, %swap3A_18], %dot_general3A_17 {strides = array<i32>} : memref<1024x128xf32, #tpu.memory_space<vmem>>, vector<1024x128xf32>,
    return
  }
  func.func @transform_0(%arg0: i32) -> (i32, i32) {
    %c0_i32 = arith.constant 0 : i32
    %c0_i32_0 = arith.constant 0 : i32
    return %arg0, %c0_i32 : i32, i32
  }
  func.func @transform_1(%arg0: i32) -> (i32, i32) {
    %c0_i32 = arith.constant 0 : i32
    %c0_i32_0 = arith.constant 0 : i32
    return %arg0, %c0_i32 : i32, i32
  }
  func.func @transform_2(%arg0: i32) -> (i32, i32) {
    %c0_i32 = arith.constant 0 : i32
    %c0_i32_0 = arith.constant 0 : i32
    return %arg0, %c0_i32 : i32, i32
  }
  func.func @transform_3(%arg0: i32) -> (i32, i32) {
    %c0_i32 = arith.constant 0 : i32
    %c0_i32_0 = arith.constant 0 : i32
    %c0_i32_1 = arith.constant 0 : i32
    return %c0_i32, %c0_i32_0 : i32, i32
  }
  func.func @transform_4(%arg0: i32) -> (i32, i32) {
    %c0_i32 = arith.constant 0 : i32
    %c0_i32_0 = arith.constant 0 : i32
    return %arg0, %c0_i32 : i32, i32
  }
}

module attributes {stable_mosaic.version = 14 : i64} {
  func.func @_mm_layer_body(%arg0: i32, %arg1: memref<1024x128xf32, #tpu.memory_space<vmem>>, %arg2: memref<1024x128xf32, #tpu.memory_space<vmem>>, %arg3: memref<1024x128xf32, #tpu.memory_space<vmem>>, %arg4: memref<1024x1xf32, #tpu.memory_space<vmem>>, %arg5: memref<1024x1xf32, #tpu.memory_space<vmem>>, %arg6: memref<1024x1xf32, #tpu.memory_space<vmem>>, %arg7: memref<1024x1xf32, #tpu.memory_space<vmem>>, %arg8: memref<1x128xf32, #tpu.memory_space<vmem>>, %arg9: memref<128x128xf32, #tpu.memory_space<vmem>>, %arg10: memref<1024x128xf32, #tpu.memory_space<vmem>>) attributes {dimension_semantics = [#tpu.dimension_semantics<arbitrary>], iteration_bounds = array<i64: 10>, scalar_prefetch = 0 : i64, scratch_operands = 0 : i64, tpu.core_type = #tpu.core_type<tc>, window_params = [{transform_indices = @transform_0, window_bounds = array<i64: 1024, 128>}, {transform_indices = @transform_1, window_bounds = array<i64: 1024, 128>}, {transform_indices = @transform_2, window_bounds = array<i64: 1024, 128>}, {transform_indices = @transform_3, window_bounds = array<i64: 1024, 1>}, {transform_indices = @transform_4, window_bounds = array<i64: 1024, 1>}, {transform_indices = @transform_5, window_bounds = array<i64: 1024, 1>}, {transform_indices = @transform_6, window_bounds = array<i64: 1024, 1>}, {pipeline_mode = #tpu.pipeline_mode<synchronous>, transform_indices = @transform_7, window_bounds = array<i64: 1, 128>}, {pipeline_mode = #tpu.pipeline_mode<synchronous>, transform_indices = @transform_8, window_bounds = array<i64: 128, 128>}, {transform_indices = @transform_9, window_bounds = array<i64: 1024, 128>}]} {
    %get3A = arith.constant 0 : index
    %get3A_0 = arith.constant 0 : index
    %get3A_1 = vector.load %arg4[%get3A, %get3A_0] : memref<1024x1xf32, #tpu.memory_space<vmem>>, vector<1024x1xf32>
    %get3A_2 = arith.constant 0 : index
    %get3A_3 = arith.constant 0 : index
    %get3A_4 = vector.load %arg5[%get3A_2, %get3A_3] : memref<1024x1xf32, #tpu.memory_space<vmem>>, vector<1024x1xf32>
    %add3A = arith.addf %get3A_1, %get3A_4 : vector<1024x1xf32>
    %add3A_5 = arith.constant 1.000000e+00 : f32
    %add3A_6 = vector.broadcast %add3A_5 : f32 to vector<1024x1xf32>
    %add3A_7 = arith.addf %add3A, %add3A_6 : vector<1024x1xf32>
    %max3A = arith.constant 1.000000e+00 : f32
    %max3A_8 = vector.broadcast %max3A : f32 to vector<1024x1xf32>
    %max3A_9 = arith.maximumf %add3A_7, %max3A_8 : vector<1024x1xf32>
    %rsqrt3A = math.rsqrt %max3A_9 : vector<1024x1xf32>
    %get3A_10 = arith.constant 0 : index
    %get3A_11 = arith.constant 0 : index
    %get3A_12 = vector.load %arg1[%get3A_10, %get3A_11] : memref<1024x128xf32, #tpu.memory_space<vmem>>, vector<1024x128xf32>
    %get3A_13 = arith.constant 0 : index
    %get3A_14 = arith.constant 0 : index
    %get3A_15 = vector.load %arg2[%get3A_13, %get3A_14] : memref<1024x128xf32, #tpu.memory_space<vmem>>, vector<1024x128xf32>
    %add3A_16 = arith.addf %get3A_12, %get3A_15 : vector<1024x128xf32>
    %get3A_17 = arith.constant 0 : index
    %get3A_18 = arith.constant 0 : index
    %get3A_19 = vector.load %arg3[%get3A_17, %get3A_18] : memref<1024x128xf32, #tpu.memory_space<vmem>>, vector<1024x128xf32>
    %add3A_20 = arith.addf %add3A_16, %get3A_19 : vector<1024x128xf32>
    %mul3A = vector.broadcast %rsqrt3A : vector<1024x1xf32> to vector<1024x128xf32>
    %mul3A_21 = arith.mulf %add3A_20, %mul3A : vector<1024x128xf32>
    %get3A_22 = arith.constant 0 : index
    %get3A_23 = arith.constant 0 : index
    %get3A_24 = vector.load %arg8[%get3A_22, %get3A_23] : memref<1x128xf32, #tpu.memory_space<vmem>>, vector<1x128xf32>
    %add3A_25 = vector.broadcast %get3A_24 : vector<1x128xf32> to vector<1024x128xf32>
    %add3A_26 = arith.addf %mul3A_21, %add3A_25 : vector<1024x128xf32>
    %max3A_27 = arith.constant 0.000000e+00 : f32
    %max3A_28 = vector.broadcast %max3A_27 : f32 to vector<1024x128xf32>
    %max3A_29 = arith.maximumf %add3A_26, %max3A_28 : vector<1024x128xf32>
    %get3A_30 = arith.constant 0 : index
    %get3A_31 = arith.constant 0 : index
    %get3A_32 = vector.load %arg6[%get3A_30, %get3A_31] : memref<1024x1xf32, #tpu.memory_space<vmem>>, vector<1024x1xf32>
    %get3A_33 = arith.constant 0 : index
    %get3A_34 = arith.constant 0 : index
    %get3A_35 = vector.load %arg7[%get3A_33, %get3A_34] : memref<1024x1xf32, #tpu.memory_space<vmem>>, vector<1024x1xf32>
    %add3A_36 = arith.addf %get3A_32, %get3A_35 : vector<1024x1xf32>
    %add3A_37 = arith.constant 1.000000e+00 : f32
    %add3A_38 = vector.broadcast %add3A_37 : f32 to vector<1024x1xf32>
    %add3A_39 = arith.addf %add3A_36, %add3A_38 : vector<1024x1xf32>
    %max3A_40 = arith.constant 1.000000e+00 : f32
    %max3A_41 = vector.broadcast %max3A_40 : f32 to vector<1024x1xf32>
    %max3A_42 = arith.maximumf %add3A_39, %max3A_41 : vector<1024x1xf32>
    %rsqrt3A_43 = math.rsqrt %max3A_42 : vector<1024x1xf32>
    %mul3A_44 = vector.broadcast %rsqrt3A_43 : vector<1024x1xf32> to vector<1024x128xf32>
    %mul3A_45 = arith.mulf %max3A_29, %mul3A_44 : vector<1024x128xf32>
    %get3A_46 = arith.constant 0 : index
    %get3A_47 = arith.constant 0 : index
    %get3A_48 = vector.load %arg9[%get3A_46, %get3A_47] : memref<128x128xf32, #tpu.memory_space<vmem>>, vector<128x128xf32>
    %dot_general3A = arith.constant dense<0.000000e+00> : vector<1024x128xf32>
    %dot_general3A_49 = tpu.matmul %mul3A_45, %get3A_48, %dot_general3A {dimension_numbers = #tpu.dot_dimension_numbers<[1], [0], [0], [1], [0, 0, 1, 1], [], []>, transpose_lhs_hint = false} : vector<1024x128xf32>, vector<128x128xf32>, vector<1024x128xf32> -> vector<1024x128xf32>
    %swap3A = arith.constant 0 : index
    %swap3A_50 = arith.constant 0 : index
    %swap3A_51 = vector.load %arg10[%swap3A, %swap3A_50] : memref<1024x128xf32, #tpu.memory_space<vmem>>, vector<1024x128xf32>
    tpu.vector_store %arg10[%swap3A, %swap3A_50], %dot_general3A_49 {strides = array<i32>} : memref<1024x128xf32, #tpu.memory_space<vmem>>, vector<1024x128xf32>,
    return
  }
  func.func @transform_0(%arg0: i32) -> (i32, i32) {
    %c0_i32 = arith.constant 0 : i32
    %c0_i32_0 = arith.constant 0 : i32
    return %arg0, %c0_i32 : i32, i32
  }
  func.func @transform_1(%arg0: i32) -> (i32, i32) {
    %c0_i32 = arith.constant 0 : i32
    %c0_i32_0 = arith.constant 0 : i32
    return %arg0, %c0_i32 : i32, i32
  }
  func.func @transform_2(%arg0: i32) -> (i32, i32) {
    %c0_i32 = arith.constant 0 : i32
    %c0_i32_0 = arith.constant 0 : i32
    return %arg0, %c0_i32 : i32, i32
  }
  func.func @transform_3(%arg0: i32) -> (i32, i32) {
    %c0_i32 = arith.constant 0 : i32
    %c0_i32_0 = arith.constant 0 : i32
    return %arg0, %c0_i32 : i32, i32
  }
  func.func @transform_4(%arg0: i32) -> (i32, i32) {
    %c0_i32 = arith.constant 0 : i32
    %c0_i32_0 = arith.constant 0 : i32
    return %arg0, %c0_i32 : i32, i32
  }
  func.func @transform_5(%arg0: i32) -> (i32, i32) {
    %c0_i32 = arith.constant 0 : i32
    %c0_i32_0 = arith.constant 0 : i32
    return %arg0, %c0_i32 : i32, i32
  }
  func.func @transform_6(%arg0: i32) -> (i32, i32) {
    %c0_i32 = arith.constant 0 : i32
    %c0_i32_0 = arith.constant 0 : i32
    return %arg0, %c0_i32 : i32, i32
  }
  func.func @transform_7(%arg0: i32) -> (i32, i32) {
    %c0_i32 = arith.constant 0 : i32
    %c0_i32_0 = arith.constant 0 : i32
    %c0_i32_1 = arith.constant 0 : i32
    return %c0_i32, %c0_i32_0 : i32, i32
  }
  func.func @transform_8(%arg0: i32) -> (i32, i32) {
    %c0_i32 = arith.constant 0 : i32
    %c0_i32_0 = arith.constant 0 : i32
    %c0_i32_1 = arith.constant 0 : i32
    return %c0_i32, %c0_i32_0 : i32, i32
  }
  func.func @transform_9(%arg0: i32) -> (i32, i32) {
    %c0_i32 = arith.constant 0 : i32
    %c0_i32_0 = arith.constant 0 : i32
    return %arg0, %c0_i32 : i32, i32
  }
}

module attributes {stable_mosaic.version = 14 : i64} {
  func.func @_final_body(%arg0: i32, %arg1: memref<400x128xf32, #tpu.memory_space<vmem>>, %arg2: memref<400x128xf32, #tpu.memory_space<vmem>>, %arg3: memref<400x128xf32, #tpu.memory_space<vmem>>, %arg4: memref<400x1xf32, #tpu.memory_space<vmem>>, %arg5: memref<400x1xf32, #tpu.memory_space<vmem>>, %arg6: memref<1x128xf32, #tpu.memory_space<vmem>>, %arg7: memref<16x400x128xf32, #tpu.memory_space<vmem>>, %arg8: memref<16x1xf32, #tpu.memory_space<vmem>>, %arg9: memref<16x128xf32, #tpu.memory_space<vmem>>) attributes {dimension_semantics = [#tpu.dimension_semantics<arbitrary>], iteration_bounds = array<i64: 25>, scalar_prefetch = 0 : i64, scratch_operands = 1 : i64, tpu.core_type = #tpu.core_type<tc>, window_params = [{transform_indices = @transform_0, window_bounds = array<i64: 400, 128>}, {transform_indices = @transform_1, window_bounds = array<i64: 400, 128>}, {transform_indices = @transform_2, window_bounds = array<i64: 400, 128>}, {transform_indices = @transform_3, window_bounds = array<i64: 400, 1>}, {transform_indices = @transform_4, window_bounds = array<i64: 400, 1>}, {pipeline_mode = #tpu.pipeline_mode<synchronous>, transform_indices = @transform_5, window_bounds = array<i64: 1, 128>}, {transform_indices = @transform_6, window_bounds = array<i64: 16, 400, 128>}, {pipeline_mode = #tpu.pipeline_mode<synchronous>, transform_indices = @transform_7, window_bounds = array<i64: 16, 1>}]} {
    %eq3A = arith.constant 0 : i32
    %eq3A_0 = arith.cmpi eq, %arg0, %eq3A : i32
    %convert_element_type3A = arith.extui %eq3A_0 : i1 to i32
    %cond3A = arith.constant 0 : i32
    %cond3A_1 = arith.cmpi ne, %convert_element_type3A, %cond3A : i32
    scf.if %cond3A_1 {
      %broadcast_in_dim3A_290 = arith.constant 0.000000e+00 : f32
      %broadcast_in_dim3A_291 = vector.broadcast %broadcast_in_dim3A_290 : f32 to vector<16x128xf32>
      %swap3A_292 = arith.constant 0 : index
      %swap3A_293 = arith.constant 0 : index
      %swap3A_294 = vector.load %arg9[%swap3A_292, %swap3A_293] : memref<16x128xf32, #tpu.memory_space<vmem>>, vector<16x128xf32>
      tpu.vector_store %arg9[%swap3A_292, %swap3A_293], %broadcast_in_dim3A_291 {strides = array<i32>} : memref<16x128xf32, #tpu.memory_space<vmem>>, vector<16x128xf32>,
    } else {
    }
    %get3A = arith.constant 0 : index
    %get3A_2 = arith.constant 0 : index
    %get3A_3 = vector.load %arg4[%get3A, %get3A_2] : memref<400x1xf32, #tpu.memory_space<vmem>>, vector<400x1xf32>
    %get3A_4 = arith.constant 0 : index
    %get3A_5 = arith.constant 0 : index
    %get3A_6 = vector.load %arg5[%get3A_4, %get3A_5] : memref<400x1xf32, #tpu.memory_space<vmem>>, vector<400x1xf32>
    %add3A = arith.addf %get3A_3, %get3A_6 : vector<400x1xf32>
    %add3A_7 = arith.constant 1.000000e+00 : f32
    %add3A_8 = vector.broadcast %add3A_7 : f32 to vector<400x1xf32>
    %add3A_9 = arith.addf %add3A, %add3A_8 : vector<400x1xf32>
    %max3A = arith.constant 1.000000e+00 : f32
    %max3A_10 = vector.broadcast %max3A : f32 to vector<400x1xf32>
    %max3A_11 = arith.maximumf %add3A_9, %max3A_10 : vector<400x1xf32>
    %rsqrt3A = math.rsqrt %max3A_11 : vector<400x1xf32>
    %get3A_12 = arith.constant 0 : index
    %get3A_13 = arith.constant 0 : index
    %get3A_14 = vector.load %arg1[%get3A_12, %get3A_13] : memref<400x128xf32, #tpu.memory_space<vmem>>, vector<400x128xf32>
    %get3A_15 = arith.constant 0 : index
    %get3A_16 = arith.constant 0 : index
    %get3A_17 = vector.load %arg2[%get3A_15, %get3A_16] : memref<400x128xf32, #tpu.memory_space<vmem>>, vector<400x128xf32>
    %add3A_18 = arith.addf %get3A_14, %get3A_17 : vector<400x128xf32>
    %get3A_19 = arith.constant 0 : index
    %get3A_20 = arith.constant 0 : index
    %get3A_21 = vector.load %arg3[%get3A_19, %get3A_20] : memref<400x128xf32, #tpu.memory_space<vmem>>, vector<400x128xf32>
    %add3A_22 = arith.addf %add3A_18, %get3A_21 : vector<400x128xf32>
    %mul3A = vector.broadcast %rsqrt3A : vector<400x1xf32> to vector<400x128xf32>
    %mul3A_23 = arith.mulf %add3A_22, %mul3A : vector<400x128xf32>
    %get3A_24 = arith.constant 0 : index
    %get3A_25 = arith.constant 0 : index
    %get3A_26 = vector.load %arg6[%get3A_24, %get3A_25] : memref<1x128xf32, #tpu.memory_space<vmem>>, vector<1x128xf32>
    %add3A_27 = vector.broadcast %get3A_26 : vector<1x128xf32> to vector<400x128xf32>
    %add3A_28 = arith.addf %mul3A_23, %add3A_27 : vector<400x128xf32>
    %max3A_29 = arith.constant 0.000000e+00 : f32
    %max3A_30 = vector.broadcast %max3A_29 : f32 to vector<400x128xf32>
    %max3A_31 = arith.maximumf %add3A_28, %max3A_30 : vector<400x128xf32>
    %get3A_32 = arith.constant 0 : index
    %get3A_33 = arith.constant 0 : index
    %get3A_34 = vector.load %arg9[%get3A_32, %get3A_33] : memref<16x128xf32, #tpu.memory_space<vmem>>, vector<1x128xf32>
    %get3A_35 = arith.constant 0 : index
    %get3A_36 = arith.constant 0 : index
    %get3A_37 = arith.constant 0 : index
    %get3A_38 = vector.load %arg7[%get3A_35, %get3A_36, %get3A_37] : memref<16x400x128xf32, #tpu.memory_space<vmem>>, vector<1x400x128xf32>
    %get3A_39 = vector.shape_cast %get3A_38 : vector<1x400x128xf32> to vector<400x128xf32>
    %mul3A_40 = arith.mulf %get3A_39, %max3A_31 : vector<400x128xf32>
    %reduce_sum3A = arith.constant dense<0.000000e+00> : vector<128xf32>
    %reduce_sum3A_41 = vector.multi_reduction <add>, %mul3A_40, %reduce_sum3A [0] : vector<400x128xf32> to vector<128xf32>
    %broadcast_in_dim3A = vector.shape_cast %reduce_sum3A_41 : vector<128xf32> to vector<1x128xf32>
    %add3A_42 = arith.addf %get3A_34, %broadcast_in_dim3A : vector<1x128xf32>
    %swap3A = arith.constant 0 : index
    %swap3A_43 = arith.constant 0 : index
    %swap3A_44 = vector.load %arg9[%swap3A, %swap3A_43] : memref<16x128xf32, #tpu.memory_space<vmem>>, vector<1x128xf32>
    tpu.vector_store %arg9[%swap3A, %swap3A_43], %add3A_42 {strides = array<i32>} : memref<16x128xf32, #tpu.memory_space<vmem>>, vector<1x128xf32>,
    %get3A_45 = arith.constant 1 : index
    %get3A_46 = arith.constant 0 : index
    %get3A_47 = vector.load %arg9[%get3A_45, %get3A_46] : memref<16x128xf32, #tpu.memory_space<vmem>>, vector<1x128xf32>
    %get3A_48 = arith.constant 1 : index
    %get3A_49 = arith.constant 0 : index
    %get3A_50 = arith.constant 0 : index
    %get3A_51 = vector.load %arg7[%get3A_48, %get3A_49, %get3A_50] : memref<16x400x128xf32, #tpu.memory_space<vmem>>, vector<1x400x128xf32>
    %get3A_52 = vector.shape_cast %get3A_51 : vector<1x400x128xf32> to vector<400x128xf32>
    %mul3A_53 = arith.mulf %get3A_52, %max3A_31 : vector<400x128xf32>
    %reduce_sum3A_54 = arith.constant dense<0.000000e+00> : vector<128xf32>
    %reduce_sum3A_55 = vector.multi_reduction <add>, %mul3A_53, %reduce_sum3A_54 [0] : vector<400x128xf32> to vector<128xf32>
    %broadcast_in_dim3A_56 = vector.shape_cast %reduce_sum3A_55 : vector<128xf32> to vector<1x128xf32>
    %add3A_57 = arith.addf %get3A_47, %broadcast_in_dim3A_56 : vector<1x128xf32>
    %swap3A_58 = arith.constant 1 : index
    %swap3A_59 = arith.constant 0 : index
    %swap3A_60 = vector.load %arg9[%swap3A_58, %swap3A_59] : memref<16x128xf32, #tpu.memory_space<vmem>>, vector<1x128xf32>
    tpu.vector_store %arg9[%swap3A_58, %swap3A_59], %add3A_57 {strides = array<i32>} : memref<16x128xf32, #tpu.memory_space<vmem>>, vector<1x128xf32>,
    %get3A_61 = arith.constant 2 : index
    %get3A_62 = arith.constant 0 : index
    %get3A_63 = vector.load %arg9[%get3A_61, %get3A_62] : memref<16x128xf32, #tpu.memory_space<vmem>>, vector<1x128xf32>
    %get3A_64 = arith.constant 2 : index
    %get3A_65 = arith.constant 0 : index
    %get3A_66 = arith.constant 0 : index
    %get3A_67 = vector.load %arg7[%get3A_64, %get3A_65, %get3A_66] : memref<16x400x128xf32, #tpu.memory_space<vmem>>, vector<1x400x128xf32>
    %get3A_68 = vector.shape_cast %get3A_67 : vector<1x400x128xf32> to vector<400x128xf32>
    %mul3A_69 = arith.mulf %get3A_68, %max3A_31 : vector<400x128xf32>
    %reduce_sum3A_70 = arith.constant dense<0.000000e+00> : vector<128xf32>
    %reduce_sum3A_71 = vector.multi_reduction <add>, %mul3A_69, %reduce_sum3A_70 [0] : vector<400x128xf32> to vector<128xf32>
    %broadcast_in_dim3A_72 = vector.shape_cast %reduce_sum3A_71 : vector<128xf32> to vector<1x128xf32>
    %add3A_73 = arith.addf %get3A_63, %broadcast_in_dim3A_72 : vector<1x128xf32>
    %swap3A_74 = arith.constant 2 : index
    %swap3A_75 = arith.constant 0 : index
    %swap3A_76 = vector.load %arg9[%swap3A_74, %swap3A_75] : memref<16x128xf32, #tpu.memory_space<vmem>>, vector<1x128xf32>
    tpu.vector_store %arg9[%swap3A_74, %swap3A_75], %add3A_73 {strides = array<i32>} : memref<16x128xf32, #tpu.memory_space<vmem>>, vector<1x128xf32>,
    %get3A_77 = arith.constant 3 : index
    %get3A_78 = arith.constant 0 : index
    %get3A_79 = vector.load %arg9[%get3A_77, %get3A_78] : memref<16x128xf32, #tpu.memory_space<vmem>>, vector<1x128xf32>
    %get3A_80 = arith.constant 3 : index
    %get3A_81 = arith.constant 0 : index
    %get3A_82 = arith.constant 0 : index
    %get3A_83 = vector.load %arg7[%get3A_80, %get3A_81, %get3A_82] : memref<16x400x128xf32, #tpu.memory_space<vmem>>, vector<1x400x128xf32>
    %get3A_84 = vector.shape_cast %get3A_83 : vector<1x400x128xf32> to vector<400x128xf32>
    %mul3A_85 = arith.mulf %get3A_84, %max3A_31 : vector<400x128xf32>
    %reduce_sum3A_86 = arith.constant dense<0.000000e+00> : vector<128xf32>
    %reduce_sum3A_87 = vector.multi_reduction <add>, %mul3A_85, %reduce_sum3A_86 [0] : vector<400x128xf32> to vector<128xf32>
    %broadcast_in_dim3A_88 = vector.shape_cast %reduce_sum3A_87 : vector<128xf32> to vector<1x128xf32>
    %add3A_89 = arith.addf %get3A_79, %broadcast_in_dim3A_88 : vector<1x128xf32>
    %swap3A_90 = arith.constant 3 : index
    %swap3A_91 = arith.constant 0 : index
    %swap3A_92 = vector.load %arg9[%swap3A_90, %swap3A_91] : memref<16x128xf32, #tpu.memory_space<vmem>>, vector<1x128xf32>
    tpu.vector_store %arg9[%swap3A_90, %swap3A_91], %add3A_89 {strides = array<i32>} : memref<16x128xf32, #tpu.memory_space<vmem>>, vector<1x128xf32>,
    %get3A_93 = arith.constant 4 : index
    %get3A_94 = arith.constant 0 : index
    %get3A_95 = vector.load %arg9[%get3A_93, %get3A_94] : memref<16x128xf32, #tpu.memory_space<vmem>>, vector<1x128xf32>
    %get3A_96 = arith.constant 4 : index
    %get3A_97 = arith.constant 0 : index
    %get3A_98 = arith.constant 0 : index
    %get3A_99 = vector.load %arg7[%get3A_96, %get3A_97, %get3A_98] : memref<16x400x128xf32, #tpu.memory_space<vmem>>, vector<1x400x128xf32>
    %get3A_100 = vector.shape_cast %get3A_99 : vector<1x400x128xf32> to vector<400x128xf32>
    %mul3A_101 = arith.mulf %get3A_100, %max3A_31 : vector<400x128xf32>
    %reduce_sum3A_102 = arith.constant dense<0.000000e+00> : vector<128xf32>
    %reduce_sum3A_103 = vector.multi_reduction <add>, %mul3A_101, %reduce_sum3A_102 [0] : vector<400x128xf32> to vector<128xf32>
    %broadcast_in_dim3A_104 = vector.shape_cast %reduce_sum3A_103 : vector<128xf32> to vector<1x128xf32>
    %add3A_105 = arith.addf %get3A_95, %broadcast_in_dim3A_104 : vector<1x128xf32>
    %swap3A_106 = arith.constant 4 : index
    %swap3A_107 = arith.constant 0 : index
    %swap3A_108 = vector.load %arg9[%swap3A_106, %swap3A_107] : memref<16x128xf32, #tpu.memory_space<vmem>>, vector<1x128xf32>
    tpu.vector_store %arg9[%swap3A_106, %swap3A_107], %add3A_105 {strides = array<i32>} : memref<16x128xf32, #tpu.memory_space<vmem>>, vector<1x128xf32>,
    %get3A_109 = arith.constant 5 : index
    %get3A_110 = arith.constant 0 : index
    %get3A_111 = vector.load %arg9[%get3A_109, %get3A_110] : memref<16x128xf32, #tpu.memory_space<vmem>>, vector<1x128xf32>
    %get3A_112 = arith.constant 5 : index
    %get3A_113 = arith.constant 0 : index
    %get3A_114 = arith.constant 0 : index
    %get3A_115 = vector.load %arg7[%get3A_112, %get3A_113, %get3A_114] : memref<16x400x128xf32, #tpu.memory_space<vmem>>, vector<1x400x128xf32>
    %get3A_116 = vector.shape_cast %get3A_115 : vector<1x400x128xf32> to vector<400x128xf32>
    %mul3A_117 = arith.mulf %get3A_116, %max3A_31 : vector<400x128xf32>
    %reduce_sum3A_118 = arith.constant dense<0.000000e+00> : vector<128xf32>
    %reduce_sum3A_119 = vector.multi_reduction <add>, %mul3A_117, %reduce_sum3A_118 [0] : vector<400x128xf32> to vector<128xf32>
    %broadcast_in_dim3A_120 = vector.shape_cast %reduce_sum3A_119 : vector<128xf32> to vector<1x128xf32>
    %add3A_121 = arith.addf %get3A_111, %broadcast_in_dim3A_120 : vector<1x128xf32>
    %swap3A_122 = arith.constant 5 : index
    %swap3A_123 = arith.constant 0 : index
    %swap3A_124 = vector.load %arg9[%swap3A_122, %swap3A_123] : memref<16x128xf32, #tpu.memory_space<vmem>>, vector<1x128xf32>
    tpu.vector_store %arg9[%swap3A_122, %swap3A_123], %add3A_121 {strides = array<i32>} : memref<16x128xf32, #tpu.memory_space<vmem>>, vector<1x128xf32>,
    %get3A_125 = arith.constant 6 : index
    %get3A_126 = arith.constant 0 : index
    %get3A_127 = vector.load %arg9[%get3A_125, %get3A_126] : memref<16x128xf32, #tpu.memory_space<vmem>>, vector<1x128xf32>
    %get3A_128 = arith.constant 6 : index
    %get3A_129 = arith.constant 0 : index
    %get3A_130 = arith.constant 0 : index
    %get3A_131 = vector.load %arg7[%get3A_128, %get3A_129, %get3A_130] : memref<16x400x128xf32, #tpu.memory_space<vmem>>, vector<1x400x128xf32>
    %get3A_132 = vector.shape_cast %get3A_131 : vector<1x400x128xf32> to vector<400x128xf32>
    %mul3A_133 = arith.mulf %get3A_132, %max3A_31 : vector<400x128xf32>
    %reduce_sum3A_134 = arith.constant dense<0.000000e+00> : vector<128xf32>
    %reduce_sum3A_135 = vector.multi_reduction <add>, %mul3A_133, %reduce_sum3A_134 [0] : vector<400x128xf32> to vector<128xf32>
    %broadcast_in_dim3A_136 = vector.shape_cast %reduce_sum3A_135 : vector<128xf32> to vector<1x128xf32>
    %add3A_137 = arith.addf %get3A_127, %broadcast_in_dim3A_136 : vector<1x128xf32>
    %swap3A_138 = arith.constant 6 : index
    %swap3A_139 = arith.constant 0 : index
    %swap3A_140 = vector.load %arg9[%swap3A_138, %swap3A_139] : memref<16x128xf32, #tpu.memory_space<vmem>>, vector<1x128xf32>
    tpu.vector_store %arg9[%swap3A_138, %swap3A_139], %add3A_137 {strides = array<i32>} : memref<16x128xf32, #tpu.memory_space<vmem>>, vector<1x128xf32>,
    %get3A_141 = arith.constant 7 : index
    %get3A_142 = arith.constant 0 : index
    %get3A_143 = vector.load %arg9[%get3A_141, %get3A_142] : memref<16x128xf32, #tpu.memory_space<vmem>>, vector<1x128xf32>
    %get3A_144 = arith.constant 7 : index
    %get3A_145 = arith.constant 0 : index
    %get3A_146 = arith.constant 0 : index
    %get3A_147 = vector.load %arg7[%get3A_144, %get3A_145, %get3A_146] : memref<16x400x128xf32, #tpu.memory_space<vmem>>, vector<1x400x128xf32>
    %get3A_148 = vector.shape_cast %get3A_147 : vector<1x400x128xf32> to vector<400x128xf32>
    %mul3A_149 = arith.mulf %get3A_148, %max3A_31 : vector<400x128xf32>
    %reduce_sum3A_150 = arith.constant dense<0.000000e+00> : vector<128xf32>
    %reduce_sum3A_151 = vector.multi_reduction <add>, %mul3A_149, %reduce_sum3A_150 [0] : vector<400x128xf32> to vector<128xf32>
    %broadcast_in_dim3A_152 = vector.shape_cast %reduce_sum3A_151 : vector<128xf32> to vector<1x128xf32>
    %add3A_153 = arith.addf %get3A_143, %broadcast_in_dim3A_152 : vector<1x128xf32>
    %swap3A_154 = arith.constant 7 : index
    %swap3A_155 = arith.constant 0 : index
    %swap3A_156 = vector.load %arg9[%swap3A_154, %swap3A_155] : memref<16x128xf32, #tpu.memory_space<vmem>>, vector<1x128xf32>
    tpu.vector_store %arg9[%swap3A_154, %swap3A_155], %add3A_153 {strides = array<i32>} : memref<16x128xf32, #tpu.memory_space<vmem>>, vector<1x128xf32>,
    %get3A_157 = arith.constant 8 : index
    %get3A_158 = arith.constant 0 : index
    %get3A_159 = vector.load %arg9[%get3A_157, %get3A_158] : memref<16x128xf32, #tpu.memory_space<vmem>>, vector<1x128xf32>
    %get3A_160 = arith.constant 8 : index
    %get3A_161 = arith.constant 0 : index
    %get3A_162 = arith.constant 0 : index
    %get3A_163 = vector.load %arg7[%get3A_160, %get3A_161, %get3A_162] : memref<16x400x128xf32, #tpu.memory_space<vmem>>, vector<1x400x128xf32>
    %get3A_164 = vector.shape_cast %get3A_163 : vector<1x400x128xf32> to vector<400x128xf32>
    %mul3A_165 = arith.mulf %get3A_164, %max3A_31 : vector<400x128xf32>
    %reduce_sum3A_166 = arith.constant dense<0.000000e+00> : vector<128xf32>
    %reduce_sum3A_167 = vector.multi_reduction <add>, %mul3A_165, %reduce_sum3A_166 [0] : vector<400x128xf32> to vector<128xf32>
    %broadcast_in_dim3A_168 = vector.shape_cast %reduce_sum3A_167 : vector<128xf32> to vector<1x128xf32>
    %add3A_169 = arith.addf %get3A_159, %broadcast_in_dim3A_168 : vector<1x128xf32>
    %swap3A_170 = arith.constant 8 : index
    %swap3A_171 = arith.constant 0 : index
    %swap3A_172 = vector.load %arg9[%swap3A_170, %swap3A_171] : memref<16x128xf32, #tpu.memory_space<vmem>>, vector<1x128xf32>
    tpu.vector_store %arg9[%swap3A_170, %swap3A_171], %add3A_169 {strides = array<i32>} : memref<16x128xf32, #tpu.memory_space<vmem>>, vector<1x128xf32>,
    %get3A_173 = arith.constant 9 : index
    %get3A_174 = arith.constant 0 : index
    %get3A_175 = vector.load %arg9[%get3A_173, %get3A_174] : memref<16x128xf32, #tpu.memory_space<vmem>>, vector<1x128xf32>
    %get3A_176 = arith.constant 9 : index
    %get3A_177 = arith.constant 0 : index
    %get3A_178 = arith.constant 0 : index
    %get3A_179 = vector.load %arg7[%get3A_176, %get3A_177, %get3A_178] : memref<16x400x128xf32, #tpu.memory_space<vmem>>, vector<1x400x128xf32>
    %get3A_180 = vector.shape_cast %get3A_179 : vector<1x400x128xf32> to vector<400x128xf32>
    %mul3A_181 = arith.mulf %get3A_180, %max3A_31 : vector<400x128xf32>
    %reduce_sum3A_182 = arith.constant dense<0.000000e+00> : vector<128xf32>
    %reduce_sum3A_183 = vector.multi_reduction <add>, %mul3A_181, %reduce_sum3A_182 [0] : vector<400x128xf32> to vector<128xf32>
    %broadcast_in_dim3A_184 = vector.shape_cast %reduce_sum3A_183 : vector<128xf32> to vector<1x128xf32>
    %add3A_185 = arith.addf %get3A_175, %broadcast_in_dim3A_184 : vector<1x128xf32>
    %swap3A_186 = arith.constant 9 : index
    %swap3A_187 = arith.constant 0 : index
    %swap3A_188 = vector.load %arg9[%swap3A_186, %swap3A_187] : memref<16x128xf32, #tpu.memory_space<vmem>>, vector<1x128xf32>
    tpu.vector_store %arg9[%swap3A_186, %swap3A_187], %add3A_185 {strides = array<i32>} : memref<16x128xf32, #tpu.memory_space<vmem>>, vector<1x128xf32>,
    %get3A_189 = arith.constant 10 : index
    %get3A_190 = arith.constant 0 : index
    %get3A_191 = vector.load %arg9[%get3A_189, %get3A_190] : memref<16x128xf32, #tpu.memory_space<vmem>>, vector<1x128xf32>
    %get3A_192 = arith.constant 10 : index
    %get3A_193 = arith.constant 0 : index
    %get3A_194 = arith.constant 0 : index
    %get3A_195 = vector.load %arg7[%get3A_192, %get3A_193, %get3A_194] : memref<16x400x128xf32, #tpu.memory_space<vmem>>, vector<1x400x128xf32>
    %get3A_196 = vector.shape_cast %get3A_195 : vector<1x400x128xf32> to vector<400x128xf32>
    %mul3A_197 = arith.mulf %get3A_196, %max3A_31 : vector<400x128xf32>
    %reduce_sum3A_198 = arith.constant dense<0.000000e+00> : vector<128xf32>
    %reduce_sum3A_199 = vector.multi_reduction <add>, %mul3A_197, %reduce_sum3A_198 [0] : vector<400x128xf32> to vector<128xf32>
    %broadcast_in_dim3A_200 = vector.shape_cast %reduce_sum3A_199 : vector<128xf32> to vector<1x128xf32>
    %add3A_201 = arith.addf %get3A_191, %broadcast_in_dim3A_200 : vector<1x128xf32>
    %swap3A_202 = arith.constant 10 : index
    %swap3A_203 = arith.constant 0 : index
    %swap3A_204 = vector.load %arg9[%swap3A_202, %swap3A_203] : memref<16x128xf32, #tpu.memory_space<vmem>>, vector<1x128xf32>
    tpu.vector_store %arg9[%swap3A_202, %swap3A_203], %add3A_201 {strides = array<i32>} : memref<16x128xf32, #tpu.memory_space<vmem>>, vector<1x128xf32>,
    %get3A_205 = arith.constant 11 : index
    %get3A_206 = arith.constant 0 : index
    %get3A_207 = vector.load %arg9[%get3A_205, %get3A_206] : memref<16x128xf32, #tpu.memory_space<vmem>>, vector<1x128xf32>
    %get3A_208 = arith.constant 11 : index
    %get3A_209 = arith.constant 0 : index
    %get3A_210 = arith.constant 0 : index
    %get3A_211 = vector.load %arg7[%get3A_208, %get3A_209, %get3A_210] : memref<16x400x128xf32, #tpu.memory_space<vmem>>, vector<1x400x128xf32>
    %get3A_212 = vector.shape_cast %get3A_211 : vector<1x400x128xf32> to vector<400x128xf32>
    %mul3A_213 = arith.mulf %get3A_212, %max3A_31 : vector<400x128xf32>
    %reduce_sum3A_214 = arith.constant dense<0.000000e+00> : vector<128xf32>
    %reduce_sum3A_215 = vector.multi_reduction <add>, %mul3A_213, %reduce_sum3A_214 [0] : vector<400x128xf32> to vector<128xf32>
    %broadcast_in_dim3A_216 = vector.shape_cast %reduce_sum3A_215 : vector<128xf32> to vector<1x128xf32>
    %add3A_217 = arith.addf %get3A_207, %broadcast_in_dim3A_216 : vector<1x128xf32>
    %swap3A_218 = arith.constant 11 : index
    %swap3A_219 = arith.constant 0 : index
    %swap3A_220 = vector.load %arg9[%swap3A_218, %swap3A_219] : memref<16x128xf32, #tpu.memory_space<vmem>>, vector<1x128xf32>
    tpu.vector_store %arg9[%swap3A_218, %swap3A_219], %add3A_217 {strides = array<i32>} : memref<16x128xf32, #tpu.memory_space<vmem>>, vector<1x128xf32>,
    %get3A_221 = arith.constant 12 : index
    %get3A_222 = arith.constant 0 : index
    %get3A_223 = vector.load %arg9[%get3A_221, %get3A_222] : memref<16x128xf32, #tpu.memory_space<vmem>>, vector<1x128xf32>
    %get3A_224 = arith.constant 12 : index
    %get3A_225 = arith.constant 0 : index
    %get3A_226 = arith.constant 0 : index
    %get3A_227 = vector.load %arg7[%get3A_224, %get3A_225, %get3A_226] : memref<16x400x128xf32, #tpu.memory_space<vmem>>, vector<1x400x128xf32>
    %get3A_228 = vector.shape_cast %get3A_227 : vector<1x400x128xf32> to vector<400x128xf32>
    %mul3A_229 = arith.mulf %get3A_228, %max3A_31 : vector<400x128xf32>
    %reduce_sum3A_230 = arith.constant dense<0.000000e+00> : vector<128xf32>
    %reduce_sum3A_231 = vector.multi_reduction <add>, %mul3A_229, %reduce_sum3A_230 [0] : vector<400x128xf32> to vector<128xf32>
    %broadcast_in_dim3A_232 = vector.shape_cast %reduce_sum3A_231 : vector<128xf32> to vector<1x128xf32>
    %add3A_233 = arith.addf %get3A_223, %broadcast_in_dim3A_232 : vector<1x128xf32>
    %swap3A_234 = arith.constant 12 : index
    %swap3A_235 = arith.constant 0 : index
    %swap3A_236 = vector.load %arg9[%swap3A_234, %swap3A_235] : memref<16x128xf32, #tpu.memory_space<vmem>>, vector<1x128xf32>
    tpu.vector_store %arg9[%swap3A_234, %swap3A_235], %add3A_233 {strides = array<i32>} : memref<16x128xf32, #tpu.memory_space<vmem>>, vector<1x128xf32>,
    %get3A_237 = arith.constant 13 : index
    %get3A_238 = arith.constant 0 : index
    %get3A_239 = vector.load %arg9[%get3A_237, %get3A_238] : memref<16x128xf32, #tpu.memory_space<vmem>>, vector<1x128xf32>
    %get3A_240 = arith.constant 13 : index
    %get3A_241 = arith.constant 0 : index
    %get3A_242 = arith.constant 0 : index
    %get3A_243 = vector.load %arg7[%get3A_240, %get3A_241, %get3A_242] : memref<16x400x128xf32, #tpu.memory_space<vmem>>, vector<1x400x128xf32>
    %get3A_244 = vector.shape_cast %get3A_243 : vector<1x400x128xf32> to vector<400x128xf32>
    %mul3A_245 = arith.mulf %get3A_244, %max3A_31 : vector<400x128xf32>
    %reduce_sum3A_246 = arith.constant dense<0.000000e+00> : vector<128xf32>
    %reduce_sum3A_247 = vector.multi_reduction <add>, %mul3A_245, %reduce_sum3A_246 [0] : vector<400x128xf32> to vector<128xf32>
    %broadcast_in_dim3A_248 = vector.shape_cast %reduce_sum3A_247 : vector<128xf32> to vector<1x128xf32>
    %add3A_249 = arith.addf %get3A_239, %broadcast_in_dim3A_248 : vector<1x128xf32>
    %swap3A_250 = arith.constant 13 : index
    %swap3A_251 = arith.constant 0 : index
    %swap3A_252 = vector.load %arg9[%swap3A_250, %swap3A_251] : memref<16x128xf32, #tpu.memory_space<vmem>>, vector<1x128xf32>
    tpu.vector_store %arg9[%swap3A_250, %swap3A_251], %add3A_249 {strides = array<i32>} : memref<16x128xf32, #tpu.memory_space<vmem>>, vector<1x128xf32>,
    %get3A_253 = arith.constant 14 : index
    %get3A_254 = arith.constant 0 : index
    %get3A_255 = vector.load %arg9[%get3A_253, %get3A_254] : memref<16x128xf32, #tpu.memory_space<vmem>>, vector<1x128xf32>
    %get3A_256 = arith.constant 14 : index
    %get3A_257 = arith.constant 0 : index
    %get3A_258 = arith.constant 0 : index
    %get3A_259 = vector.load %arg7[%get3A_256, %get3A_257, %get3A_258] : memref<16x400x128xf32, #tpu.memory_space<vmem>>, vector<1x400x128xf32>
    %get3A_260 = vector.shape_cast %get3A_259 : vector<1x400x128xf32> to vector<400x128xf32>
    %mul3A_261 = arith.mulf %get3A_260, %max3A_31 : vector<400x128xf32>
    %reduce_sum3A_262 = arith.constant dense<0.000000e+00> : vector<128xf32>
    %reduce_sum3A_263 = vector.multi_reduction <add>, %mul3A_261, %reduce_sum3A_262 [0] : vector<400x128xf32> to vector<128xf32>
    %broadcast_in_dim3A_264 = vector.shape_cast %reduce_sum3A_263 : vector<128xf32> to vector<1x128xf32>
    %add3A_265 = arith.addf %get3A_255, %broadcast_in_dim3A_264 : vector<1x128xf32>
    %swap3A_266 = arith.constant 14 : index
    %swap3A_267 = arith.constant 0 : index
    %swap3A_268 = vector.load %arg9[%swap3A_266, %swap3A_267] : memref<16x128xf32, #tpu.memory_space<vmem>>, vector<1x128xf32>
    tpu.vector_store %arg9[%swap3A_266, %swap3A_267], %add3A_265 {strides = array<i32>} : memref<16x128xf32, #tpu.memory_space<vmem>>, vector<1x128xf32>,
    %get3A_269 = arith.constant 15 : index
    %get3A_270 = arith.constant 0 : index
    %get3A_271 = vector.load %arg9[%get3A_269, %get3A_270] : memref<16x128xf32, #tpu.memory_space<vmem>>, vector<1x128xf32>
    %get3A_272 = arith.constant 15 : index
    %get3A_273 = arith.constant 0 : index
    %get3A_274 = arith.constant 0 : index
    %get3A_275 = vector.load %arg7[%get3A_272, %get3A_273, %get3A_274] : memref<16x400x128xf32, #tpu.memory_space<vmem>>, vector<1x400x128xf32>
    %get3A_276 = vector.shape_cast %get3A_275 : vector<1x400x128xf32> to vector<400x128xf32>
    %mul3A_277 = arith.mulf %get3A_276, %max3A_31 : vector<400x128xf32>
    %reduce_sum3A_278 = arith.constant dense<0.000000e+00> : vector<128xf32>
    %reduce_sum3A_279 = vector.multi_reduction <add>, %mul3A_277, %reduce_sum3A_278 [0] : vector<400x128xf32> to vector<128xf32>
    %broadcast_in_dim3A_280 = vector.shape_cast %reduce_sum3A_279 : vector<128xf32> to vector<1x128xf32>
    %add3A_281 = arith.addf %get3A_271, %broadcast_in_dim3A_280 : vector<1x128xf32>
    %swap3A_282 = arith.constant 15 : index
    %swap3A_283 = arith.constant 0 : index
    %swap3A_284 = vector.load %arg9[%swap3A_282, %swap3A_283] : memref<16x128xf32, #tpu.memory_space<vmem>>, vector<1x128xf32>
    tpu.vector_store %arg9[%swap3A_282, %swap3A_283], %add3A_281 {strides = array<i32>} : memref<16x128xf32, #tpu.memory_space<vmem>>, vector<1x128xf32>,
    %eq3A_285 = arith.constant 24 : i32
    %eq3A_286 = arith.cmpi eq, %arg0, %eq3A_285 : i32
    %convert_element_type3A_287 = arith.extui %eq3A_286 : i1 to i32
    %cond3A_288 = arith.constant 0 : i32
    %cond3A_289 = arith.cmpi ne, %convert_element_type3A_287, %cond3A_288 : i32
    scf.if %cond3A_289 {
      %get3A_290 = arith.constant 0 : index
      %get3A_291 = arith.constant 0 : index
      %get3A_292 = vector.load %arg9[%get3A_290, %get3A_291] : memref<16x128xf32, #tpu.memory_space<vmem>>, vector<16x128xf32>
      %reduce_sum3A_293 = arith.constant dense<0.000000e+00> : vector<16xf32>
      %reduce_sum3A_294 = vector.multi_reduction <add>, %get3A_292, %reduce_sum3A_293 [1] : vector<16x128xf32> to vector<16xf32>
      %broadcast_in_dim3A_295 = vector.shape_cast %reduce_sum3A_294 : vector<16xf32> to vector<16x1xf32>
      %swap3A_296 = arith.constant 0 : index
      %swap3A_297 = arith.constant 0 : index
      %swap3A_298 = vector.load %arg8[%swap3A_296, %swap3A_297] : memref<16x1xf32, #tpu.memory_space<vmem>>, vector<16x1xf32>
      tpu.vector_store %arg8[%swap3A_296, %swap3A_297], %broadcast_in_dim3A_295 {strides = array<i32>} : memref<16x1xf32, #tpu.memory_space<vmem>>, vector<16x1xf32>,
    } else {
    }
    return
  }
  func.func @transform_0(%arg0: i32) -> (i32, i32) {
    %c0_i32 = arith.constant 0 : i32
    %c0_i32_0 = arith.constant 0 : i32
    return %arg0, %c0_i32 : i32, i32
  }
  func.func @transform_1(%arg0: i32) -> (i32, i32) {
    %c0_i32 = arith.constant 0 : i32
    %c0_i32_0 = arith.constant 0 : i32
    return %arg0, %c0_i32 : i32, i32
  }
  func.func @transform_2(%arg0: i32) -> (i32, i32) {
    %c0_i32 = arith.constant 0 : i32
    %c0_i32_0 = arith.constant 0 : i32
    return %arg0, %c0_i32 : i32, i32
  }
  func.func @transform_3(%arg0: i32) -> (i32, i32) {
    %c0_i32 = arith.constant 0 : i32
    %c0_i32_0 = arith.constant 0 : i32
    return %arg0, %c0_i32 : i32, i32
  }
  func.func @transform_4(%arg0: i32) -> (i32, i32) {
    %c0_i32 = arith.constant 0 : i32
    %c0_i32_0 = arith.constant 0 : i32
    return %arg0, %c0_i32 : i32, i32
  }
  func.func @transform_5(%arg0: i32) -> (i32, i32) {
    %c0_i32 = arith.constant 0 : i32
    %c0_i32_0 = arith.constant 0 : i32
    %c0_i32_1 = arith.constant 0 : i32
    return %c0_i32, %c0_i32_0 : i32, i32
  }
  func.func @transform_6(%arg0: i32) -> (i32, i32, i32) {
    %c0_i32 = arith.constant 0 : i32
    %c0_i32_0 = arith.constant 0 : i32
    %c0_i32_1 = arith.constant 0 : i32
    return %c0_i32, %arg0, %c0_i32_0 : i32, i32, i32
  }
  func.func @transform_7(%arg0: i32) -> (i32, i32) {
    %c0_i32 = arith.constant 0 : i32
    %c0_i32_0 = arith.constant 0 : i32
    %c0_i32_1 = arith.constant 0 : i32
    return %c0_i32, %c0_i32_0 : i32, i32
  }
}

</mosaic_0001>

<sc_bundles>
// kernel: kernel.10.cloned.1.call-start
scs
__scs_entry_jumppad:
0x0: {  	(pc) =	sbr.rel $0x88, $3  }
0x1: {  	(tag) =	ssettag $0x0;
	lr =	simm.s32 $0x1  }
0x2: {  	[smem:$0x3F9B] =	sst lr;
	_ =	strace $0xD0000000  }
0x3: {  	_ = 	snop  }
0x4: {  	_ = 	snop  }
0x5: {  	_ = 	snop  }
0x6: {  	_ = 	snop  }
0x7: {  	_ = 	snop  }
__scs_overlays_trampoline_lowered:
0x8: {  	[smem:$0x3FAA] =	sst s0  }
0x9: {  	[smem:$0x3FAB] =	sst s1  }
0xa: {  	[smem:$0x3FAC] =	sst s2  }
0xb: {  	[smem:$0x3FAD] =	sst s3  }
0xc: {  	[smem:$0x3FAE] =	sst s4  }
0xd: {  	[smem:$0x3FAF] =	sst s5  }
0xe: {  	[smem:$0x3FB0] =	sst s6  }
0xf: {  	[smem:$0x3FB1] =	sst s7  }
0x10: {  	[smem:$0x3FB2] =	sst s8  }
0x11: {  	[smem:$0x3FB3] =	sst s9;
	s0 =	simm.s32 @!p0 $0x0  }
0x12: {  	s1 =	sld [smem:$0x3F99];
	s0 =	simm.s32 @p0 $0x1  }
0x13: {  	[smem:$0x3FB4] =	sst s0;
	s0 =	simm.s32 @!p1 $0x0  }
0x14: {  	s2 =	sld [smem:$0x3F98];
	s0 =	simm.s32 @p1 $0x1  }
0x15: {  	[smem:$0x3FB5] =	sst s0;
	s0 =	simm.s32 @!p2 $0x0  }
0x16: {  	s3 =	sld [smem:$0x3FDB];
	s0 =	simm.s32 @p2 $0x1  }
0x17: {  	s4 =	simm.s32 $0x1BF5;
	[smem:$0x3FB7] =	sst s0  }
0x18: {  	s0 =	sld [smem:$0x3F9A];
	_ =	swait.ge [sflag:s4], $0x0  }
0x19: {  	s7 =	sld [smem:$0x3F9B]  }
0x1a: {  	s8 =	sadd.s32 $0xFFFFE003, lr  }
0x1b: {  	s9 =	sadd.s32 $0xFFFFFEF7, lr;
	s5 =	simm.s32 $0xFFFFFFFF;
	p2 =	slt.u32 s8, $0xFFFFF086  }
0x1c: {  	p1 =	slt.u32 s9, $0xF7A;
	s5 =	simm.s32 @!p2 $0x0  }
0x1d: {  	s5 =	simm.s32 @p1 $0x1;
	p0 =	seq.s32 s7, s2  }
0x1e: {  	s7 =	smul.u32 @!p0 $0xF7A, s2;
	p2 =	seq.s32 @!p0 s5, $0x0  }
0x1f: {  	s9 =	smul.u32 $0xF7A, s1;
	s8 =	simm.s32 @!p0 $0x1BF5;
	p2 =	por !p2, p0  }
0x20: {  	[sflag:s8] =	ssyncset.s32 @!p0 $0xFFFFF086;
	s6 =	sadd.s32 @!p0 s3, s7;
	s7 =	simm.s32 @!p0 $0x108  }
0x21: {  	s3 =	sadd.s32 s3, s9;
	s6 =	sadd.s32 @!p0 $0x88, s6;
	s7 =	simm.s32 @p2 $0x1082  }
0x22: {  	[simem:s7], [sflag:s8] =	dma.local @!p0 [hbm:s6], $0xF7A  }
0x23: {  	s9 =	sor.u32 $0xD0000000, s2;
	s6 =	simm.s32 $0x108;
	_ =	swait.ge @!p0 [sflag:s8], $0x0  }
0x24: {  	s3 =	sadd.s32 $0x88, s3;
	s6 =	simm.s32 @!p1 $0x1082;
	[sflag:s4] =	ssyncset.s32 $0xFFFFF086  }
0x25: {  	[simem:s6], [sflag:s4] =	dma.local [hbm:s3], $0xF7A  }
0x26: {  	[smem:$0x3F9B] =	sst s1;
	(tag) =	ssettag s2;
	_ =	strace s9  }
0x27: {  	s1 =	sld [smem:$0x3FAB]  }
0x28: {  	s2 =	sld [smem:$0x3FAC]  }
0x29: {  	s4 =	sld [smem:$0x3FAE]  }
0x2a: {  	p0 =	seq.s32 s5, $0x0;
	s5 =	sld [smem:$0x3FAF]  }
0x2b: {  	s6 =	sld [smem:$0x3FB0]  }
0x2c: {  	s7 =	sld [smem:$0x3FB1]  }
0x2d: {  	s3 =	simm.s32 $0x108;
	s8 =	sld [smem:$0x3FB2]  }
0x2e: {  	s3 =	simm.s32 @!p0 $0x1082;
	s9 =	sld [smem:$0x3FB3]  }
0x2f: {  	lr =	sadd.s32 s0, s3;
	s0 =	sld [smem:$0x3FAA]  }
0x30: {  	s3 =	sld [smem:$0x3FAD]  }
0x31: {  	[smem:$0x3FB6] =	sst s10  }
0x32: {  	s10 =	sld [smem:$0x3FB4];
	_ =	sdelay $0x3  }
0x33: {  	p0 =	seq.s32 s10, $0x1;
	s10 =	sld [smem:$0x3FB6];
	_ =	sdelay $0x3  }
0x34: {  	[smem:$0x3FB6] =	sst s10  }
0x35: {  	s10 =	sld [smem:$0x3FB5];
	_ =	sdelay $0x3  }
0x36: {  	p1 =	seq.s32 s10, $0x1;
	s10 =	sld [smem:$0x3FB6];
	_ =	sdelay $0x3  }
0x37: {  	[smem:$0x3FB6] =	sst s10  }
0x38: {  	s10 =	sld [smem:$0x3FB7]  }
0x39: {  	_ = 	snop;
	(pc) =	sbr.ind lr, $3  }
0x3a: {  	_ = 	snop  }
0x3b: {  	_ = 	snop  }
0x3c: {  	p2 =	seq.s32 s10, $0x1;
	s10 =	sld [smem:$0x3FB6]  }
0x3d: {  	_ =	shalt  }
0x3e: {  	_ =	shalt  }
0x3f: {  	_ =	shalt  }
0x40: {  	_ =	shalt  }
0x41: {  	_ =	shalt  }
0x42: {  	_ =	shalt  }
0x43: {  	_ =	shalt  }
0x44: {  	_ =	shalt  }
0x45: {  	_ =	shalt  }
0x46: {  	_ =	shalt  }
0x47: {  	_ =	shalt  }
0x48: {  	_ =	shalt  }
0x49: {  	_ =	shalt  }
0x4a: {  	_ =	shalt  }
0x4b: {  	_ =	shalt  }
0x4c: {  	_ =	shalt  }
0x4d: {  	_ =	shalt  }
0x4e: {  	_ =	shalt  }
0x4f: {  	_ =	shalt  }
0x50: {  	_ =	shalt  }
0x51: {  	_ =	shalt  }
0x52: {  	_ =	shalt  }
0x53: {  	_ =	shalt  }
0x54: {  	_ =	shalt  }
0x55: {  	_ =	shalt  }
0x56: {  	_ =	shalt  }
0x57: {  	_ =	shalt  }
0x58: {  	_ =	shalt  }
0x59: {  	_ =	shalt  }
0x5a: {  	_ =	shalt  }
0x5b: {  	_ =	shalt  }
0x5c: {  	_ =	shalt  }
0x5d: {  	_ =	shalt  }
0x5e: {  	_ =	shalt  }
0x5f: {  	_ =	shalt  }
0x60: {  	_ =	shalt  }
0x61: {  	_ =	shalt  }
0x62: {  	_ =	shalt  }
0x63: {  	_ =	shalt  }
0x64: {  	_ =	shalt  }
0x65: {  	_ =	shalt  }
0x66: {  	_ =	shalt  }
0x67: {  	_ =	shalt  }
0x68: {  	_ =	shalt  }
0x69: {  	_ =	shalt  }
0x6a: {  	_ =	shalt  }
0x6b: {  	_ =	shalt  }
0x6c: {  	_ =	shalt  }
0x6d: {  	_ =	shalt  }
0x6e: {  	_ =	shalt  }
0x6f: {  	_ =	shalt  }
0x70: {  	_ =	shalt  }
0x71: {  	_ =	shalt  }
0x72: {  	_ =	shalt  }
0x73: {  	_ =	shalt  }
0x74: {  	_ =	shalt  }
0x75: {  	_ =	shalt  }
0x76: {  	_ =	shalt  }
0x77: {  	_ =	shalt  }
0x78: {  	_ =	shalt  }
0x79: {  	_ =	shalt  }
0x7a: {  	_ =	shalt  }
0x7b: {  	_ =	shalt  }
0x7c: {  	_ =	shalt  }
0x7d: {  	_ =	shalt  }
0x7e: {  	_ =	shalt  }
0x7f: {  	_ =	shalt  }
0x80: {  	_ =	shalt  }
0x81: {  	_ =	shalt  }
0x82: {  	_ =	shalt  }
0x83: {  	_ =	shalt  }
0x84: {  	_ =	shalt  }
0x85: {  	_ =	shalt  }
0x86: {  	_ =	shalt  }
0x87: {  	_ =	shalt  }
.Lfunc_end0:
.L_simem_size_0:
called_computation.1_lowered:
.L_overlay_start_0:
0x88: {  	s2 =	sld [smem:$0x3FD9]  }
0x89: {  	s3 =	sld [smem:$0x3FFE];
	_ =	sdelay $0x1  }
0x8a: {  	s1 =	srdreg.scid  }
0x8b: {  	s0 =	sand.u32 $0x1, s1  }
0x8c: {  	s16 =	sshll.u32 s0, $0xA;
	s2 =	sadd.s32 s3, s2  }
0x8d: {  	s2 =	sadd.s32 s2, s16  }
0x8e: {  	[smem:$0x3FC2] =	sst s2  }
0x8f: {  	_ = 	snop  }
0x90: {  	(tm) =	ssettm $0x1  }
0x91: {  	s17 =	sld [smem:$0x3FFB];
	_ =	sdelay $0x3  }
0x92: {  	_ =	strace s17  }
0x93: {  	s2 =	sld [smem:$0x3FFC];
	_ =	sdelay $0x3  }
0x94: {  	_ =	strace s2  }
0x95: {  	s2 =	sld [smem:$0x3FFD];
	_ =	sdelay $0x3  }
0x96: {  	_ =	strace s2  }
0x97: {  	_ =	strace $0x8FFFFFFF  }
0x98: {  	s18 =	sld [smem:$0x3FDB];
	_ =	sdelay $0x1  }
0x99: {  	s19 =	simm.s32 $_scs_section_size  }
0x9a: {  	s4 =	simm.s32 $_size__tile_overlayer_lowered;
	s5 =	simm.s32 $_tile_overlayer_lowered  }
0x9b: {  	s22 =	simm.s32 $0x1BFF;
	s21 =	sshll.u32 s5, $0x1;
	s2 =	sadd.s32 s19, s18  }
0x9c: {  	s6 =	simm.s32 $0x0;
	s20 =	sshll.u32 s4, $0x1;
	s4 =	sadd.s32 s21, s2  }
0x9d: {  	[timem:s6], [sflag:s22] =	dma.local [hbm:s4], s20  }
0x9e: {  	_ =	swait.ge [sflag:s22], s20  }
0x9f: {  	s3 =	ssub.s32 $0x0, s20;
	[sflag:s22] =	ssyncset.done $0x0  }
0xa0: {  	[sflag:s22] =	ssyncadd.s32 s3;
	_ =	sdelay $0x1  }
0xa1: {  	s23 =	simm.s32 $0x1B8B  }
0xa2: {  	_ =	swait.ge [sflag:s23], $0x1  }
0xa3: {  	[sflag:s23] =	ssyncset.done $0x0  }
0xa4: {  	s25 =	simm.s32 $0x1B8E;
	s24 =	sld [smem:$0x3FFE];
	[sflag:s23] =	ssyncadd.s32 $0xFFFFFFFF  }
0xa5: {  	s26 =	simm.s32 $execute0_lowered;
	[smem:$0x3FD2] =	sst s25  }
0xa6: {  	s4 =	sshll.u32 s26, $0x1;
	_ =	strace $0x80000046;
	[dreg:$0x1] =	wrdreg $0xFFFFFFFF  }
0xa7: {  	s28 =	simm.s32 $_size_execute0_lowered;
	s2 =	sadd.s32 s2, s4;
	[dreg:$0x0] =	wrdreg $0x0  }
0xa8: {  	s4 =	sshll.u32 s28, $0x1;
	[dreg:$0x2] =	wrdreg s2  }
0xa9: {  	[dreg:$0x3] =	wrdreg s4  }
0xaa: {  	[dreg:$0x4] =	wrdreg $0xC0  }
0xab: {  	_ =	task [dreg:s6], $0x5FFFF  }
0xac: {  	[dreg:$0x1] =	wrdreg $0xFFFFFFFF  }
0xad: {  	[dreg:$0x0] =	wrdreg $0x60  }
0xae: {  	[dreg:$0x2] =	wrdreg s24  }
0xaf: {  	[dreg:$0x3] =	wrdreg $0x90000  }
0xb0: {  	[dreg:$0x4] =	wrdreg $0x92800  }
0xb1: {  	[dreg:$0x5] =	wrdreg $0x9  }
0xb2: {  	_ =	task.clear_ibuf [dreg:s6], $0x6FFFF;
	_ =	strace $0x90000046  }
0xb3: {  	s29 =	simm.s32 $0x9;
	_ =	strace $0x80000048  }
0xb4: {  	_ =	swait.ge [sflag:s29], $0x1  }
0xb5: {  	[sflag:s29] =	ssyncadd.s32 $0xFFFFFFFF  }
0xb6: {  	_ =	strace $0x90000048  }
0xb7: {  	_ =	sfence  }
0xb8: {  	s30 =	sld [smem:$0x0];
	_ =	sdelay $0x2  }
0xb9: {  	s31 =	sshll.u32 s1, $0xD;
	s1 =	sshrl.u32 s1, $0x2  }
0xba: {  	s3 =	sand.u32 $0x4000, s31;
	s1 =	sadd.s32 s1, s30  }
0xbb: {  	s0 =	sor.u32 s3, s0;
	s1 =	sshll.u32 s1, $0x11  }
0xbc: {  	s0 =	sor.u32 s1, s0  }
0xbd: {  	s0 =	sadd.s32 $0x8F2B, s0  }
0xbe: {  	[sflag:s0] =	ssyncadd.remote.s32 $0x1  }
0xbf: {  	_ =	sfence.sel $0xFFFF  }
0xc0: {  	[dreg:$0x0] =	wrdreg $0xFFFFFFFF;
	(pc) =	sbr.abs _section_cstart, $3  }
0xc1: {  	[dreg:$0x1] =	wrdreg $0xFFFFFFFF  }
0xc2: {  	_ =	task.clear_ibuf [dreg:s6], $0x2FFFF;
	_ =	strace $0x9FFFFFFF  }
0xc3: {  	(tm) =	ssettm $0x7FFFFFFF  }
tec
execute0_lowered:
.L_overlay_start_1:
0x0: {  	(tag) =	ssettag $0x1  }
0x1: {  	s0 =	rddreg [dreg:$0x0]  }
0x2: {  	s2 =	rddreg [dreg:$0x1]  }
0x3: {  	s3 =	rddreg [dreg:$0x2]  }
0x4: {  	s4 =	srdreg.scid;
	s1 =	stileid.u32;
	s16 =	simm.s32 $0x5000  }
0x5: {  	s25 =	simm.s32 $0x80;
	s26 =	simm.s32 $0x0;
	s5 =	sand.u32 $0x1, s4  }
0x6: {  	s6 =	sshll.u32 s1, $0x1;
	s11 =	smul.u32 $0x14000, s1;
	s4 =	simm.s32 $0x0  }
0x7: {  	s6 =	sor.u32 s5, s6;
	s7 =	smul.u32 $0x140000, s5;
	[smem:$0x7FF] =	sst s4  }
0x8: {  	s8 =	ssub.s32 $0x2, s5;
	s5 =	sadd.s32 $0x18800, s0;
	s6 =	smul.u32 $0x500, s6  }
0x9: {  	_ =	strace $0x80000047;
	s29 =	sshrl.u32 s8, $0x1;
	s10 =	sadd.s32 s11, s3  }
0xa: {  	s30 =	sadd.s32 $0x4000, s11;
	s14 =	sadd.s32 $0x8000, s11;
	s31 =	sadd.s32 $0xC000, s11  }
0xb: {  	s7 =	sadd.s32 s11, s7;
	s13 =	ssub.s32 s8, s29;
	s8 =	sadd.s32 s11, s2  }
0xc: {  	s17 =	sadd.s32 s30, s2;
	s19 =	sadd.s32 s14, s2;
	s20 =	sadd.s32 s14, s3  }
0xd: {  	s21 =	sadd.s32 s31, s2;
	s22 =	sadd.s32 s31, s3;
	s11 =	sadd.s32 $0x10000, s11  }
0xe: {  	s14 =	simm.s32 $0x1;
	s9 =	sadd.s32 s6, s0;
	s28 =	sshrl.u32 s7, $0x3  }
0xf: {  	s23 =	sadd.s32 s11, s2;
	s24 =	sadd.s32 s11, s3;
	s13 =	smax.u32 s13, $0x1  }
0x10: {  	s17 =	sshrl.u32 s17, $0x3;
	s19 =	sshrl.u32 s19, $0x3;
	s20 =	sshrl.u32 s20, $0x3  }
0x11: {  	s21 =	sshrl.u32 s21, $0x3;
	s22 =	sshrl.u32 s22, $0x3;
	s12 =	sadd.s32 s28, s0  }
0x12: {  	s6 =	sadd.s32 $0xE800, s9;
	s7 =	sadd.s32 $0x4800, s9;
	s9 =	sadd.s32 $0x19000, s0  }
0x13: {  	s0 =	sadd.s32 s30, s3;
	s23 =	sshrl.u32 s23, $0x3;
	s24 =	sshrl.u32 s24, $0x3  }
0x14: {  	s11 =	sadd.s32 $0x19800, s12;
	s12 =	sadd.s32 $0x69800, s12;
	s18 =	sshrl.u32 s0, $0x3  }
.LBB2_1:
0x15: {  	[tilespmem:s4], [sflag:$0x1] =	stream.linear.gather [hbm4b:s6+s4], $0x2800, $0x38;
	[tilespmem:$0x9500] =	vst v63  }
0x16: {  	_ =	swait.ge [sflag:s14], $0x2800  }
0x17: {  	[sflag:s14] =	ssyncset.done $0x0  }
0x18: {  	s0 =	simm.s32 $0x2800;
	[sflag:s14] =	ssyncadd.s32 $0xFFFFD800  }
0x19: {  	[tilespmem:s0], [sflag:$0x1] =	stream.linear.gather [hbm4b:s7+s4], $0x2800, $0x38;
	[tilespmem:$0x9500] =	vst v63  }
0x1a: {  	_ =	swait.ge [sflag:s14], $0x2800  }
0x1b: {  	[sflag:s14] =	ssyncset.done $0x0  }
0x1c: {  	[sflag:s14] =	ssyncadd.s32 $0xFFFFD800  }
0x1d: {  	[tilespmem:s16], [sflag:$0x1] =	stream.linear.gather [hbm4b:s5+s4], $0x4000, $0x38;
	[tilespmem:$0x9500] =	vst v63  }
0x1e: {  	s15 =	stileid.u32;
	_ =	swait.ge [sflag:s14], $0x4000  }
0x1f: {  	s0 =	sshll.u32 s15, $0x6;
	[sflag:s14] =	ssyncset.done $0x0  }
0x20: {  	s29 =	sshrl.u32 s8, $0x3;
	s28 =	sor.u32 $0x1C01, s0;
	[sflag:s14] =	ssyncadd.s32 $0xFFFFC000  }
0x21: {  	[spmem:s29], [sflag:s28] =	dma.local [hbm:s9], $0x800  }
0x22: {  	_ =	swait.ge [sflag:s14], $0x800  }
0x23: {  	[sflag:s14] =	ssyncset.done $0x0  }
0x24: {  	s30 =	sshrl.u32 s10, $0x3;
	[sflag:s14] =	ssyncadd.s32 $0xFFFFF800  }
0x25: {  	[spmem:s30], [sflag:s28] =	dma.local [hbm:s9], $0x800  }
0x26: {  	_ =	swait.ge [sflag:s14], $0x800  }
0x27: {  	[sflag:s14] =	ssyncset.done $0x0  }
0x28: {  	[sflag:s14] =	ssyncadd.s32 $0xFFFFF800  }
0x29: {  	[spmem:s17], [sflag:s28] =	dma.local [hbm:s9], $0x800  }
0x2a: {  	_ =	swait.ge [sflag:s14], $0x800  }
0x2b: {  	[sflag:s14] =	ssyncset.done $0x0  }
0x2c: {  	[sflag:s14] =	ssyncadd.s32 $0xFFFFF800  }
0x2d: {  	[spmem:s18], [sflag:s28] =	dma.local [hbm:s9], $0x800  }
0x2e: {  	_ =	swait.ge [sflag:s14], $0x800  }
0x2f: {  	[sflag:s14] =	ssyncset.done $0x0  }
0x30: {  	[sflag:s14] =	ssyncadd.s32 $0xFFFFF800  }
0x31: {  	[spmem:s19], [sflag:s28] =	dma.local [hbm:s9], $0x800  }
0x32: {  	_ =	swait.ge [sflag:s14], $0x800  }
0x33: {  	[sflag:s14] =	ssyncset.done $0x0  }
0x34: {  	[sflag:s14] =	ssyncadd.s32 $0xFFFFF800  }
0x35: {  	[spmem:s20], [sflag:s28] =	dma.local [hbm:s9], $0x800  }
0x36: {  	_ =	swait.ge [sflag:s14], $0x800  }
0x37: {  	[sflag:s14] =	ssyncset.done $0x0  }
0x38: {  	[sflag:s14] =	ssyncadd.s32 $0xFFFFF800  }
0x39: {  	[spmem:s21], [sflag:s28] =	dma.local [hbm:s9], $0x800  }
0x3a: {  	_ =	swait.ge [sflag:s14], $0x800  }
0x3b: {  	[sflag:s14] =	ssyncset.done $0x0  }
0x3c: {  	[sflag:s14] =	ssyncadd.s32 $0xFFFFF800  }
0x3d: {  	[spmem:s22], [sflag:s28] =	dma.local [hbm:s9], $0x800  }
0x3e: {  	_ =	swait.ge [sflag:s14], $0x800  }
0x3f: {  	[sflag:s14] =	ssyncset.done $0x0  }
0x40: {  	[sflag:s14] =	ssyncadd.s32 $0xFFFFF800  }
0x41: {  	[spmem:s23], [sflag:s28] =	dma.local [hbm:s9], $0x800  }
0x42: {  	_ =	swait.ge [sflag:s14], $0x800  }
0x43: {  	[sflag:s14] =	ssyncset.done $0x0  }
0x44: {  	[sflag:s14] =	ssyncadd.s32 $0xFFFFF800  }
0x45: {  	[spmem:s24], [sflag:s28] =	dma.local [hbm:s9], $0x800  }
0x46: {  	_ =	swait.ge [sflag:s14], $0x800  }
0x47: {  	[sflag:s14] =	ssyncset.done $0x0  }
0x48: {  	[sflag:s14] =	ssyncadd.s32 $0xFFFFF800  }
0x49: {  	s1 =	simm.s32 $0x0;
	[bflag:$0x0] =	sbarrier.arrive $0xFFFF  }
0x4a: {  	[spmem:s2] =	stream.indirect.scatter.add.f32 [tilespmem:s16], [sflag:$0x1], $0x1, s1, s25, $0xb8;
	[tilespmem:$0x9500] =	vst v63  }
0x4b: {  	_ =	swait.ge [sflag:s14], $0x80  }
0x4c: {  	[sflag:s14] =	ssyncset.done $0x0  }
0x4d: {  	s15 =	simm.s32 $0x2800;
	[sflag:s14] =	ssyncadd.s32 $0xFFFFFF80  }
0x4e: {  	[spmem:s3] =	stream.indirect.scatter.add.f32 [tilespmem:s16], [sflag:$0x1], $0x1, s15, s25, $0xb8;
	[tilespmem:$0x9500] =	vst v63  }
0x4f: {  	_ =	swait.ge [sflag:s14], $0x80  }
0x50: {  	s31 =	simm.s32 $0x200;
	s0 =	simm.s32 $0x400;
	[sflag:s14] =	ssyncset.done $0x0  }
.LBB2_2:
0x51: {  	s1 =	sshra.s32 s31, $0x2  }
0x52: {  	[sflag:s14] =	ssyncadd.s32 $0xFFFFFF80;
	s31 =	smov.u32 s0;
	s15 =	sadd.s32 $0x200, s0  }
0x53: {  	[spmem:s2] =	stream.indirect.scatter.add.f32 [tilespmem:s16], [sflag:$0x1], $0x1, s1, s25, $0xb8;
	[tilespmem:$0x9500] =	vst v63  }
0x54: {  	p0 =	sne.s32 s0, $0x9E00;
	_ =	swait.ge [sflag:s14], $0x80  }
.Ltmp0:
0x55: {  	[sflag:s14] =	ssyncset.done $0x0;
	(pc) =	sbr.rel @p0 .LBB2_2-.Ltmp0, $4  }
0x56: {  	s0 =	sadd.s32 $0x2800, s1;
	[sflag:s14] =	ssyncadd.s32 $0xFFFFFF80  }
0x57: {  	[spmem:s3] =	stream.indirect.scatter.add.f32 [tilespmem:s16], [sflag:$0x1], $0x1, s0, s25, $0xb8;
	[tilespmem:$0x9500] =	vst v63  }
0x58: {  	_ =	swait.ge [sflag:s14], $0x80  }
0x59: {  	s0 =	smov.u32 s15;
	[sflag:s14] =	ssyncset.done $0x0  }
0x5a: {  	s0 =	sshra.s32 s31, $0x2;
	[sflag:s14] =	ssyncadd.s32 $0xFFFFFF80  }
0x5b: {  	[spmem:s2] =	stream.indirect.scatter.add.f32 [tilespmem:s16], [sflag:$0x1], $0x1, s0, s25, $0xb8;
	[tilespmem:$0x9500] =	vst v63  }
0x5c: {  	_ =	swait.ge [sflag:s14], $0x80  }
0x5d: {  	[sflag:s14] =	ssyncset.done $0x0  }
0x5e: {  	s0 =	sadd.s32 $0x2800, s0;
	[sflag:s14] =	ssyncadd.s32 $0xFFFFFF80  }
0x5f: {  	[spmem:s3] =	stream.indirect.scatter.add.f32 [tilespmem:s16], [sflag:$0x1], $0x1, s0, s25, $0xb8;
	[tilespmem:$0x9500] =	vst v63  }
0x60: {  	_ =	swait.ge [sflag:s14], $0x80  }
0x61: {  	[sflag:s14] =	ssyncset.done $0x0  }
0x62: {  	[sflag:s14] =	ssyncadd.s32 $0xFFFFFF80  }
0x63: {  	[bflag:$0x0] =	sbarrier.arrive $0xFFFF  }
0x64: {  	[hbm:s11], [sflag:s28] =	dma.local [spmem:s29], $0x2800  }
0x65: {  	s26 =	sadd.s32 $0x1, s26;
	_ =	swait.ge [sflag:s14], $0x2800  }
0x66: {  	p0 =	sne.s32 s26, s13;
	[sflag:s14] =	ssyncset.done $0x0  }
.Ltmp1:
0x67: {  	[sflag:s14] =	ssyncadd.s32 $0xFFFFD800;
	(pc) =	sbr.rel @p0 .LBB2_1-.Ltmp1, $4  }
0x68: {  	[hbm:s12], [sflag:s28] =	dma.local [spmem:s30], $0x2800  }
0x69: {  	_ =	swait.ge [sflag:s14], $0x2800  }
0x6a: {  	[sflag:s14] =	ssyncset.done $0x0  }
0x6b: {  	[sflag:s14] =	ssyncadd.s32 $0xFFFFD800  }
0x6c: {  	_ =	sfence.sel $0x180000  }
0x6d: {  	[bflag:$0x0] =	sbarrier.arrive $0xFFFF  }
0x6e: {  	_ =	strace $0x90000047  }
0x6f: {  	s0 =	stileid.u32;
	[bflag:$0x2] =	sbarrier.arrive $0xFFFF  }
0x70: {  	p0 =	sne.s32 s0, $0x0;
	s0 =	rddreg [dreg:$0x3]  }
0x71: {  	s0 =	sadd.s32 @!p0 $0x100000, s0  }
0x72: {  	[sflag:s0] =	ssyncadd.tile.s32 @!p0 $0x1;
	_ =	shalt  }
.Lfunc_end2:
_tile_overlayer_lowered:
.L_overlay_start_2:
0x73: {  	(tag) =	ssettag $0x2  }
0x74: {  	s0 =	rddreg [dreg:$0x0];
	s2 =	stileid.u32  }
0x75: {  	s1 =	rddreg [dreg:$0x1];
	p0 =	sne.s32 s2, $0x0  }
0x76: {  	s3 =	rddreg [dreg:$0x2];
	[bflag:$0x3] =	sbarrier.arrive $0xFFFF;
	s2 =	simm.s32 @!p0 $0x1C01  }
0x77: {  	[timem:s3], [sflag:s2] =	dma.local @!p0 [hbm:s0], s1  }
0x78: {  	s0 =	simm.s32 @!p0 $0x1  }
0x79: {  	_ =	swait.ge @!p0 [sflag:s0], s1  }
0x7a: {  	s1 =	ssub.s32 @!p0 $0x0, s1;
	[sflag:s0] =	ssyncset.done @!p0 $0x0  }
0x7b: {  	[sflag:s0] =	ssyncadd.s32 @!p0 s1  }
0x7c: {  	[bflag:$0x3] =	sbarrier.arrive $0xFFFF  }
0x7d: {  	_ =	shalt  }

// kernel: kernel.13.cloned.1.call-start
scs
__scs_entry_jumppad:
0x0: {  	(pc) =	sbr.rel $0x88, $3  }
0x1: {  	(tag) =	ssettag $0x0;
	lr =	simm.s32 $0x1  }
0x2: {  	[smem:$0x3F9B] =	sst lr;
	_ =	strace $0xD0000000  }
0x3: {  	_ = 	snop  }
0x4: {  	_ = 	snop  }
0x5: {  	_ = 	snop  }
0x6: {  	_ = 	snop  }
0x7: {  	_ = 	snop  }
__scs_overlays_trampoline_lowered:
0x8: {  	[smem:$0x3FAA] =	sst s0  }
0x9: {  	[smem:$0x3FAB] =	sst s1  }
0xa: {  	[smem:$0x3FAC] =	sst s2  }
0xb: {  	[smem:$0x3FAD] =	sst s3  }
0xc: {  	[smem:$0x3FAE] =	sst s4  }
0xd: {  	[smem:$0x3FAF] =	sst s5  }
0xe: {  	[smem:$0x3FB0] =	sst s6  }
0xf: {  	[smem:$0x3FB1] =	sst s7  }
0x10: {  	[smem:$0x3FB2] =	sst s8  }
0x11: {  	[smem:$0x3FB3] =	sst s9;
	s0 =	simm.s32 @!p0 $0x0  }
0x12: {  	s1 =	sld [smem:$0x3F99];
	s0 =	simm.s32 @p0 $0x1  }
0x13: {  	[smem:$0x3FB4] =	sst s0;
	s0 =	simm.s32 @!p1 $0x0  }
0x14: {  	s2 =	sld [smem:$0x3F98];
	s0 =	simm.s32 @p1 $0x1  }
0x15: {  	[smem:$0x3FB5] =	sst s0;
	s0 =	simm.s32 @!p2 $0x0  }
0x16: {  	s3 =	sld [smem:$0x3FDB];
	s0 =	simm.s32 @p2 $0x1  }
0x17: {  	s4 =	simm.s32 $0x1BF5;
	[smem:$0x3FB7] =	sst s0  }
0x18: {  	s0 =	sld [smem:$0x3F9A];
	_ =	swait.ge [sflag:s4], $0x0  }
0x19: {  	s7 =	sld [smem:$0x3F9B]  }
0x1a: {  	s8 =	sadd.s32 $0xFFFFE003, lr  }
0x1b: {  	s9 =	sadd.s32 $0xFFFFFEF7, lr;
	s5 =	simm.s32 $0xFFFFFFFF;
	p2 =	slt.u32 s8, $0xFFFFF086  }
0x1c: {  	p1 =	slt.u32 s9, $0xF7A;
	s5 =	simm.s32 @!p2 $0x0  }
0x1d: {  	s5 =	simm.s32 @p1 $0x1;
	p0 =	seq.s32 s7, s2  }
0x1e: {  	s7 =	smul.u32 @!p0 $0xF7A, s2;
	p2 =	seq.s32 @!p0 s5, $0x0  }
0x1f: {  	s9 =	smul.u32 $0xF7A, s1;
	s8 =	simm.s32 @!p0 $0x1BF5;
	p2 =	por !p2, p0  }
0x20: {  	[sflag:s8] =	ssyncset.s32 @!p0 $0xFFFFF086;
	s6 =	sadd.s32 @!p0 s3, s7;
	s7 =	simm.s32 @!p0 $0x108  }
0x21: {  	s3 =	sadd.s32 s3, s9;
	s6 =	sadd.s32 @!p0 $0x88, s6;
	s7 =	simm.s32 @p2 $0x1082  }
0x22: {  	[simem:s7], [sflag:s8] =	dma.local @!p0 [hbm:s6], $0xF7A  }
0x23: {  	s9 =	sor.u32 $0xD0000000, s2;
	s6 =	simm.s32 $0x108;
	_ =	swait.ge @!p0 [sflag:s8], $0x0  }
0x24: {  	s3 =	sadd.s32 $0x88, s3;
	s6 =	simm.s32 @!p1 $0x1082;
	[sflag:s4] =	ssyncset.s32 $0xFFFFF086  }
0x25: {  	[simem:s6], [sflag:s4] =	dma.local [hbm:s3], $0xF7A  }
0x26: {  	[smem:$0x3F9B] =	sst s1;
	(tag) =	ssettag s2;
	_ =	strace s9  }
0x27: {  	s1 =	sld [smem:$0x3FAB]  }
0x28: {  	s2 =	sld [smem:$0x3FAC]  }
0x29: {  	s4 =	sld [smem:$0x3FAE]  }
0x2a: {  	p0 =	seq.s32 s5, $0x0;
	s5 =	sld [smem:$0x3FAF]  }
0x2b: {  	s6 =	sld [smem:$0x3FB0]  }
0x2c: {  	s7 =	sld [smem:$0x3FB1]  }
0x2d: {  	s3 =	simm.s32 $0x108;
	s8 =	sld [smem:$0x3FB2]  }
0x2e: {  	s3 =	simm.s32 @!p0 $0x1082;
	s9 =	sld [smem:$0x3FB3]  }
0x2f: {  	lr =	sadd.s32 s0, s3;
	s0 =	sld [smem:$0x3FAA]  }
0x30: {  	s3 =	sld [smem:$0x3FAD]  }
0x31: {  	[smem:$0x3FB6] =	sst s10  }
0x32: {  	s10 =	sld [smem:$0x3FB4];
	_ =	sdelay $0x3  }
0x33: {  	p0 =	seq.s32 s10, $0x1;
	s10 =	sld [smem:$0x3FB6];
	_ =	sdelay $0x3  }
0x34: {  	[smem:$0x3FB6] =	sst s10  }
0x35: {  	s10 =	sld [smem:$0x3FB5];
	_ =	sdelay $0x3  }
0x36: {  	p1 =	seq.s32 s10, $0x1;
	s10 =	sld [smem:$0x3FB6];
	_ =	sdelay $0x3  }
0x37: {  	[smem:$0x3FB6] =	sst s10  }
0x38: {  	s10 =	sld [smem:$0x3FB7]  }
0x39: {  	_ = 	snop;
	(pc) =	sbr.ind lr, $3  }
0x3a: {  	_ = 	snop  }
0x3b: {  	_ = 	snop  }
0x3c: {  	p2 =	seq.s32 s10, $0x1;
	s10 =	sld [smem:$0x3FB6]  }
0x3d: {  	_ =	shalt  }
0x3e: {  	_ =	shalt  }
0x3f: {  	_ =	shalt  }
0x40: {  	_ =	shalt  }
0x41: {  	_ =	shalt  }
0x42: {  	_ =	shalt  }
0x43: {  	_ =	shalt  }
0x44: {  	_ =	shalt  }
0x45: {  	_ =	shalt  }
0x46: {  	_ =	shalt  }
0x47: {  	_ =	shalt  }
0x48: {  	_ =	shalt  }
0x49: {  	_ =	shalt  }
0x4a: {  	_ =	shalt  }
0x4b: {  	_ =	shalt  }
0x4c: {  	_ =	shalt  }
0x4d: {  	_ =	shalt  }
0x4e: {  	_ =	shalt  }
0x4f: {  	_ =	shalt  }
0x50: {  	_ =	shalt  }
0x51: {  	_ =	shalt  }
0x52: {  	_ =	shalt  }
0x53: {  	_ =	shalt  }
0x54: {  	_ =	shalt  }
0x55: {  	_ =	shalt  }
0x56: {  	_ =	shalt  }
0x57: {  	_ =	shalt  }
0x58: {  	_ =	shalt  }
0x59: {  	_ =	shalt  }
0x5a: {  	_ =	shalt  }
0x5b: {  	_ =	shalt  }
0x5c: {  	_ =	shalt  }
0x5d: {  	_ =	shalt  }
0x5e: {  	_ =	shalt  }
0x5f: {  	_ =	shalt  }
0x60: {  	_ =	shalt  }
0x61: {  	_ =	shalt  }
0x62: {  	_ =	shalt  }
0x63: {  	_ =	shalt  }
0x64: {  	_ =	shalt  }
0x65: {  	_ =	shalt  }
0x66: {  	_ =	shalt  }
0x67: {  	_ =	shalt  }
0x68: {  	_ =	shalt  }
0x69: {  	_ =	shalt  }
0x6a: {  	_ =	shalt  }
0x6b: {  	_ =	shalt  }
0x6c: {  	_ =	shalt  }
0x6d: {  	_ =	shalt  }
0x6e: {  	_ =	shalt  }
0x6f: {  	_ =	shalt  }
0x70: {  	_ =	shalt  }
0x71: {  	_ =	shalt  }
0x72: {  	_ =	shalt  }
0x73: {  	_ =	shalt  }
0x74: {  	_ =	shalt  }
0x75: {  	_ =	shalt  }
0x76: {  	_ =	shalt  }
0x77: {  	_ =	shalt  }
0x78: {  	_ =	shalt  }
0x79: {  	_ =	shalt  }
0x7a: {  	_ =	shalt  }
0x7b: {  	_ =	shalt  }
0x7c: {  	_ =	shalt  }
0x7d: {  	_ =	shalt  }
0x7e: {  	_ =	shalt  }
0x7f: {  	_ =	shalt  }
0x80: {  	_ =	shalt  }
0x81: {  	_ =	shalt  }
0x82: {  	_ =	shalt  }
0x83: {  	_ =	shalt  }
0x84: {  	_ =	shalt  }
0x85: {  	_ =	shalt  }
0x86: {  	_ =	shalt  }
0x87: {  	_ =	shalt  }
.Lfunc_end0:
.L_simem_size_0:
called_computation.2_lowered:
.L_overlay_start_0:
0x88: {  	s2 =	sld [smem:$0x3FD9]  }
0x89: {  	s3 =	sld [smem:$0x3FFE];
	_ =	sdelay $0x1  }
0x8a: {  	s1 =	srdreg.scid  }
0x8b: {  	s0 =	sand.u32 $0x1, s1  }
0x8c: {  	s16 =	sshll.u32 s0, $0xA;
	s2 =	sadd.s32 s3, s2  }
0x8d: {  	s2 =	sadd.s32 s2, s16  }
0x8e: {  	[smem:$0x3FC2] =	sst s2  }
0x8f: {  	_ = 	snop  }
0x90: {  	(tm) =	ssettm $0x1  }
0x91: {  	s17 =	sld [smem:$0x3FFB];
	_ =	sdelay $0x3  }
0x92: {  	_ =	strace s17  }
0x93: {  	s2 =	sld [smem:$0x3FFC];
	_ =	sdelay $0x3  }
0x94: {  	_ =	strace s2  }
0x95: {  	s2 =	sld [smem:$0x3FFD];
	_ =	sdelay $0x3  }
0x96: {  	_ =	strace s2  }
0x97: {  	_ =	strace $0x8FFFFFFF  }
0x98: {  	s18 =	sld [smem:$0x3FDB];
	_ =	sdelay $0x1  }
0x99: {  	s19 =	simm.s32 $_scs_section_size  }
0x9a: {  	s4 =	simm.s32 $_size__tile_overlayer_lowered;
	s5 =	simm.s32 $_tile_overlayer_lowered  }
0x9b: {  	s22 =	simm.s32 $0x1BFF;
	s21 =	sshll.u32 s5, $0x1;
	s2 =	sadd.s32 s19, s18  }
0x9c: {  	s6 =	simm.s32 $0x0;
	s20 =	sshll.u32 s4, $0x1;
	s4 =	sadd.s32 s21, s2  }
0x9d: {  	[timem:s6], [sflag:s22] =	dma.local [hbm:s4], s20  }
0x9e: {  	_ =	swait.ge [sflag:s22], s20  }
0x9f: {  	s3 =	ssub.s32 $0x0, s20;
	[sflag:s22] =	ssyncset.done $0x0  }
0xa0: {  	[sflag:s22] =	ssyncadd.s32 s3;
	_ =	sdelay $0x1  }
0xa1: {  	s23 =	simm.s32 $0x1B8B  }
0xa2: {  	_ =	swait.ge [sflag:s23], $0x1  }
0xa3: {  	[sflag:s23] =	ssyncset.done $0x0  }
0xa4: {  	s25 =	simm.s32 $0x1B8E;
	s24 =	sld [smem:$0x3FFE];
	[sflag:s23] =	ssyncadd.s32 $0xFFFFFFFF  }
0xa5: {  	s26 =	simm.s32 $execute0_lowered;
	[smem:$0x3FD2] =	sst s25  }
0xa6: {  	s4 =	sshll.u32 s26, $0x1;
	_ =	strace $0x80000049;
	[dreg:$0x1] =	wrdreg $0xFFFFFFFF  }
0xa7: {  	s28 =	simm.s32 $_size_execute0_lowered;
	s2 =	sadd.s32 s2, s4;
	[dreg:$0x0] =	wrdreg $0x0  }
0xa8: {  	s4 =	sshll.u32 s28, $0x1;
	[dreg:$0x2] =	wrdreg s2  }
0xa9: {  	[dreg:$0x3] =	wrdreg s4  }
0xaa: {  	[dreg:$0x4] =	wrdreg $0xC0  }
0xab: {  	_ =	task [dreg:s6], $0x5FFFF  }
0xac: {  	[dreg:$0x1] =	wrdreg $0xFFFFFFFF  }
0xad: {  	[dreg:$0x0] =	wrdreg $0x60  }
0xae: {  	[dreg:$0x2] =	wrdreg s24  }
0xaf: {  	[dreg:$0x3] =	wrdreg $0xA8000  }
0xb0: {  	[dreg:$0x4] =	wrdreg $0x9  }
0xb1: {  	_ =	task.clear_ibuf [dreg:s6], $0x5FFFF;
	_ =	strace $0x90000049  }
0xb2: {  	s29 =	simm.s32 $0x9;
	_ =	strace $0x8000004B  }
0xb3: {  	_ =	swait.ge [sflag:s29], $0x1  }
0xb4: {  	[sflag:s29] =	ssyncadd.s32 $0xFFFFFFFF  }
0xb5: {  	_ =	strace $0x9000004B  }
0xb6: {  	_ =	sfence  }
0xb7: {  	s30 =	sld [smem:$0x0];
	_ =	sdelay $0x2  }
0xb8: {  	s31 =	sshll.u32 s1, $0xD;
	s1 =	sshrl.u32 s1, $0x2  }
0xb9: {  	s3 =	sand.u32 $0x4000, s31;
	s1 =	sadd.s32 s1, s30  }
0xba: {  	s0 =	sor.u32 s3, s0;
	s1 =	sshll.u32 s1, $0x11  }
0xbb: {  	s0 =	sor.u32 s1, s0  }
0xbc: {  	s0 =	sadd.s32 $0x8F2B, s0  }
0xbd: {  	[sflag:s0] =	ssyncadd.remote.s32 $0x1  }
0xbe: {  	_ =	sfence.sel $0xFFFF  }
0xbf: {  	[dreg:$0x0] =	wrdreg $0xFFFFFFFF;
	(pc) =	sbr.abs _section_cstart, $3  }
0xc0: {  	[dreg:$0x1] =	wrdreg $0xFFFFFFFF  }
0xc1: {  	_ =	task.clear_ibuf [dreg:s6], $0x2FFFF;
	_ =	strace $0x9FFFFFFF  }
0xc2: {  	(tm) =	ssettm $0x7FFFFFFF  }
0xc3: {  	_ =	shalt  }
tec
execute0_lowered:
.L_overlay_start_1:
0x0: {  	(tag) =	ssettag $0x1  }
0x1: {  	s6 =	rddreg [dreg:$0x0]  }
0x2: {  	s1 =	rddreg [dreg:$0x1];
	s2 =	srdreg.scid  }
0x3: {  	s0 =	rddreg [dreg:$0x2];
	s3 =	simm.s32 $0x0;
	s19 =	simm.s32 $0x1400  }
0x4: {  	s20 =	simm.s32 $0x80;
	s21 =	simm.s32 $0x2800;
	s22 =	simm.s32 $0x6800  }
0x5: {  	s28 =	simm.s32 $0x0;
	s7 =	sand.u32 $0x1, s2;
	s2 =	stileid.u32  }
0x6: {  	[smem:$0x7FF] =	sst s3;
	s4 =	sadd.s32 $0x68800, s6;
	s5 =	smul.u32 $0x140000, s7  }
0x7: {  	s9 =	sadd.s32 $0xE800, s6;
	s10 =	sadd.s32 $0x4800, s6;
	s8 =	smul.u32 $0x14000, s2  }
0x8: {  	_ =	strace $0x8000004A;
	s11 =	smul.u32 $0x50000, s2;
	s23 =	ssub.s32 $0x2, s7  }
0x9: {  	s24 =	sshll.u32 s2, $0x1;
	s26 =	sshll.u32 s2, $0x6;
	s13 =	sshrl.u32 s23, $0x1  }
0xa: {  	s7 =	sor.u32 s7, s24;
	s24 =	simm.s32 $0x2;
	s8 =	sadd.s32 s8, s5  }
0xb: {  	s5 =	sadd.s32 $0x90800, s6;
	s25 =	sshrl.u32 s11, $0x2;
	s29 =	smul.u32 $0x2800, s7  }
0xc: {  	s13 =	ssub.s32 s23, s13;
	s30 =	smul.u32 $0x500, s7;
	s23 =	simm.s32 $0x1  }
0xd: {  	s8 =	sshrl.u32 s8, $0x3;
	s14 =	sadd.s32 s25, s1;
	s25 =	simm.s32 $0x2700  }
0xe: {  	s12 =	sadd.s32 s8, s6;
	s6 =	sor.u32 $0x1C03, s26;
	s15 =	sadd.s32 $0x4000, s14  }
0xf: {  	s16 =	sadd.s32 $0x8000, s14;
	s31 =	sshrl.u32 s29, $0x3;
	s17 =	sadd.s32 $0xC000, s14  }
0x10: {  	s18 =	sadd.s32 $0x10000, s14;
	s7 =	sadd.s32 s9, s30;
	s8 =	sadd.s32 s10, s30  }
0x11: {  	s26 =	simm.s32 $0x2780;
	s11 =	sadd.s32 $0x280, s31;
	s15 =	sshrl.u32 s15, $0x3  }
0x12: {  	s16 =	sshrl.u32 s16, $0x3;
	s17 =	sshrl.u32 s17, $0x3;
	s18 =	sshrl.u32 s18, $0x3  }
0x13: {  	s9 =	sadd.s32 s9, s11;
	s10 =	sadd.s32 s10, s11;
	s11 =	sadd.s32 $0x109800, s12  }
0x14: {  	s12 =	smax.u32 s13, $0x1;
	s13 =	sshrl.u32 s14, $0x3;
	s14 =	simm.s32 $0x3  }
.LBB2_1:
0x15: {  	[spmem:s13], [sflag:s6] =	dma.local [hbm:s5], $0x800  }
0x16: {  	_ =	swait.ge [sflag:s14], $0x800  }
0x17: {  	[sflag:s14] =	ssyncset.done $0x0  }
0x18: {  	[sflag:s14] =	ssyncadd.s32 $0xFFFFF800  }
0x19: {  	[spmem:s15], [sflag:s6] =	dma.local [hbm:s5], $0x800  }
0x1a: {  	_ =	swait.ge [sflag:s14], $0x800  }
0x1b: {  	[sflag:s14] =	ssyncset.done $0x0  }
0x1c: {  	[sflag:s14] =	ssyncadd.s32 $0xFFFFF800  }
0x1d: {  	[spmem:s16], [sflag:s6] =	dma.local [hbm:s5], $0x800  }
0x1e: {  	_ =	swait.ge [sflag:s14], $0x800  }
0x1f: {  	[sflag:s14] =	ssyncset.done $0x0  }
0x20: {  	[sflag:s14] =	ssyncadd.s32 $0xFFFFF800  }
0x21: {  	[spmem:s17], [sflag:s6] =	dma.local [hbm:s5], $0x800  }
0x22: {  	_ =	swait.ge [sflag:s14], $0x800  }
0x23: {  	[sflag:s14] =	ssyncset.done $0x0  }
0x24: {  	[sflag:s14] =	ssyncadd.s32 $0xFFFFF800  }
0x25: {  	[spmem:s18], [sflag:s6] =	dma.local [hbm:s5], $0x800  }
0x26: {  	_ =	swait.ge [sflag:s14], $0x800  }
0x27: {  	[sflag:s14] =	ssyncset.done $0x0  }
0x28: {  	[sflag:s14] =	ssyncadd.s32 $0xFFFFF800  }
0x29: {  	[bflag:$0x0] =	sbarrier.arrive $0xFFFF  }
0x2a: {  	[tilespmem:s3], [sflag:$0x3] =	stream.linear.gather [hbm4b:s7+s3], $0x1400, $0x38;
	[tilespmem:$0x1E800] =	vst v63  }
0x2b: {  	_ =	swait.ge [sflag:s14], $0x1400  }
0x2c: {  	[sflag:s14] =	ssyncset.done $0x0  }
0x2d: {  	[sflag:s14] =	ssyncadd.s32 $0xFFFFEC00  }
0x2e: {  	[tilespmem:s19], [sflag:$0x3] =	stream.linear.gather [hbm4b:s8+s3], $0x1400, $0x38;
	[tilespmem:$0x1E800] =	vst v63  }
0x2f: {  	_ =	swait.ge [sflag:s14], $0x1400  }
0x30: {  	[sflag:s14] =	ssyncset.done $0x0  }
0x31: {  	[sflag:s14] =	ssyncadd.s32 $0xFFFFEC00  }
0x32: {  	[tilespmem:s21], [sflag:$0x1] =	stream.indirect.gather [hbm4b:s4+s20], $0x80, s3, s20, $0xb8;
	[tilespmem:$0x1E800] =	vst v63  }
0x33: {  	_ = 	snop  }
0x34: {  	[tilespmem:s22], [sflag:$0x2] =	stream.indirect.gather [hbm4b:s4+s20], $0x80, s20, s20, $0xb8;
	[tilespmem:$0x1E800] =	vst v63  }
0x35: {  	_ =	swait.ge [sflag:s23], $0x4000  }
0x36: {  	[sflag:s23] =	ssyncset.done $0x0  }
0x37: {  	s29 =	simm.s32 $0x1400;
	[sflag:s23] =	ssyncadd.s32 $0xFFFFC000  }
0x38: {  	[spmem:s1] =	stream.indirect.scatter.add.f32 [tilespmem:s21], [sflag:$0x3], $0x80, s29, s20, $0xb8;
	[tilespmem:$0x1E800] =	vst v63  }
0x39: {  	_ =	swait.ge [sflag:s14], $0x4000  }
0x3a: {  	[sflag:s14] =	ssyncset.done $0x0  }
0x3b: {  	s29 =	simm.s32 $0x100;
	[sflag:s14] =	ssyncadd.s32 $0xFFFFC000  }
0x3c: {  	[tilespmem:s21], [sflag:$0x1] =	stream.indirect.gather [hbm4b:s4+s20], $0x80, s29, s20, $0xb8;
	[tilespmem:$0x1E800] =	vst v63  }
0x3d: {  	_ =	swait.ge [sflag:s24], $0x4000  }
0x3e: {  	[sflag:s24] =	ssyncset.done $0x0  }
0x3f: {  	s29 =	simm.s32 $0x1480;
	[sflag:s24] =	ssyncadd.s32 $0xFFFFC000  }
0x40: {  	[spmem:s1] =	stream.indirect.scatter.add.f32 [tilespmem:s22], [sflag:$0x3], $0x80, s29, s20, $0xb8;
	[tilespmem:$0x1E800] =	vst v63  }
0x41: {  	_ =	swait.ge [sflag:s14], $0x4000  }
0x42: {  	[sflag:s14] =	ssyncset.done $0x0  }
0x43: {  	s30 =	simm.s32 $0x180;
	s29 =	simm.s32 $0x400;
	[sflag:s14] =	ssyncadd.s32 $0xFFFFC000  }
.LBB2_2:
0x44: {  	[tilespmem:s22], [sflag:$0x2] =	stream.indirect.gather [hbm4b:s4+s20], $0x80, s30, s20, $0xb8;
	[tilespmem:$0x1E800] =	vst v63  }
0x45: {  	s30 =	smov.u32 s29  }
0x46: {  	p0 =	sne.s32 s29, $0x4800;
	s29 =	sadd.s32 $0x400, s29;
	_ =	swait.ge [sflag:s23], $0x4000  }
0x47: {  	s30 =	sshra.s32 s30, $0x2;
	[sflag:s23] =	ssyncset.done $0x0  }
0x48: {  	s31 =	sadd.s32 $0x1400, s30;
	[sflag:s23] =	ssyncadd.s32 $0xFFFFC000  }
0x49: {  	[spmem:s1] =	stream.indirect.scatter.add.f32 [tilespmem:s21], [sflag:$0x3], $0x80, s31, s20, $0xb8;
	[tilespmem:$0x1E800] =	vst v63  }
0x4a: {  	_ =	swait.ge [sflag:s14], $0x4000  }
0x4b: {  	[sflag:s14] =	ssyncset.done $0x0  }
0x4c: {  	s31 =	sadd.s32 $0x100, s30;
	[sflag:s14] =	ssyncadd.s32 $0xFFFFC000  }
0x4d: {  	[tilespmem:s21], [sflag:$0x1] =	stream.indirect.gather [hbm4b:s4+s20], $0x80, s31, s20, $0xb8;
	[tilespmem:$0x1E800] =	vst v63  }
0x4e: {  	_ =	swait.ge [sflag:s24], $0x4000  }
0x4f: {  	[sflag:s24] =	ssyncset.done $0x0  }
.Ltmp0:
0x50: {  	s31 =	sadd.s32 $0x1480, s30;
	[sflag:s24] =	ssyncadd.s32 $0xFFFFC000;
	(pc) =	sbr.rel @p0 .LBB2_2-.Ltmp0, $4  }
0x51: {  	[spmem:s1] =	stream.indirect.scatter.add.f32 [tilespmem:s22], [sflag:$0x3], $0x80, s31, s20, $0xb8;
	[tilespmem:$0x1E800] =	vst v63  }
0x52: {  	_ =	swait.ge [sflag:s14], $0x4000  }
0x53: {  	[sflag:s14] =	ssyncset.done $0x0  }
0x54: {  	s30 =	sadd.s32 $0x180, s30;
	[sflag:s14] =	ssyncadd.s32 $0xFFFFC000  }
0x55: {  	[tilespmem:s22], [sflag:$0x2] =	stream.indirect.gather [hbm4b:s4+s20], $0x80, s30, s20, $0xb8;
	[tilespmem:$0x1E800] =	vst v63  }
0x56: {  	_ =	swait.ge [sflag:s23], $0x4000  }
0x57: {  	[sflag:s23] =	ssyncset.done $0x0  }
0x58: {  	[sflag:s23] =	ssyncadd.s32 $0xFFFFC000  }
0x59: {  	[spmem:s1] =	stream.indirect.scatter.add.f32 [tilespmem:s21], [sflag:$0x3], $0x80, s25, s20, $0xb8;
	[tilespmem:$0x1E800] =	vst v63  }
0x5a: {  	_ =	swait.ge [sflag:s14], $0x4000  }
0x5b: {  	[sflag:s14] =	ssyncset.done $0x0  }
0x5c: {  	[sflag:s14] =	ssyncadd.s32 $0xFFFFC000  }
0x5d: {  	_ =	swait.ge [sflag:s24], $0x4000  }
0x5e: {  	[sflag:s24] =	ssyncset.done $0x0  }
0x5f: {  	[sflag:s24] =	ssyncadd.s32 $0xFFFFC000  }
0x60: {  	[spmem:s1] =	stream.indirect.scatter.add.f32 [tilespmem:s22], [sflag:$0x3], $0x80, s26, s20, $0xb8;
	[tilespmem:$0x1E800] =	vst v63  }
0x61: {  	_ =	swait.ge [sflag:s14], $0x4000  }
0x62: {  	[sflag:s14] =	ssyncset.done $0x0  }
0x63: {  	s29 =	simm.s32 $0x0;
	[sflag:s14] =	ssyncadd.s32 $0xFFFFC000  }
0x64: {  	[tilespmem:s29], [sflag:$0x3] =	stream.linear.gather [hbm4b:s9+s29], $0x1400, $0x38;
	[tilespmem:$0x1E800] =	vst v63  }
0x65: {  	_ =	swait.ge [sflag:s14], $0x1400  }
0x66: {  	[sflag:s14] =	ssyncset.done $0x0  }
0x67: {  	[sflag:s14] =	ssyncadd.s32 $0xFFFFEC00  }
0x68: {  	[tilespmem:s19], [sflag:$0x3] =	stream.linear.gather [hbm4b:s10+s29], $0x1400, $0x38;
	[tilespmem:$0x1E800] =	vst v63  }
0x69: {  	_ =	swait.ge [sflag:s14], $0x1400  }
0x6a: {  	[sflag:s14] =	ssyncset.done $0x0  }
0x6b: {  	[sflag:s14] =	ssyncadd.s32 $0xFFFFEC00  }
0x6c: {  	[tilespmem:s21], [sflag:$0x1] =	stream.indirect.gather [hbm4b:s4+s20], $0x80, s29, s20, $0xb8;
	[tilespmem:$0x1E800] =	vst v63  }
0x6d: {  	_ = 	snop  }
0x6e: {  	[tilespmem:s22], [sflag:$0x2] =	stream.indirect.gather [hbm4b:s4+s20], $0x80, s20, s20, $0xb8;
	[tilespmem:$0x1E800] =	vst v63  }
0x6f: {  	_ =	swait.ge [sflag:s23], $0x4000  }
0x70: {  	[sflag:s23] =	ssyncset.done $0x0  }
0x71: {  	s29 =	simm.s32 $0x1400;
	[sflag:s23] =	ssyncadd.s32 $0xFFFFC000  }
0x72: {  	[spmem:s1] =	stream.indirect.scatter.add.f32 [tilespmem:s21], [sflag:$0x3], $0x80, s29, s20, $0xb8;
	[tilespmem:$0x1E800] =	vst v63  }
0x73: {  	_ =	swait.ge [sflag:s14], $0x4000  }
0x74: {  	[sflag:s14] =	ssyncset.done $0x0  }
0x75: {  	s29 =	simm.s32 $0x100;
	[sflag:s14] =	ssyncadd.s32 $0xFFFFC000  }
0x76: {  	[tilespmem:s21], [sflag:$0x1] =	stream.indirect.gather [hbm4b:s4+s20], $0x80, s29, s20, $0xb8;
	[tilespmem:$0x1E800] =	vst v63  }
0x77: {  	_ =	swait.ge [sflag:s24], $0x4000  }
0x78: {  	[sflag:s24] =	ssyncset.done $0x0  }
0x79: {  	s29 =	simm.s32 $0x1480;
	[sflag:s24] =	ssyncadd.s32 $0xFFFFC000  }
0x7a: {  	[spmem:s1] =	stream.indirect.scatter.add.f32 [tilespmem:s22], [sflag:$0x3], $0x80, s29, s20, $0xb8;
	[tilespmem:$0x1E800] =	vst v63  }
0x7b: {  	_ =	swait.ge [sflag:s14], $0x4000  }
0x7c: {  	[sflag:s14] =	ssyncset.done $0x0  }
0x7d: {  	s30 =	simm.s32 $0x180;
	s29 =	simm.s32 $0x400;
	[sflag:s14] =	ssyncadd.s32 $0xFFFFC000  }
.LBB2_4:
0x7e: {  	[tilespmem:s22], [sflag:$0x2] =	stream.indirect.gather [hbm4b:s4+s20], $0x80, s30, s20, $0xb8;
	[tilespmem:$0x1E800] =	vst v63  }
0x7f: {  	s30 =	smov.u32 s29  }
0x80: {  	p0 =	sne.s32 s29, $0x4800;
	s29 =	sadd.s32 $0x400, s29;
	_ =	swait.ge [sflag:s23], $0x4000  }
0x81: {  	s30 =	sshra.s32 s30, $0x2;
	[sflag:s23] =	ssyncset.done $0x0  }
0x82: {  	s31 =	sadd.s32 $0x1400, s30;
	[sflag:s23] =	ssyncadd.s32 $0xFFFFC000  }
0x83: {  	[spmem:s1] =	stream.indirect.scatter.add.f32 [tilespmem:s21], [sflag:$0x3], $0x80, s31, s20, $0xb8;
	[tilespmem:$0x1E800] =	vst v63  }
0x84: {  	_ =	swait.ge [sflag:s14], $0x4000  }
0x85: {  	[sflag:s14] =	ssyncset.done $0x0  }
0x86: {  	s31 =	sadd.s32 $0x100, s30;
	[sflag:s14] =	ssyncadd.s32 $0xFFFFC000  }
0x87: {  	[tilespmem:s21], [sflag:$0x1] =	stream.indirect.gather [hbm4b:s4+s20], $0x80, s31, s20, $0xb8;
	[tilespmem:$0x1E800] =	vst v63  }
0x88: {  	_ =	swait.ge [sflag:s24], $0x4000  }
0x89: {  	[sflag:s24] =	ssyncset.done $0x0  }
.Ltmp1:
0x8a: {  	s31 =	sadd.s32 $0x1480, s30;
	[sflag:s24] =	ssyncadd.s32 $0xFFFFC000;
	(pc) =	sbr.rel @p0 .LBB2_4-.Ltmp1, $4  }
0x8b: {  	[spmem:s1] =	stream.indirect.scatter.add.f32 [tilespmem:s22], [sflag:$0x3], $0x80, s31, s20, $0xb8;
	[tilespmem:$0x1E800] =	vst v63  }
0x8c: {  	_ =	swait.ge [sflag:s14], $0x4000  }
0x8d: {  	[sflag:s14] =	ssyncset.done $0x0  }
0x8e: {  	s30 =	sadd.s32 $0x180, s30;
	[sflag:s14] =	ssyncadd.s32 $0xFFFFC000  }
0x8f: {  	[tilespmem:s22], [sflag:$0x2] =	stream.indirect.gather [hbm4b:s4+s20], $0x80, s30, s20, $0xb8;
	[tilespmem:$0x1E800] =	vst v63  }
0x90: {  	_ =	swait.ge [sflag:s23], $0x4000  }
0x91: {  	[sflag:s23] =	ssyncset.done $0x0  }
0x92: {  	[sflag:s23] =	ssyncadd.s32 $0xFFFFC000  }
0x93: {  	[spmem:s1] =	stream.indirect.scatter.add.f32 [tilespmem:s21], [sflag:$0x3], $0x80, s25, s20, $0xb8;
	[tilespmem:$0x1E800] =	vst v63  }
0x94: {  	_ =	swait.ge [sflag:s14], $0x4000  }
0x95: {  	[sflag:s14] =	ssyncset.done $0x0  }
0x96: {  	[sflag:s14] =	ssyncadd.s32 $0xFFFFC000  }
0x97: {  	_ =	swait.ge [sflag:s24], $0x4000  }
0x98: {  	[sflag:s24] =	ssyncset.done $0x0  }
0x99: {  	[sflag:s24] =	ssyncadd.s32 $0xFFFFC000  }
0x9a: {  	[spmem:s1] =	stream.indirect.scatter.add.f32 [tilespmem:s22], [sflag:$0x3], $0x80, s26, s20, $0xb8;
	[tilespmem:$0x1E800] =	vst v63  }
0x9b: {  	_ =	swait.ge [sflag:s14], $0x4000  }
0x9c: {  	s28 =	sadd.s32 $0x1, s28;
	[sflag:s14] =	ssyncset.done $0x0  }
0x9d: {  	p0 =	sne.s32 s28, s12;
	[sflag:s14] =	ssyncadd.s32 $0xFFFFC000  }
.Ltmp2:
0x9e: {  	[bflag:$0x0] =	sbarrier.arrive $0xFFFF;
	(pc) =	sbr.rel @p0 .LBB2_1-.Ltmp2, $4  }
0x9f: {  	[hbm:s11], [sflag:s6] =	dma.local [spmem:s13], $0x2800  }
0xa0: {  	_ =	swait.ge [sflag:s14], $0x2800  }
0xa1: {  	[sflag:s14] =	ssyncset.done $0x0  }
0xa2: {  	[sflag:s14] =	ssyncadd.s32 $0xFFFFD800  }
0xa3: {  	_ =	sfence.sel $0x180000  }
0xa4: {  	[bflag:$0x0] =	sbarrier.arrive $0xFFFF  }
0xa5: {  	p0 =	sne.s32 s2, $0x0;
	_ =	strace $0x9000004A  }
0xa6: {  	s0 =	sadd.s32 @!p0 $0x100000, s0;
	[bflag:$0x2] =	sbarrier.arrive $0xFFFF  }
0xa7: {  	[sflag:s0] =	ssyncadd.tile.s32 @!p0 $0x1;
	_ =	shalt  }
.Lfunc_end2:
_tile_overlayer_lowered:
.L_overlay_start_2:
0xa8: {  	(tag) =	ssettag $0x2  }
0xa9: {  	s0 =	rddreg [dreg:$0x0];
	s2 =	stileid.u32  }
0xaa: {  	s1 =	rddreg [dreg:$0x1];
	p0 =	sne.s32 s2, $0x0  }
0xab: {  	s3 =	rddreg [dreg:$0x2];
	[bflag:$0x3] =	sbarrier.arrive $0xFFFF;
	s2 =	simm.s32 @!p0 $0x1C03  }
0xac: {  	[timem:s3], [sflag:s2] =	dma.local @!p0 [hbm:s0], s1  }
0xad: {  	s0 =	simm.s32 @!p0 $0x3  }
0xae: {  	_ =	swait.ge @!p0 [sflag:s0], s1  }
0xaf: {  	s1 =	ssub.s32 @!p0 $0x0, s1;
	[sflag:s0] =	ssyncset.done @!p0 $0x0  }
0xb0: {  	[sflag:s0] =	ssyncadd.s32 @!p0 s1  }
0xb1: {  	[bflag:$0x3] =	sbarrier.arrive $0xFFFF  }
0xb2: {  	_ =	shalt  }

// kernel: kernel.16.cloned.1.call-start
scs
__scs_entry_jumppad:
0x0: {  	(pc) =	sbr.rel $0x88, $3  }
0x1: {  	(tag) =	ssettag $0x0;
	lr =	simm.s32 $0x1  }
0x2: {  	[smem:$0x3F9B] =	sst lr;
	_ =	strace $0xD0000000  }
0x3: {  	_ = 	snop  }
0x4: {  	_ = 	snop  }
0x5: {  	_ = 	snop  }
0x6: {  	_ = 	snop  }
0x7: {  	_ = 	snop  }
__scs_overlays_trampoline_lowered:
0x8: {  	[smem:$0x3FAA] =	sst s0  }
0x9: {  	[smem:$0x3FAB] =	sst s1  }
0xa: {  	[smem:$0x3FAC] =	sst s2  }
0xb: {  	[smem:$0x3FAD] =	sst s3  }
0xc: {  	[smem:$0x3FAE] =	sst s4  }
0xd: {  	[smem:$0x3FAF] =	sst s5  }
0xe: {  	[smem:$0x3FB0] =	sst s6  }
0xf: {  	[smem:$0x3FB1] =	sst s7  }
0x10: {  	[smem:$0x3FB2] =	sst s8  }
0x11: {  	[smem:$0x3FB3] =	sst s9;
	s0 =	simm.s32 @!p0 $0x0  }
0x12: {  	s1 =	sld [smem:$0x3F99];
	s0 =	simm.s32 @p0 $0x1  }
0x13: {  	[smem:$0x3FB4] =	sst s0;
	s0 =	simm.s32 @!p1 $0x0  }
0x14: {  	s2 =	sld [smem:$0x3F98];
	s0 =	simm.s32 @p1 $0x1  }
0x15: {  	[smem:$0x3FB5] =	sst s0;
	s0 =	simm.s32 @!p2 $0x0  }
0x16: {  	s3 =	sld [smem:$0x3FDB];
	s0 =	simm.s32 @p2 $0x1  }
0x17: {  	s4 =	simm.s32 $0x1BF5;
	[smem:$0x3FB7] =	sst s0  }
0x18: {  	s0 =	sld [smem:$0x3F9A];
	_ =	swait.ge [sflag:s4], $0x0  }
0x19: {  	s7 =	sld [smem:$0x3F9B]  }
0x1a: {  	s8 =	sadd.s32 $0xFFFFE003, lr  }
0x1b: {  	s9 =	sadd.s32 $0xFFFFFEF7, lr;
	s5 =	simm.s32 $0xFFFFFFFF;
	p2 =	slt.u32 s8, $0xFFFFF086  }
0x1c: {  	p1 =	slt.u32 s9, $0xF7A;
	s5 =	simm.s32 @!p2 $0x0  }
0x1d: {  	s5 =	simm.s32 @p1 $0x1;
	p0 =	seq.s32 s7, s2  }
0x1e: {  	s7 =	smul.u32 @!p0 $0xF7A, s2;
	p2 =	seq.s32 @!p0 s5, $0x0  }
0x1f: {  	s9 =	smul.u32 $0xF7A, s1;
	s8 =	simm.s32 @!p0 $0x1BF5;
	p2 =	por !p2, p0  }
0x20: {  	[sflag:s8] =	ssyncset.s32 @!p0 $0xFFFFF086;
	s6 =	sadd.s32 @!p0 s3, s7;
	s7 =	simm.s32 @!p0 $0x108  }
0x21: {  	s3 =	sadd.s32 s3, s9;
	s6 =	sadd.s32 @!p0 $0x88, s6;
	s7 =	simm.s32 @p2 $0x1082  }
0x22: {  	[simem:s7], [sflag:s8] =	dma.local @!p0 [hbm:s6], $0xF7A  }
0x23: {  	s9 =	sor.u32 $0xD0000000, s2;
	s6 =	simm.s32 $0x108;
	_ =	swait.ge @!p0 [sflag:s8], $0x0  }
0x24: {  	s3 =	sadd.s32 $0x88, s3;
	s6 =	simm.s32 @!p1 $0x1082;
	[sflag:s4] =	ssyncset.s32 $0xFFFFF086  }
0x25: {  	[simem:s6], [sflag:s4] =	dma.local [hbm:s3], $0xF7A  }
0x26: {  	[smem:$0x3F9B] =	sst s1;
	(tag) =	ssettag s2;
	_ =	strace s9  }
0x27: {  	s1 =	sld [smem:$0x3FAB]  }
0x28: {  	s2 =	sld [smem:$0x3FAC]  }
0x29: {  	s4 =	sld [smem:$0x3FAE]  }
0x2a: {  	p0 =	seq.s32 s5, $0x0;
	s5 =	sld [smem:$0x3FAF]  }
0x2b: {  	s6 =	sld [smem:$0x3FB0]  }
0x2c: {  	s7 =	sld [smem:$0x3FB1]  }
0x2d: {  	s3 =	simm.s32 $0x108;
	s8 =	sld [smem:$0x3FB2]  }
0x2e: {  	s3 =	simm.s32 @!p0 $0x1082;
	s9 =	sld [smem:$0x3FB3]  }
0x2f: {  	lr =	sadd.s32 s0, s3;
	s0 =	sld [smem:$0x3FAA]  }
0x30: {  	s3 =	sld [smem:$0x3FAD]  }
0x31: {  	[smem:$0x3FB6] =	sst s10  }
0x32: {  	s10 =	sld [smem:$0x3FB4];
	_ =	sdelay $0x3  }
0x33: {  	p0 =	seq.s32 s10, $0x1;
	s10 =	sld [smem:$0x3FB6];
	_ =	sdelay $0x3  }
0x34: {  	[smem:$0x3FB6] =	sst s10  }
0x35: {  	s10 =	sld [smem:$0x3FB5];
	_ =	sdelay $0x3  }
0x36: {  	p1 =	seq.s32 s10, $0x1;
	s10 =	sld [smem:$0x3FB6];
	_ =	sdelay $0x3  }
0x37: {  	[smem:$0x3FB6] =	sst s10  }
0x38: {  	s10 =	sld [smem:$0x3FB7]  }
0x39: {  	_ = 	snop;
	(pc) =	sbr.ind lr, $3  }
0x3a: {  	_ = 	snop  }
0x3b: {  	_ = 	snop  }
0x3c: {  	p2 =	seq.s32 s10, $0x1;
	s10 =	sld [smem:$0x3FB6]  }
0x3d: {  	_ =	shalt  }
0x3e: {  	_ =	shalt  }
0x3f: {  	_ =	shalt  }
0x40: {  	_ =	shalt  }
0x41: {  	_ =	shalt  }
0x42: {  	_ =	shalt  }
0x43: {  	_ =	shalt  }
0x44: {  	_ =	shalt  }
0x45: {  	_ =	shalt  }
0x46: {  	_ =	shalt  }
0x47: {  	_ =	shalt  }
0x48: {  	_ =	shalt  }
0x49: {  	_ =	shalt  }
0x4a: {  	_ =	shalt  }
0x4b: {  	_ =	shalt  }
0x4c: {  	_ =	shalt  }
0x4d: {  	_ =	shalt  }
0x4e: {  	_ =	shalt  }
0x4f: {  	_ =	shalt  }
0x50: {  	_ =	shalt  }
0x51: {  	_ =	shalt  }
0x52: {  	_ =	shalt  }
0x53: {  	_ =	shalt  }
0x54: {  	_ =	shalt  }
0x55: {  	_ =	shalt  }
0x56: {  	_ =	shalt  }
0x57: {  	_ =	shalt  }
0x58: {  	_ =	shalt  }
0x59: {  	_ =	shalt  }
0x5a: {  	_ =	shalt  }
0x5b: {  	_ =	shalt  }
0x5c: {  	_ =	shalt  }
0x5d: {  	_ =	shalt  }
0x5e: {  	_ =	shalt  }
0x5f: {  	_ =	shalt  }
0x60: {  	_ =	shalt  }
0x61: {  	_ =	shalt  }
0x62: {  	_ =	shalt  }
0x63: {  	_ =	shalt  }
0x64: {  	_ =	shalt  }
0x65: {  	_ =	shalt  }
0x66: {  	_ =	shalt  }
0x67: {  	_ =	shalt  }
0x68: {  	_ =	shalt  }
0x69: {  	_ =	shalt  }
0x6a: {  	_ =	shalt  }
0x6b: {  	_ =	shalt  }
0x6c: {  	_ =	shalt  }
0x6d: {  	_ =	shalt  }
0x6e: {  	_ =	shalt  }
0x6f: {  	_ =	shalt  }
0x70: {  	_ =	shalt  }
0x71: {  	_ =	shalt  }
0x72: {  	_ =	shalt  }
0x73: {  	_ =	shalt  }
0x74: {  	_ =	shalt  }
0x75: {  	_ =	shalt  }
0x76: {  	_ =	shalt  }
0x77: {  	_ =	shalt  }
0x78: {  	_ =	shalt  }
0x79: {  	_ =	shalt  }
0x7a: {  	_ =	shalt  }
0x7b: {  	_ =	shalt  }
0x7c: {  	_ =	shalt  }
0x7d: {  	_ =	shalt  }
0x7e: {  	_ =	shalt  }
0x7f: {  	_ =	shalt  }
0x80: {  	_ =	shalt  }
0x81: {  	_ =	shalt  }
0x82: {  	_ =	shalt  }
0x83: {  	_ =	shalt  }
0x84: {  	_ =	shalt  }
0x85: {  	_ =	shalt  }
0x86: {  	_ =	shalt  }
0x87: {  	_ =	shalt  }
.Lfunc_end0:
.L_simem_size_0:
called_computation.3_lowered:
.L_overlay_start_0:
0x88: {  	s2 =	sld [smem:$0x3FD9]  }
0x89: {  	s3 =	sld [smem:$0x3FFE];
	_ =	sdelay $0x1  }
0x8a: {  	s1 =	srdreg.scid  }
0x8b: {  	s0 =	sand.u32 $0x1, s1  }
0x8c: {  	s16 =	sshll.u32 s0, $0xA;
	s2 =	sadd.s32 s3, s2  }
0x8d: {  	s2 =	sadd.s32 s2, s16  }
0x8e: {  	[smem:$0x3FC2] =	sst s2  }
0x8f: {  	_ = 	snop  }
0x90: {  	(tm) =	ssettm $0x1  }
0x91: {  	s17 =	sld [smem:$0x3FFB];
	_ =	sdelay $0x3  }
0x92: {  	_ =	strace s17  }
0x93: {  	s2 =	sld [smem:$0x3FFC];
	_ =	sdelay $0x3  }
0x94: {  	_ =	strace s2  }
0x95: {  	s2 =	sld [smem:$0x3FFD];
	_ =	sdelay $0x3  }
0x96: {  	_ =	strace s2  }
0x97: {  	_ =	strace $0x8FFFFFFF  }
0x98: {  	s18 =	sld [smem:$0x3FDB];
	_ =	sdelay $0x1  }
0x99: {  	s19 =	simm.s32 $_scs_section_size  }
0x9a: {  	s4 =	simm.s32 $_size__tile_overlayer_lowered;
	s5 =	simm.s32 $_tile_overlayer_lowered  }
0x9b: {  	s22 =	simm.s32 $0x1BFF;
	s21 =	sshll.u32 s5, $0x1;
	s2 =	sadd.s32 s19, s18  }
0x9c: {  	s6 =	simm.s32 $0x0;
	s20 =	sshll.u32 s4, $0x1;
	s4 =	sadd.s32 s21, s2  }
0x9d: {  	[timem:s6], [sflag:s22] =	dma.local [hbm:s4], s20  }
0x9e: {  	_ =	swait.ge [sflag:s22], s20  }
0x9f: {  	s3 =	ssub.s32 $0x0, s20;
	[sflag:s22] =	ssyncset.done $0x0  }
0xa0: {  	[sflag:s22] =	ssyncadd.s32 s3;
	_ =	sdelay $0x1  }
0xa1: {  	s23 =	simm.s32 $0x1B8B  }
0xa2: {  	_ =	swait.ge [sflag:s23], $0x1  }
0xa3: {  	[sflag:s23] =	ssyncset.done $0x0  }
0xa4: {  	s25 =	simm.s32 $0x1B8E;
	s24 =	sld [smem:$0x3FFE];
	[sflag:s23] =	ssyncadd.s32 $0xFFFFFFFF  }
0xa5: {  	s26 =	simm.s32 $execute0_lowered;
	[smem:$0x3FD2] =	sst s25  }
0xa6: {  	s4 =	sshll.u32 s26, $0x1;
	_ =	strace $0x8000004C;
	[dreg:$0x1] =	wrdreg $0xFFFFFFFF  }
0xa7: {  	s28 =	simm.s32 $_size_execute0_lowered;
	s2 =	sadd.s32 s2, s4;
	[dreg:$0x0] =	wrdreg $0x0  }
0xa8: {  	s4 =	sshll.u32 s28, $0x1;
	[dreg:$0x2] =	wrdreg s2  }
0xa9: {  	[dreg:$0x3] =	wrdreg s4  }
0xaa: {  	[dreg:$0x4] =	wrdreg $0xC0  }
0xab: {  	_ =	task [dreg:s6], $0x5FFFF  }
0xac: {  	[dreg:$0x1] =	wrdreg $0xFFFFFFFF  }
0xad: {  	[dreg:$0x0] =	wrdreg $0x60  }
0xae: {  	[dreg:$0x2] =	wrdreg s24  }
0xaf: {  	[dreg:$0x3] =	wrdreg $0xA8000  }
0xb0: {  	[dreg:$0x4] =	wrdreg $0x9  }
0xb1: {  	_ =	task.clear_ibuf [dreg:s6], $0x5FFFF;
	_ =	strace $0x9000004C  }
0xb2: {  	s29 =	simm.s32 $0x9;
	_ =	strace $0x8000004E  }
0xb3: {  	_ =	swait.ge [sflag:s29], $0x1  }
0xb4: {  	[sflag:s29] =	ssyncadd.s32 $0xFFFFFFFF  }
0xb5: {  	_ =	strace $0x9000004E  }
0xb6: {  	_ =	sfence  }
0xb7: {  	s30 =	sld [smem:$0x0];
	_ =	sdelay $0x2  }
0xb8: {  	s31 =	sshll.u32 s1, $0xD;
	s1 =	sshrl.u32 s1, $0x2  }
0xb9: {  	s3 =	sand.u32 $0x4000, s31;
	s1 =	sadd.s32 s1, s30  }
0xba: {  	s0 =	sor.u32 s3, s0;
	s1 =	sshll.u32 s1, $0x11  }
0xbb: {  	s0 =	sor.u32 s1, s0  }
0xbc: {  	s0 =	sadd.s32 $0x8F2B, s0  }
0xbd: {  	[sflag:s0] =	ssyncadd.remote.s32 $0x1  }
0xbe: {  	_ =	sfence.sel $0xFFFF  }
0xbf: {  	[dreg:$0x0] =	wrdreg $0xFFFFFFFF;
	(pc) =	sbr.abs _section_cstart, $3  }
0xc0: {  	[dreg:$0x1] =	wrdreg $0xFFFFFFFF  }
0xc1: {  	_ =	task.clear_ibuf [dreg:s6], $0x2FFFF;
	_ =	strace $0x9FFFFFFF  }
0xc2: {  	(tm) =	ssettm $0x7FFFFFFF  }
0xc3: {  	_ =	shalt  }
tec
execute0_lowered:
.L_overlay_start_1:
0x0: {  	(tag) =	ssettag $0x1  }
0x1: {  	s6 =	rddreg [dreg:$0x0]  }
0x2: {  	s1 =	rddreg [dreg:$0x1];
	s2 =	srdreg.scid  }
0x3: {  	s0 =	rddreg [dreg:$0x2];
	s3 =	simm.s32 $0x0;
	s19 =	simm.s32 $0x1400  }
0x4: {  	s20 =	simm.s32 $0x80;
	s21 =	simm.s32 $0x2800;
	s22 =	simm.s32 $0x6800  }
0x5: {  	s28 =	simm.s32 $0x0;
	s7 =	sand.u32 $0x1, s2;
	s2 =	stileid.u32  }
0x6: {  	[smem:$0x7FF] =	sst s3;
	s4 =	sadd.s32 $0x68800, s6;
	s5 =	smul.u32 $0x140000, s7  }
0x7: {  	s9 =	sadd.s32 $0xE800, s6;
	s10 =	sadd.s32 $0x4800, s6;
	s8 =	smul.u32 $0x14000, s2  }
0x8: {  	_ =	strace $0x8000004D;
	s11 =	smul.u32 $0x50000, s2;
	s23 =	ssub.s32 $0x2, s7  }
0x9: {  	s24 =	sshll.u32 s2, $0x1;
	s26 =	sshll.u32 s2, $0x6;
	s13 =	sshrl.u32 s23, $0x1  }
0xa: {  	s7 =	sor.u32 s7, s24;
	s24 =	simm.s32 $0x2;
	s8 =	sadd.s32 s8, s5  }
0xb: {  	s5 =	sadd.s32 $0x90800, s6;
	s25 =	sshrl.u32 s11, $0x2;
	s29 =	smul.u32 $0x2800, s7  }
0xc: {  	s13 =	ssub.s32 s23, s13;
	s30 =	smul.u32 $0x500, s7;
	s23 =	simm.s32 $0x1  }
0xd: {  	s8 =	sshrl.u32 s8, $0x3;
	s14 =	sadd.s32 s25, s1;
	s25 =	simm.s32 $0x2700  }
0xe: {  	s12 =	sadd.s32 s8, s6;
	s6 =	sor.u32 $0x1C03, s26;
	s15 =	sadd.s32 $0x4000, s14  }
0xf: {  	s16 =	sadd.s32 $0x8000, s14;
	s31 =	sshrl.u32 s29, $0x3;
	s17 =	sadd.s32 $0xC000, s14  }
0x10: {  	s18 =	sadd.s32 $0x10000, s14;
	s7 =	sadd.s32 s9, s30;
	s8 =	sadd.s32 s10, s30  }
0x11: {  	s26 =	simm.s32 $0x2780;
	s11 =	sadd.s32 $0x280, s31;
	s15 =	sshrl.u32 s15, $0x3  }
0x12: {  	s16 =	sshrl.u32 s16, $0x3;
	s17 =	sshrl.u32 s17, $0x3;
	s18 =	sshrl.u32 s18, $0x3  }
0x13: {  	s9 =	sadd.s32 s9, s11;
	s10 =	sadd.s32 s10, s11;
	s11 =	sadd.s32 $0x109800, s12  }
0x14: {  	s12 =	smax.u32 s13, $0x1;
	s13 =	sshrl.u32 s14, $0x3;
	s14 =	simm.s32 $0x3  }
.LBB2_1:
0x15: {  	[spmem:s13], [sflag:s6] =	dma.local [hbm:s5], $0x800  }
0x16: {  	_ =	swait.ge [sflag:s14], $0x800  }
0x17: {  	[sflag:s14] =	ssyncset.done $0x0  }
0x18: {  	[sflag:s14] =	ssyncadd.s32 $0xFFFFF800  }
0x19: {  	[spmem:s15], [sflag:s6] =	dma.local [hbm:s5], $0x800  }
0x1a: {  	_ =	swait.ge [sflag:s14], $0x800  }
0x1b: {  	[sflag:s14] =	ssyncset.done $0x0  }
0x1c: {  	[sflag:s14] =	ssyncadd.s32 $0xFFFFF800  }
0x1d: {  	[spmem:s16], [sflag:s6] =	dma.local [hbm:s5], $0x800  }
0x1e: {  	_ =	swait.ge [sflag:s14], $0x800  }
0x1f: {  	[sflag:s14] =	ssyncset.done $0x0  }
0x20: {  	[sflag:s14] =	ssyncadd.s32 $0xFFFFF800  }
0x21: {  	[spmem:s17], [sflag:s6] =	dma.local [hbm:s5], $0x800  }
0x22: {  	_ =	swait.ge [sflag:s14], $0x800  }
0x23: {  	[sflag:s14] =	ssyncset.done $0x0  }
0x24: {  	[sflag:s14] =	ssyncadd.s32 $0xFFFFF800  }
0x25: {  	[spmem:s18], [sflag:s6] =	dma.local [hbm:s5], $0x800  }
0x26: {  	_ =	swait.ge [sflag:s14], $0x800  }
0x27: {  	[sflag:s14] =	ssyncset.done $0x0  }
0x28: {  	[sflag:s14] =	ssyncadd.s32 $0xFFFFF800  }
0x29: {  	[bflag:$0x0] =	sbarrier.arrive $0xFFFF  }
0x2a: {  	[tilespmem:s3], [sflag:$0x3] =	stream.linear.gather [hbm4b:s7+s3], $0x1400, $0x38;
	[tilespmem:$0x1E800] =	vst v63  }
0x2b: {  	_ =	swait.ge [sflag:s14], $0x1400  }
0x2c: {  	[sflag:s14] =	ssyncset.done $0x0  }
0x2d: {  	[sflag:s14] =	ssyncadd.s32 $0xFFFFEC00  }
0x2e: {  	[tilespmem:s19], [sflag:$0x3] =	stream.linear.gather [hbm4b:s8+s3], $0x1400, $0x38;
	[tilespmem:$0x1E800] =	vst v63  }
0x2f: {  	_ =	swait.ge [sflag:s14], $0x1400  }
0x30: {  	[sflag:s14] =	ssyncset.done $0x0  }
0x31: {  	[sflag:s14] =	ssyncadd.s32 $0xFFFFEC00  }
0x32: {  	[tilespmem:s21], [sflag:$0x1] =	stream.indirect.gather [hbm4b:s4+s20], $0x80, s3, s20, $0xb8;
	[tilespmem:$0x1E800] =	vst v63  }
0x33: {  	_ = 	snop  }
0x34: {  	[tilespmem:s22], [sflag:$0x2] =	stream.indirect.gather [hbm4b:s4+s20], $0x80, s20, s20, $0xb8;
	[tilespmem:$0x1E800] =	vst v63  }
0x35: {  	_ =	swait.ge [sflag:s23], $0x4000  }
0x36: {  	[sflag:s23] =	ssyncset.done $0x0  }
0x37: {  	s29 =	simm.s32 $0x1400;
	[sflag:s23] =	ssyncadd.s32 $0xFFFFC000  }
0x38: {  	[spmem:s1] =	stream.indirect.scatter.add.f32 [tilespmem:s21], [sflag:$0x3], $0x80, s29, s20, $0xb8;
	[tilespmem:$0x1E800] =	vst v63  }
0x39: {  	_ =	swait.ge [sflag:s14], $0x4000  }
0x3a: {  	[sflag:s14] =	ssyncset.done $0x0  }
0x3b: {  	s29 =	simm.s32 $0x100;
	[sflag:s14] =	ssyncadd.s32 $0xFFFFC000  }
0x3c: {  	[tilespmem:s21], [sflag:$0x1] =	stream.indirect.gather [hbm4b:s4+s20], $0x80, s29, s20, $0xb8;
	[tilespmem:$0x1E800] =	vst v63  }
0x3d: {  	_ =	swait.ge [sflag:s24], $0x4000  }
0x3e: {  	[sflag:s24] =	ssyncset.done $0x0  }
0x3f: {  	s29 =	simm.s32 $0x1480;
	[sflag:s24] =	ssyncadd.s32 $0xFFFFC000  }
0x40: {  	[spmem:s1] =	stream.indirect.scatter.add.f32 [tilespmem:s22], [sflag:$0x3], $0x80, s29, s20, $0xb8;
	[tilespmem:$0x1E800] =	vst v63  }
0x41: {  	_ =	swait.ge [sflag:s14], $0x4000  }
0x42: {  	[sflag:s14] =	ssyncset.done $0x0  }
0x43: {  	s30 =	simm.s32 $0x180;
	s29 =	simm.s32 $0x400;
	[sflag:s14] =	ssyncadd.s32 $0xFFFFC000  }
.LBB2_2:
0x44: {  	[tilespmem:s22], [sflag:$0x2] =	stream.indirect.gather [hbm4b:s4+s20], $0x80, s30, s20, $0xb8;
	[tilespmem:$0x1E800] =	vst v63  }
0x45: {  	s30 =	smov.u32 s29  }
0x46: {  	p0 =	sne.s32 s29, $0x4800;
	s29 =	sadd.s32 $0x400, s29;
	_ =	swait.ge [sflag:s23], $0x4000  }
0x47: {  	s30 =	sshra.s32 s30, $0x2;
	[sflag:s23] =	ssyncset.done $0x0  }
0x48: {  	s31 =	sadd.s32 $0x1400, s30;
	[sflag:s23] =	ssyncadd.s32 $0xFFFFC000  }
0x49: {  	[spmem:s1] =	stream.indirect.scatter.add.f32 [tilespmem:s21], [sflag:$0x3], $0x80, s31, s20, $0xb8;
	[tilespmem:$0x1E800] =	vst v63  }
0x4a: {  	_ =	swait.ge [sflag:s14], $0x4000  }
0x4b: {  	[sflag:s14] =	ssyncset.done $0x0  }
0x4c: {  	s31 =	sadd.s32 $0x100, s30;
	[sflag:s14] =	ssyncadd.s32 $0xFFFFC000  }
0x4d: {  	[tilespmem:s21], [sflag:$0x1] =	stream.indirect.gather [hbm4b:s4+s20], $0x80, s31, s20, $0xb8;
	[tilespmem:$0x1E800] =	vst v63  }
0x4e: {  	_ =	swait.ge [sflag:s24], $0x4000  }
0x4f: {  	[sflag:s24] =	ssyncset.done $0x0  }
.Ltmp0:
0x50: {  	s31 =	sadd.s32 $0x1480, s30;
	[sflag:s24] =	ssyncadd.s32 $0xFFFFC000;
	(pc) =	sbr.rel @p0 .LBB2_2-.Ltmp0, $4  }
0x51: {  	[spmem:s1] =	stream.indirect.scatter.add.f32 [tilespmem:s22], [sflag:$0x3], $0x80, s31, s20, $0xb8;
	[tilespmem:$0x1E800] =	vst v63  }
0x52: {  	_ =	swait.ge [sflag:s14], $0x4000  }
0x53: {  	[sflag:s14] =	ssyncset.done $0x0  }
0x54: {  	s30 =	sadd.s32 $0x180, s30;
	[sflag:s14] =	ssyncadd.s32 $0xFFFFC000  }
0x55: {  	[tilespmem:s22], [sflag:$0x2] =	stream.indirect.gather [hbm4b:s4+s20], $0x80, s30, s20, $0xb8;
	[tilespmem:$0x1E800] =	vst v63  }
0x56: {  	_ =	swait.ge [sflag:s23], $0x4000  }
0x57: {  	[sflag:s23] =	ssyncset.done $0x0  }
0x58: {  	[sflag:s23] =	ssyncadd.s32 $0xFFFFC000  }
0x59: {  	[spmem:s1] =	stream.indirect.scatter.add.f32 [tilespmem:s21], [sflag:$0x3], $0x80, s25, s20, $0xb8;
	[tilespmem:$0x1E800] =	vst v63  }
0x5a: {  	_ =	swait.ge [sflag:s14], $0x4000  }
0x5b: {  	[sflag:s14] =	ssyncset.done $0x0  }
0x5c: {  	[sflag:s14] =	ssyncadd.s32 $0xFFFFC000  }
0x5d: {  	_ =	swait.ge [sflag:s24], $0x4000  }
0x5e: {  	[sflag:s24] =	ssyncset.done $0x0  }
0x5f: {  	[sflag:s24] =	ssyncadd.s32 $0xFFFFC000  }
0x60: {  	[spmem:s1] =	stream.indirect.scatter.add.f32 [tilespmem:s22], [sflag:$0x3], $0x80, s26, s20, $0xb8;
	[tilespmem:$0x1E800] =	vst v63  }
0x61: {  	_ =	swait.ge [sflag:s14], $0x4000  }
0x62: {  	[sflag:s14] =	ssyncset.done $0x0  }
0x63: {  	s29 =	simm.s32 $0x0;
	[sflag:s14] =	ssyncadd.s32 $0xFFFFC000  }
0x64: {  	[tilespmem:s29], [sflag:$0x3] =	stream.linear.gather [hbm4b:s9+s29], $0x1400, $0x38;
	[tilespmem:$0x1E800] =	vst v63  }
0x65: {  	_ =	swait.ge [sflag:s14], $0x1400  }
0x66: {  	[sflag:s14] =	ssyncset.done $0x0  }
0x67: {  	[sflag:s14] =	ssyncadd.s32 $0xFFFFEC00  }
0x68: {  	[tilespmem:s19], [sflag:$0x3] =	stream.linear.gather [hbm4b:s10+s29], $0x1400, $0x38;
	[tilespmem:$0x1E800] =	vst v63  }
0x69: {  	_ =	swait.ge [sflag:s14], $0x1400  }
0x6a: {  	[sflag:s14] =	ssyncset.done $0x0  }
0x6b: {  	[sflag:s14] =	ssyncadd.s32 $0xFFFFEC00  }
0x6c: {  	[tilespmem:s21], [sflag:$0x1] =	stream.indirect.gather [hbm4b:s4+s20], $0x80, s29, s20, $0xb8;
	[tilespmem:$0x1E800] =	vst v63  }
0x6d: {  	_ = 	snop  }
0x6e: {  	[tilespmem:s22], [sflag:$0x2] =	stream.indirect.gather [hbm4b:s4+s20], $0x80, s20, s20, $0xb8;
	[tilespmem:$0x1E800] =	vst v63  }
0x6f: {  	_ =	swait.ge [sflag:s23], $0x4000  }
0x70: {  	[sflag:s23] =	ssyncset.done $0x0  }
0x71: {  	s29 =	simm.s32 $0x1400;
	[sflag:s23] =	ssyncadd.s32 $0xFFFFC000  }
0x72: {  	[spmem:s1] =	stream.indirect.scatter.add.f32 [tilespmem:s21], [sflag:$0x3], $0x80, s29, s20, $0xb8;
	[tilespmem:$0x1E800] =	vst v63  }
0x73: {  	_ =	swait.ge [sflag:s14], $0x4000  }
0x74: {  	[sflag:s14] =	ssyncset.done $0x0  }
0x75: {  	s29 =	simm.s32 $0x100;
	[sflag:s14] =	ssyncadd.s32 $0xFFFFC000  }
0x76: {  	[tilespmem:s21], [sflag:$0x1] =	stream.indirect.gather [hbm4b:s4+s20], $0x80, s29, s20, $0xb8;
	[tilespmem:$0x1E800] =	vst v63  }
0x77: {  	_ =	swait.ge [sflag:s24], $0x4000  }
0x78: {  	[sflag:s24] =	ssyncset.done $0x0  }
0x79: {  	s29 =	simm.s32 $0x1480;
	[sflag:s24] =	ssyncadd.s32 $0xFFFFC000  }
0x7a: {  	[spmem:s1] =	stream.indirect.scatter.add.f32 [tilespmem:s22], [sflag:$0x3], $0x80, s29, s20, $0xb8;
	[tilespmem:$0x1E800] =	vst v63  }
0x7b: {  	_ =	swait.ge [sflag:s14], $0x4000  }
0x7c: {  	[sflag:s14] =	ssyncset.done $0x0  }
0x7d: {  	s30 =	simm.s32 $0x180;
	s29 =	simm.s32 $0x400;
	[sflag:s14] =	ssyncadd.s32 $0xFFFFC000  }
.LBB2_4:
0x7e: {  	[tilespmem:s22], [sflag:$0x2] =	stream.indirect.gather [hbm4b:s4+s20], $0x80, s30, s20, $0xb8;
	[tilespmem:$0x1E800] =	vst v63  }
0x7f: {  	s30 =	smov.u32 s29  }
0x80: {  	p0 =	sne.s32 s29, $0x4800;
	s29 =	sadd.s32 $0x400, s29;
	_ =	swait.ge [sflag:s23], $0x4000  }
0x81: {  	s30 =	sshra.s32 s30, $0x2;
	[sflag:s23] =	ssyncset.done $0x0  }
0x82: {  	s31 =	sadd.s32 $0x1400, s30;
	[sflag:s23] =	ssyncadd.s32 $0xFFFFC000  }
0x83: {  	[spmem:s1] =	stream.indirect.scatter.add.f32 [tilespmem:s21], [sflag:$0x3], $0x80, s31, s20, $0xb8;
	[tilespmem:$0x1E800] =	vst v63  }
0x84: {  	_ =	swait.ge [sflag:s14], $0x4000  }
0x85: {  	[sflag:s14] =	ssyncset.done $0x0  }
0x86: {  	s31 =	sadd.s32 $0x100, s30;
	[sflag:s14] =	ssyncadd.s32 $0xFFFFC000  }
0x87: {  	[tilespmem:s21], [sflag:$0x1] =	stream.indirect.gather [hbm4b:s4+s20], $0x80, s31, s20, $0xb8;
	[tilespmem:$0x1E800] =	vst v63  }
0x88: {  	_ =	swait.ge [sflag:s24], $0x4000  }
0x89: {  	[sflag:s24] =	ssyncset.done $0x0  }
.Ltmp1:
0x8a: {  	s31 =	sadd.s32 $0x1480, s30;
	[sflag:s24] =	ssyncadd.s32 $0xFFFFC000;
	(pc) =	sbr.rel @p0 .LBB2_4-.Ltmp1, $4  }
0x8b: {  	[spmem:s1] =	stream.indirect.scatter.add.f32 [tilespmem:s22], [sflag:$0x3], $0x80, s31, s20, $0xb8;
	[tilespmem:$0x1E800] =	vst v63  }
0x8c: {  	_ =	swait.ge [sflag:s14], $0x4000  }
0x8d: {  	[sflag:s14] =	ssyncset.done $0x0  }
0x8e: {  	s30 =	sadd.s32 $0x180, s30;
	[sflag:s14] =	ssyncadd.s32 $0xFFFFC000  }
0x8f: {  	[tilespmem:s22], [sflag:$0x2] =	stream.indirect.gather [hbm4b:s4+s20], $0x80, s30, s20, $0xb8;
	[tilespmem:$0x1E800] =	vst v63  }
0x90: {  	_ =	swait.ge [sflag:s23], $0x4000  }
0x91: {  	[sflag:s23] =	ssyncset.done $0x0  }
0x92: {  	[sflag:s23] =	ssyncadd.s32 $0xFFFFC000  }
0x93: {  	[spmem:s1] =	stream.indirect.scatter.add.f32 [tilespmem:s21], [sflag:$0x3], $0x80, s25, s20, $0xb8;
	[tilespmem:$0x1E800] =	vst v63  }
0x94: {  	_ =	swait.ge [sflag:s14], $0x4000  }
0x95: {  	[sflag:s14] =	ssyncset.done $0x0  }
0x96: {  	[sflag:s14] =	ssyncadd.s32 $0xFFFFC000  }
0x97: {  	_ =	swait.ge [sflag:s24], $0x4000  }
0x98: {  	[sflag:s24] =	ssyncset.done $0x0  }
0x99: {  	[sflag:s24] =	ssyncadd.s32 $0xFFFFC000  }
0x9a: {  	[spmem:s1] =	stream.indirect.scatter.add.f32 [tilespmem:s22], [sflag:$0x3], $0x80, s26, s20, $0xb8;
	[tilespmem:$0x1E800] =	vst v63  }
0x9b: {  	_ =	swait.ge [sflag:s14], $0x4000  }
0x9c: {  	s28 =	sadd.s32 $0x1, s28;
	[sflag:s14] =	ssyncset.done $0x0  }
0x9d: {  	p0 =	sne.s32 s28, s12;
	[sflag:s14] =	ssyncadd.s32 $0xFFFFC000  }
.Ltmp2:
0x9e: {  	[bflag:$0x0] =	sbarrier.arrive $0xFFFF;
	(pc) =	sbr.rel @p0 .LBB2_1-.Ltmp2, $4  }
0x9f: {  	[hbm:s11], [sflag:s6] =	dma.local [spmem:s13], $0x2800  }
0xa0: {  	_ =	swait.ge [sflag:s14], $0x2800  }
0xa1: {  	[sflag:s14] =	ssyncset.done $0x0  }
0xa2: {  	[sflag:s14] =	ssyncadd.s32 $0xFFFFD800  }
0xa3: {  	_ =	sfence.sel $0x180000  }
0xa4: {  	[bflag:$0x0] =	sbarrier.arrive $0xFFFF  }
0xa5: {  	p0 =	sne.s32 s2, $0x0;
	_ =	strace $0x9000004D  }
0xa6: {  	s0 =	sadd.s32 @!p0 $0x100000, s0;
	[bflag:$0x2] =	sbarrier.arrive $0xFFFF  }
0xa7: {  	[sflag:s0] =	ssyncadd.tile.s32 @!p0 $0x1;
	_ =	shalt  }
.Lfunc_end2:
_tile_overlayer_lowered:
.L_overlay_start_2:
0xa8: {  	(tag) =	ssettag $0x2  }
0xa9: {  	s0 =	rddreg [dreg:$0x0];
	s2 =	stileid.u32  }
0xaa: {  	s1 =	rddreg [dreg:$0x1];
	p0 =	sne.s32 s2, $0x0  }
0xab: {  	s3 =	rddreg [dreg:$0x2];
	[bflag:$0x3] =	sbarrier.arrive $0xFFFF;
	s2 =	simm.s32 @!p0 $0x1C03  }
0xac: {  	[timem:s3], [sflag:s2] =	dma.local @!p0 [hbm:s0], s1  }
0xad: {  	s0 =	simm.s32 @!p0 $0x3  }
0xae: {  	_ =	swait.ge @!p0 [sflag:s0], s1  }
0xaf: {  	s1 =	ssub.s32 @!p0 $0x0, s1;
	[sflag:s0] =	ssyncset.done @!p0 $0x0  }
0xb0: {  	[sflag:s0] =	ssyncadd.s32 @!p0 s1  }
0xb1: {  	[bflag:$0x3] =	sbarrier.arrive $0xFFFF  }
0xb2: {  	_ =	shalt  }

// kernel: kernel.19.cloned.1.call-start
scs
__scs_entry_jumppad:
0x0: {  	(pc) =	sbr.rel $0x88, $3  }
0x1: {  	(tag) =	ssettag $0x0;
	lr =	simm.s32 $0x1  }
0x2: {  	[smem:$0x3F9B] =	sst lr;
	_ =	strace $0xD0000000  }
0x3: {  	_ = 	snop  }
0x4: {  	_ = 	snop  }
0x5: {  	_ = 	snop  }
0x6: {  	_ = 	snop  }
0x7: {  	_ = 	snop  }
__scs_overlays_trampoline_lowered:
0x8: {  	[smem:$0x3FAA] =	sst s0  }
0x9: {  	[smem:$0x3FAB] =	sst s1  }
0xa: {  	[smem:$0x3FAC] =	sst s2  }
0xb: {  	[smem:$0x3FAD] =	sst s3  }
0xc: {  	[smem:$0x3FAE] =	sst s4  }
0xd: {  	[smem:$0x3FAF] =	sst s5  }
0xe: {  	[smem:$0x3FB0] =	sst s6  }
0xf: {  	[smem:$0x3FB1] =	sst s7  }
0x10: {  	[smem:$0x3FB2] =	sst s8  }
0x11: {  	[smem:$0x3FB3] =	sst s9;
	s0 =	simm.s32 @!p0 $0x0  }
0x12: {  	s1 =	sld [smem:$0x3F99];
	s0 =	simm.s32 @p0 $0x1  }
0x13: {  	[smem:$0x3FB4] =	sst s0;
	s0 =	simm.s32 @!p1 $0x0  }
0x14: {  	s2 =	sld [smem:$0x3F98];
	s0 =	simm.s32 @p1 $0x1  }
0x15: {  	[smem:$0x3FB5] =	sst s0;
	s0 =	simm.s32 @!p2 $0x0  }
0x16: {  	s3 =	sld [smem:$0x3FDB];
	s0 =	simm.s32 @p2 $0x1  }
0x17: {  	s4 =	simm.s32 $0x1BF5;
	[smem:$0x3FB7] =	sst s0  }
0x18: {  	s0 =	sld [smem:$0x3F9A];
	_ =	swait.ge [sflag:s4], $0x0  }
0x19: {  	s7 =	sld [smem:$0x3F9B]  }
0x1a: {  	s8 =	sadd.s32 $0xFFFFE003, lr  }
0x1b: {  	s9 =	sadd.s32 $0xFFFFFEF7, lr;
	s5 =	simm.s32 $0xFFFFFFFF;
	p2 =	slt.u32 s8, $0xFFFFF086  }
0x1c: {  	p1 =	slt.u32 s9, $0xF7A;
	s5 =	simm.s32 @!p2 $0x0  }
0x1d: {  	s5 =	simm.s32 @p1 $0x1;
	p0 =	seq.s32 s7, s2  }
0x1e: {  	s7 =	smul.u32 @!p0 $0xF7A, s2;
	p2 =	seq.s32 @!p0 s5, $0x0  }
0x1f: {  	s9 =	smul.u32 $0xF7A, s1;
	s8 =	simm.s32 @!p0 $0x1BF5;
	p2 =	por !p2, p0  }
0x20: {  	[sflag:s8] =	ssyncset.s32 @!p0 $0xFFFFF086;
	s6 =	sadd.s32 @!p0 s3, s7;
	s7 =	simm.s32 @!p0 $0x108  }
0x21: {  	s3 =	sadd.s32 s3, s9;
	s6 =	sadd.s32 @!p0 $0x88, s6;
	s7 =	simm.s32 @p2 $0x1082  }
0x22: {  	[simem:s7], [sflag:s8] =	dma.local @!p0 [hbm:s6], $0xF7A  }
0x23: {  	s9 =	sor.u32 $0xD0000000, s2;
	s6 =	simm.s32 $0x108;
	_ =	swait.ge @!p0 [sflag:s8], $0x0  }
0x24: {  	s3 =	sadd.s32 $0x88, s3;
	s6 =	simm.s32 @!p1 $0x1082;
	[sflag:s4] =	ssyncset.s32 $0xFFFFF086  }
0x25: {  	[simem:s6], [sflag:s4] =	dma.local [hbm:s3], $0xF7A  }
0x26: {  	[smem:$0x3F9B] =	sst s1;
	(tag) =	ssettag s2;
	_ =	strace s9  }
0x27: {  	s1 =	sld [smem:$0x3FAB]  }
0x28: {  	s2 =	sld [smem:$0x3FAC]  }
0x29: {  	s4 =	sld [smem:$0x3FAE]  }
0x2a: {  	p0 =	seq.s32 s5, $0x0;
	s5 =	sld [smem:$0x3FAF]  }
0x2b: {  	s6 =	sld [smem:$0x3FB0]  }
0x2c: {  	s7 =	sld [smem:$0x3FB1]  }
0x2d: {  	s3 =	simm.s32 $0x108;
	s8 =	sld [smem:$0x3FB2]  }
0x2e: {  	s3 =	simm.s32 @!p0 $0x1082;
	s9 =	sld [smem:$0x3FB3]  }
0x2f: {  	lr =	sadd.s32 s0, s3;
	s0 =	sld [smem:$0x3FAA]  }
0x30: {  	s3 =	sld [smem:$0x3FAD]  }
0x31: {  	[smem:$0x3FB6] =	sst s10  }
0x32: {  	s10 =	sld [smem:$0x3FB4];
	_ =	sdelay $0x3  }
0x33: {  	p0 =	seq.s32 s10, $0x1;
	s10 =	sld [smem:$0x3FB6];
	_ =	sdelay $0x3  }
0x34: {  	[smem:$0x3FB6] =	sst s10  }
0x35: {  	s10 =	sld [smem:$0x3FB5];
	_ =	sdelay $0x3  }
0x36: {  	p1 =	seq.s32 s10, $0x1;
	s10 =	sld [smem:$0x3FB6];
	_ =	sdelay $0x3  }
0x37: {  	[smem:$0x3FB6] =	sst s10  }
0x38: {  	s10 =	sld [smem:$0x3FB7]  }
0x39: {  	_ = 	snop;
	(pc) =	sbr.ind lr, $3  }
0x3a: {  	_ = 	snop  }
0x3b: {  	_ = 	snop  }
0x3c: {  	p2 =	seq.s32 s10, $0x1;
	s10 =	sld [smem:$0x3FB6]  }
0x3d: {  	_ =	shalt  }
0x3e: {  	_ =	shalt  }
0x3f: {  	_ =	shalt  }
0x40: {  	_ =	shalt  }
0x41: {  	_ =	shalt  }
0x42: {  	_ =	shalt  }
0x43: {  	_ =	shalt  }
0x44: {  	_ =	shalt  }
0x45: {  	_ =	shalt  }
0x46: {  	_ =	shalt  }
0x47: {  	_ =	shalt  }
0x48: {  	_ =	shalt  }
0x49: {  	_ =	shalt  }
0x4a: {  	_ =	shalt  }
0x4b: {  	_ =	shalt  }
0x4c: {  	_ =	shalt  }
0x4d: {  	_ =	shalt  }
0x4e: {  	_ =	shalt  }
0x4f: {  	_ =	shalt  }
0x50: {  	_ =	shalt  }
0x51: {  	_ =	shalt  }
0x52: {  	_ =	shalt  }
0x53: {  	_ =	shalt  }
0x54: {  	_ =	shalt  }
0x55: {  	_ =	shalt  }
0x56: {  	_ =	shalt  }
0x57: {  	_ =	shalt  }
0x58: {  	_ =	shalt  }
0x59: {  	_ =	shalt  }
0x5a: {  	_ =	shalt  }
0x5b: {  	_ =	shalt  }
0x5c: {  	_ =	shalt  }
0x5d: {  	_ =	shalt  }
0x5e: {  	_ =	shalt  }
0x5f: {  	_ =	shalt  }
0x60: {  	_ =	shalt  }
0x61: {  	_ =	shalt  }
0x62: {  	_ =	shalt  }
0x63: {  	_ =	shalt  }
0x64: {  	_ =	shalt  }
0x65: {  	_ =	shalt  }
0x66: {  	_ =	shalt  }
0x67: {  	_ =	shalt  }
0x68: {  	_ =	shalt  }
0x69: {  	_ =	shalt  }
0x6a: {  	_ =	shalt  }
0x6b: {  	_ =	shalt  }
0x6c: {  	_ =	shalt  }
0x6d: {  	_ =	shalt  }
0x6e: {  	_ =	shalt  }
0x6f: {  	_ =	shalt  }
0x70: {  	_ =	shalt  }
0x71: {  	_ =	shalt  }
0x72: {  	_ =	shalt  }
0x73: {  	_ =	shalt  }
0x74: {  	_ =	shalt  }
0x75: {  	_ =	shalt  }
0x76: {  	_ =	shalt  }
0x77: {  	_ =	shalt  }
0x78: {  	_ =	shalt  }
0x79: {  	_ =	shalt  }
0x7a: {  	_ =	shalt  }
0x7b: {  	_ =	shalt  }
0x7c: {  	_ =	shalt  }
0x7d: {  	_ =	shalt  }
0x7e: {  	_ =	shalt  }
0x7f: {  	_ =	shalt  }
0x80: {  	_ =	shalt  }
0x81: {  	_ =	shalt  }
0x82: {  	_ =	shalt  }
0x83: {  	_ =	shalt  }
0x84: {  	_ =	shalt  }
0x85: {  	_ =	shalt  }
0x86: {  	_ =	shalt  }
0x87: {  	_ =	shalt  }
.Lfunc_end0:
.L_simem_size_0:
called_computation.4_lowered:
.L_overlay_start_0:
0x88: {  	s2 =	sld [smem:$0x3FD9]  }
0x89: {  	s3 =	sld [smem:$0x3FFE];
	_ =	sdelay $0x1  }
0x8a: {  	s1 =	srdreg.scid  }
0x8b: {  	s0 =	sand.u32 $0x1, s1  }
0x8c: {  	s16 =	sshll.u32 s0, $0xA;
	s2 =	sadd.s32 s3, s2  }
0x8d: {  	s2 =	sadd.s32 s2, s16  }
0x8e: {  	[smem:$0x3FC2] =	sst s2  }
0x8f: {  	_ = 	snop  }
0x90: {  	(tm) =	ssettm $0x1  }
0x91: {  	s17 =	sld [smem:$0x3FFB];
	_ =	sdelay $0x3  }
0x92: {  	_ =	strace s17  }
0x93: {  	s2 =	sld [smem:$0x3FFC];
	_ =	sdelay $0x3  }
0x94: {  	_ =	strace s2  }
0x95: {  	s2 =	sld [smem:$0x3FFD];
	_ =	sdelay $0x3  }
0x96: {  	_ =	strace s2  }
0x97: {  	_ =	strace $0x8FFFFFFF  }
0x98: {  	s18 =	sld [smem:$0x3FDB];
	_ =	sdelay $0x1  }
0x99: {  	s19 =	simm.s32 $_scs_section_size  }
0x9a: {  	s4 =	simm.s32 $_size__tile_overlayer_lowered;
	s5 =	simm.s32 $_tile_overlayer_lowered  }
0x9b: {  	s22 =	simm.s32 $0x1BFF;
	s21 =	sshll.u32 s5, $0x1;
	s2 =	sadd.s32 s19, s18  }
0x9c: {  	s6 =	simm.s32 $0x0;
	s20 =	sshll.u32 s4, $0x1;
	s4 =	sadd.s32 s21, s2  }
0x9d: {  	[timem:s6], [sflag:s22] =	dma.local [hbm:s4], s20  }
0x9e: {  	_ =	swait.ge [sflag:s22], s20  }
0x9f: {  	s3 =	ssub.s32 $0x0, s20;
	[sflag:s22] =	ssyncset.done $0x0  }
0xa0: {  	[sflag:s22] =	ssyncadd.s32 s3;
	_ =	sdelay $0x1  }
0xa1: {  	s23 =	simm.s32 $0x1B8B  }
0xa2: {  	_ =	swait.ge [sflag:s23], $0x1  }
0xa3: {  	[sflag:s23] =	ssyncset.done $0x0  }
0xa4: {  	s25 =	simm.s32 $0x1B8E;
	s24 =	sld [smem:$0x3FFE];
	[sflag:s23] =	ssyncadd.s32 $0xFFFFFFFF  }
0xa5: {  	s26 =	simm.s32 $execute0_lowered;
	[smem:$0x3FD2] =	sst s25  }
0xa6: {  	s4 =	sshll.u32 s26, $0x1;
	_ =	strace $0x8000004F;
	[dreg:$0x1] =	wrdreg $0xFFFFFFFF  }
0xa7: {  	s28 =	simm.s32 $_size_execute0_lowered;
	s2 =	sadd.s32 s2, s4;
	[dreg:$0x0] =	wrdreg $0x0  }
0xa8: {  	s4 =	sshll.u32 s28, $0x1;
	[dreg:$0x2] =	wrdreg s2  }
0xa9: {  	[dreg:$0x3] =	wrdreg s4  }
0xaa: {  	[dreg:$0x4] =	wrdreg $0xC0  }
0xab: {  	_ =	task [dreg:s6], $0x5FFFF  }
0xac: {  	[dreg:$0x1] =	wrdreg $0xFFFFFFFF  }
0xad: {  	[dreg:$0x0] =	wrdreg $0x60  }
0xae: {  	[dreg:$0x2] =	wrdreg s24  }
0xaf: {  	[dreg:$0x3] =	wrdreg $0xA8000  }
0xb0: {  	[dreg:$0x4] =	wrdreg $0xA  }
0xb1: {  	_ =	task.clear_ibuf [dreg:s6], $0x5FFFF;
	_ =	strace $0x9000004F  }
0xb2: {  	s29 =	simm.s32 $0xA;
	_ =	strace $0x80000051  }
0xb3: {  	_ =	swait.ge [sflag:s29], $0x1  }
0xb4: {  	[sflag:s29] =	ssyncadd.s32 $0xFFFFFFFF  }
0xb5: {  	_ =	strace $0x90000051  }
0xb6: {  	_ =	sfence  }
0xb7: {  	s30 =	sld [smem:$0x0];
	_ =	sdelay $0x2  }
0xb8: {  	s31 =	sshll.u32 s1, $0xD;
	s1 =	sshrl.u32 s1, $0x2  }
0xb9: {  	s3 =	sand.u32 $0x4000, s31;
	s1 =	sadd.s32 s1, s30  }
0xba: {  	s0 =	sor.u32 s3, s0;
	s1 =	sshll.u32 s1, $0x11  }
0xbb: {  	s0 =	sor.u32 s1, s0  }
0xbc: {  	s0 =	sadd.s32 $0x8F2B, s0  }
0xbd: {  	[sflag:s0] =	ssyncadd.remote.s32 $0x1  }
0xbe: {  	_ =	sfence.sel $0xFFFF  }
0xbf: {  	[dreg:$0x0] =	wrdreg $0xFFFFFFFF;
	(pc) =	sbr.abs _section_cstart, $3  }
0xc0: {  	[dreg:$0x1] =	wrdreg $0xFFFFFFFF  }
0xc1: {  	_ =	task.clear_ibuf [dreg:s6], $0x2FFFF;
	_ =	strace $0x9FFFFFFF  }
0xc2: {  	(tm) =	ssettm $0x7FFFFFFF  }
0xc3: {  	_ =	shalt  }
tec
execute0_lowered:
.L_overlay_start_1:
0x0: {  	(tag) =	ssettag $0x1  }
0x1: {  	s6 =	rddreg [dreg:$0x0]  }
0x2: {  	s1 =	rddreg [dreg:$0x1];
	s2 =	srdreg.scid  }
0x3: {  	s0 =	rddreg [dreg:$0x2];
	s3 =	simm.s32 $0x0;
	s19 =	simm.s32 $0x1400  }
0x4: {  	s20 =	simm.s32 $0x80;
	s21 =	simm.s32 $0x2800;
	s22 =	simm.s32 $0x6800  }
0x5: {  	s28 =	simm.s32 $0x0;
	s7 =	sand.u32 $0x1, s2;
	s2 =	stileid.u32  }
0x6: {  	[smem:$0x7FF] =	sst s3;
	s4 =	sadd.s32 $0x91000, s6;
	s5 =	smul.u32 $0x140000, s7  }
0x7: {  	s9 =	sadd.s32 $0xE800, s6;
	s10 =	sadd.s32 $0x4800, s6;
	s8 =	smul.u32 $0x14000, s2  }
0x8: {  	_ =	strace $0x80000050;
	s11 =	smul.u32 $0x50000, s2;
	s23 =	ssub.s32 $0x2, s7  }
0x9: {  	s24 =	sshll.u32 s2, $0x1;
	s26 =	sshll.u32 s2, $0x6;
	s13 =	sshrl.u32 s23, $0x1  }
0xa: {  	s7 =	sor.u32 s7, s24;
	s24 =	simm.s32 $0x2;
	s8 =	sadd.s32 s8, s5  }
0xb: {  	s5 =	sadd.s32 $0x90800, s6;
	s25 =	sshrl.u32 s11, $0x2;
	s29 =	smul.u32 $0x2800, s7  }
0xc: {  	s13 =	ssub.s32 s23, s13;
	s30 =	smul.u32 $0x500, s7;
	s23 =	simm.s32 $0x1  }
0xd: {  	s8 =	sshrl.u32 s8, $0x3;
	s14 =	sadd.s32 s25, s1;
	s25 =	simm.s32 $0x2700  }
0xe: {  	s12 =	sadd.s32 s8, s6;
	s6 =	sor.u32 $0x1C03, s26;
	s15 =	sadd.s32 $0x4000, s14  }
0xf: {  	s16 =	sadd.s32 $0x8000, s14;
	s31 =	sshrl.u32 s29, $0x3;
	s17 =	sadd.s32 $0xC000, s14  }
0x10: {  	s18 =	sadd.s32 $0x10000, s14;
	s7 =	sadd.s32 s9, s30;
	s8 =	sadd.s32 s10, s30  }
0x11: {  	s26 =	simm.s32 $0x2780;
	s11 =	sadd.s32 $0x280, s31;
	s15 =	sshrl.u32 s15, $0x3  }
0x12: {  	s16 =	sshrl.u32 s16, $0x3;
	s17 =	sshrl.u32 s17, $0x3;
	s18 =	sshrl.u32 s18, $0x3  }
0x13: {  	s9 =	sadd.s32 s9, s11;
	s10 =	sadd.s32 s10, s11;
	s11 =	sadd.s32 $0x18800, s12  }
0x14: {  	s12 =	smax.u32 s13, $0x1;
	s13 =	sshrl.u32 s14, $0x3;
	s14 =	simm.s32 $0x3  }
.LBB2_1:
0x15: {  	[spmem:s13], [sflag:s6] =	dma.local [hbm:s5], $0x800  }
0x16: {  	_ =	swait.ge [sflag:s14], $0x800  }
0x17: {  	[sflag:s14] =	ssyncset.done $0x0  }
0x18: {  	[sflag:s14] =	ssyncadd.s32 $0xFFFFF800  }
0x19: {  	[spmem:s15], [sflag:s6] =	dma.local [hbm:s5], $0x800  }
0x1a: {  	_ =	swait.ge [sflag:s14], $0x800  }
0x1b: {  	[sflag:s14] =	ssyncset.done $0x0  }
0x1c: {  	[sflag:s14] =	ssyncadd.s32 $0xFFFFF800  }
0x1d: {  	[spmem:s16], [sflag:s6] =	dma.local [hbm:s5], $0x800  }
0x1e: {  	_ =	swait.ge [sflag:s14], $0x800  }
0x1f: {  	[sflag:s14] =	ssyncset.done $0x0  }
0x20: {  	[sflag:s14] =	ssyncadd.s32 $0xFFFFF800  }
0x21: {  	[spmem:s17], [sflag:s6] =	dma.local [hbm:s5], $0x800  }
0x22: {  	_ =	swait.ge [sflag:s14], $0x800  }
0x23: {  	[sflag:s14] =	ssyncset.done $0x0  }
0x24: {  	[sflag:s14] =	ssyncadd.s32 $0xFFFFF800  }
0x25: {  	[spmem:s18], [sflag:s6] =	dma.local [hbm:s5], $0x800  }
0x26: {  	_ =	swait.ge [sflag:s14], $0x800  }
0x27: {  	[sflag:s14] =	ssyncset.done $0x0  }
0x28: {  	[sflag:s14] =	ssyncadd.s32 $0xFFFFF800  }
0x29: {  	[bflag:$0x0] =	sbarrier.arrive $0xFFFF  }
0x2a: {  	[tilespmem:s3], [sflag:$0x3] =	stream.linear.gather [hbm4b:s7+s3], $0x1400, $0x38;
	[tilespmem:$0x1E800] =	vst v63  }
0x2b: {  	_ =	swait.ge [sflag:s14], $0x1400  }
0x2c: {  	[sflag:s14] =	ssyncset.done $0x0  }
0x2d: {  	[sflag:s14] =	ssyncadd.s32 $0xFFFFEC00  }
0x2e: {  	[tilespmem:s19], [sflag:$0x3] =	stream.linear.gather [hbm4b:s8+s3], $0x1400, $0x38;
	[tilespmem:$0x1E800] =	vst v63  }
0x2f: {  	_ =	swait.ge [sflag:s14], $0x1400  }
0x30: {  	[sflag:s14] =	ssyncset.done $0x0  }
0x31: {  	[sflag:s14] =	ssyncadd.s32 $0xFFFFEC00  }
0x32: {  	[tilespmem:s21], [sflag:$0x1] =	stream.indirect.gather [hbm4b:s4+s20], $0x80, s3, s20, $0xb8;
	[tilespmem:$0x1E800] =	vst v63  }
0x33: {  	_ = 	snop  }
0x34: {  	[tilespmem:s22], [sflag:$0x2] =	stream.indirect.gather [hbm4b:s4+s20], $0x80, s20, s20, $0xb8;
	[tilespmem:$0x1E800] =	vst v63  }
0x35: {  	_ =	swait.ge [sflag:s23], $0x4000  }
0x36: {  	[sflag:s23] =	ssyncset.done $0x0  }
0x37: {  	s29 =	simm.s32 $0x1400;
	[sflag:s23] =	ssyncadd.s32 $0xFFFFC000  }
0x38: {  	[spmem:s1] =	stream.indirect.scatter.add.f32 [tilespmem:s21], [sflag:$0x3], $0x80, s29, s20, $0xb8;
	[tilespmem:$0x1E800] =	vst v63  }
0x39: {  	_ =	swait.ge [sflag:s14], $0x4000  }
0x3a: {  	[sflag:s14] =	ssyncset.done $0x0  }
0x3b: {  	s29 =	simm.s32 $0x100;
	[sflag:s14] =	ssyncadd.s32 $0xFFFFC000  }
0x3c: {  	[tilespmem:s21], [sflag:$0x1] =	stream.indirect.gather [hbm4b:s4+s20], $0x80, s29, s20, $0xb8;
	[tilespmem:$0x1E800] =	vst v63  }
0x3d: {  	_ =	swait.ge [sflag:s24], $0x4000  }
0x3e: {  	[sflag:s24] =	ssyncset.done $0x0  }
0x3f: {  	s29 =	simm.s32 $0x1480;
	[sflag:s24] =	ssyncadd.s32 $0xFFFFC000  }
0x40: {  	[spmem:s1] =	stream.indirect.scatter.add.f32 [tilespmem:s22], [sflag:$0x3], $0x80, s29, s20, $0xb8;
	[tilespmem:$0x1E800] =	vst v63  }
0x41: {  	_ =	swait.ge [sflag:s14], $0x4000  }
0x42: {  	[sflag:s14] =	ssyncset.done $0x0  }
0x43: {  	s30 =	simm.s32 $0x180;
	s29 =	simm.s32 $0x400;
	[sflag:s14] =	ssyncadd.s32 $0xFFFFC000  }
.LBB2_2:
0x44: {  	[tilespmem:s22], [sflag:$0x2] =	stream.indirect.gather [hbm4b:s4+s20], $0x80, s30, s20, $0xb8;
	[tilespmem:$0x1E800] =	vst v63  }
0x45: {  	s30 =	smov.u32 s29  }
0x46: {  	p0 =	sne.s32 s29, $0x4800;
	s29 =	sadd.s32 $0x400, s29;
	_ =	swait.ge [sflag:s23], $0x4000  }
0x47: {  	s30 =	sshra.s32 s30, $0x2;
	[sflag:s23] =	ssyncset.done $0x0  }
0x48: {  	s31 =	sadd.s32 $0x1400, s30;
	[sflag:s23] =	ssyncadd.s32 $0xFFFFC000  }
0x49: {  	[spmem:s1] =	stream.indirect.scatter.add.f32 [tilespmem:s21], [sflag:$0x3], $0x80, s31, s20, $0xb8;
	[tilespmem:$0x1E800] =	vst v63  }
0x4a: {  	_ =	swait.ge [sflag:s14], $0x4000  }
0x4b: {  	[sflag:s14] =	ssyncset.done $0x0  }
0x4c: {  	s31 =	sadd.s32 $0x100, s30;
	[sflag:s14] =	ssyncadd.s32 $0xFFFFC000  }
0x4d: {  	[tilespmem:s21], [sflag:$0x1] =	stream.indirect.gather [hbm4b:s4+s20], $0x80, s31, s20, $0xb8;
	[tilespmem:$0x1E800] =	vst v63  }
0x4e: {  	_ =	swait.ge [sflag:s24], $0x4000  }
0x4f: {  	[sflag:s24] =	ssyncset.done $0x0  }
.Ltmp0:
0x50: {  	s31 =	sadd.s32 $0x1480, s30;
	[sflag:s24] =	ssyncadd.s32 $0xFFFFC000;
	(pc) =	sbr.rel @p0 .LBB2_2-.Ltmp0, $4  }
0x51: {  	[spmem:s1] =	stream.indirect.scatter.add.f32 [tilespmem:s22], [sflag:$0x3], $0x80, s31, s20, $0xb8;
	[tilespmem:$0x1E800] =	vst v63  }
0x52: {  	_ =	swait.ge [sflag:s14], $0x4000  }
0x53: {  	[sflag:s14] =	ssyncset.done $0x0  }
0x54: {  	s30 =	sadd.s32 $0x180, s30;
	[sflag:s14] =	ssyncadd.s32 $0xFFFFC000  }
0x55: {  	[tilespmem:s22], [sflag:$0x2] =	stream.indirect.gather [hbm4b:s4+s20], $0x80, s30, s20, $0xb8;
	[tilespmem:$0x1E800] =	vst v63  }
0x56: {  	_ =	swait.ge [sflag:s23], $0x4000  }
0x57: {  	[sflag:s23] =	ssyncset.done $0x0  }
0x58: {  	[sflag:s23] =	ssyncadd.s32 $0xFFFFC000  }
0x59: {  	[spmem:s1] =	stream.indirect.scatter.add.f32 [tilespmem:s21], [sflag:$0x3], $0x80, s25, s20, $0xb8;
	[tilespmem:$0x1E800] =	vst v63  }
0x5a: {  	_ =	swait.ge [sflag:s14], $0x4000  }
0x5b: {  	[sflag:s14] =	ssyncset.done $0x0  }
0x5c: {  	[sflag:s14] =	ssyncadd.s32 $0xFFFFC000  }
0x5d: {  	_ =	swait.ge [sflag:s24], $0x4000  }
0x5e: {  	[sflag:s24] =	ssyncset.done $0x0  }
0x5f: {  	[sflag:s24] =	ssyncadd.s32 $0xFFFFC000  }
0x60: {  	[spmem:s1] =	stream.indirect.scatter.add.f32 [tilespmem:s22], [sflag:$0x3], $0x80, s26, s20, $0xb8;
	[tilespmem:$0x1E800] =	vst v63  }
0x61: {  	_ =	swait.ge [sflag:s14], $0x4000  }
0x62: {  	[sflag:s14] =	ssyncset.done $0x0  }
0x63: {  	s29 =	simm.s32 $0x0;
	[sflag:s14] =	ssyncadd.s32 $0xFFFFC000  }
0x64: {  	[tilespmem:s29], [sflag:$0x3] =	stream.linear.gather [hbm4b:s9+s29], $0x1400, $0x38;
	[tilespmem:$0x1E800] =	vst v63  }
0x65: {  	_ =	swait.ge [sflag:s14], $0x1400  }
0x66: {  	[sflag:s14] =	ssyncset.done $0x0  }
0x67: {  	[sflag:s14] =	ssyncadd.s32 $0xFFFFEC00  }
0x68: {  	[tilespmem:s19], [sflag:$0x3] =	stream.linear.gather [hbm4b:s10+s29], $0x1400, $0x38;
	[tilespmem:$0x1E800] =	vst v63  }
0x69: {  	_ =	swait.ge [sflag:s14], $0x1400  }
0x6a: {  	[sflag:s14] =	ssyncset.done $0x0  }
0x6b: {  	[sflag:s14] =	ssyncadd.s32 $0xFFFFEC00  }
0x6c: {  	[tilespmem:s21], [sflag:$0x1] =	stream.indirect.gather [hbm4b:s4+s20], $0x80, s29, s20, $0xb8;
	[tilespmem:$0x1E800] =	vst v63  }
0x6d: {  	_ = 	snop  }
0x6e: {  	[tilespmem:s22], [sflag:$0x2] =	stream.indirect.gather [hbm4b:s4+s20], $0x80, s20, s20, $0xb8;
	[tilespmem:$0x1E800] =	vst v63  }
0x6f: {  	_ =	swait.ge [sflag:s23], $0x4000  }
0x70: {  	[sflag:s23] =	ssyncset.done $0x0  }
0x71: {  	s29 =	simm.s32 $0x1400;
	[sflag:s23] =	ssyncadd.s32 $0xFFFFC000  }
0x72: {  	[spmem:s1] =	stream.indirect.scatter.add.f32 [tilespmem:s21], [sflag:$0x3], $0x80, s29, s20, $0xb8;
	[tilespmem:$0x1E800] =	vst v63  }
0x73: {  	_ =	swait.ge [sflag:s14], $0x4000  }
0x74: {  	[sflag:s14] =	ssyncset.done $0x0  }
0x75: {  	s29 =	simm.s32 $0x100;
	[sflag:s14] =	ssyncadd.s32 $0xFFFFC000  }
0x76: {  	[tilespmem:s21], [sflag:$0x1] =	stream.indirect.gather [hbm4b:s4+s20], $0x80, s29, s20, $0xb8;
	[tilespmem:$0x1E800] =	vst v63  }
0x77: {  	_ =	swait.ge [sflag:s24], $0x4000  }
0x78: {  	[sflag:s24] =	ssyncset.done $0x0  }
0x79: {  	s29 =	simm.s32 $0x1480;
	[sflag:s24] =	ssyncadd.s32 $0xFFFFC000  }
0x7a: {  	[spmem:s1] =	stream.indirect.scatter.add.f32 [tilespmem:s22], [sflag:$0x3], $0x80, s29, s20, $0xb8;
	[tilespmem:$0x1E800] =	vst v63  }
0x7b: {  	_ =	swait.ge [sflag:s14], $0x4000  }
0x7c: {  	[sflag:s14] =	ssyncset.done $0x0  }
0x7d: {  	s30 =	simm.s32 $0x180;
	s29 =	simm.s32 $0x400;
	[sflag:s14] =	ssyncadd.s32 $0xFFFFC000  }
.LBB2_4:
0x7e: {  	[tilespmem:s22], [sflag:$0x2] =	stream.indirect.gather [hbm4b:s4+s20], $0x80, s30, s20, $0xb8;
	[tilespmem:$0x1E800] =	vst v63  }
0x7f: {  	s30 =	smov.u32 s29  }
0x80: {  	p0 =	sne.s32 s29, $0x4800;
	s29 =	sadd.s32 $0x400, s29;
	_ =	swait.ge [sflag:s23], $0x4000  }
0x81: {  	s30 =	sshra.s32 s30, $0x2;
	[sflag:s23] =	ssyncset.done $0x0  }
0x82: {  	s31 =	sadd.s32 $0x1400, s30;
	[sflag:s23] =	ssyncadd.s32 $0xFFFFC000  }
0x83: {  	[spmem:s1] =	stream.indirect.scatter.add.f32 [tilespmem:s21], [sflag:$0x3], $0x80, s31, s20, $0xb8;
	[tilespmem:$0x1E800] =	vst v63  }
0x84: {  	_ =	swait.ge [sflag:s14], $0x4000  }
0x85: {  	[sflag:s14] =	ssyncset.done $0x0  }
0x86: {  	s31 =	sadd.s32 $0x100, s30;
	[sflag:s14] =	ssyncadd.s32 $0xFFFFC000  }
0x87: {  	[tilespmem:s21], [sflag:$0x1] =	stream.indirect.gather [hbm4b:s4+s20], $0x80, s31, s20, $0xb8;
	[tilespmem:$0x1E800] =	vst v63  }
0x88: {  	_ =	swait.ge [sflag:s24], $0x4000  }
0x89: {  	[sflag:s24] =	ssyncset.done $0x0  }
.Ltmp1:
0x8a: {  	s31 =	sadd.s32 $0x1480, s30;
	[sflag:s24] =	ssyncadd.s32 $0xFFFFC000;
	(pc) =	sbr.rel @p0 .LBB2_4-.Ltmp1, $4  }
0x8b: {  	[spmem:s1] =	stream.indirect.scatter.add.f32 [tilespmem:s22], [sflag:$0x3], $0x80, s31, s20, $0xb8;
	[tilespmem:$0x1E800] =	vst v63  }
0x8c: {  	_ =	swait.ge [sflag:s14], $0x4000  }
0x8d: {  	[sflag:s14] =	ssyncset.done $0x0  }
0x8e: {  	s30 =	sadd.s32 $0x180, s30;
	[sflag:s14] =	ssyncadd.s32 $0xFFFFC000  }
0x8f: {  	[tilespmem:s22], [sflag:$0x2] =	stream.indirect.gather [hbm4b:s4+s20], $0x80, s30, s20, $0xb8;
	[tilespmem:$0x1E800] =	vst v63  }
0x90: {  	_ =	swait.ge [sflag:s23], $0x4000  }
0x91: {  	[sflag:s23] =	ssyncset.done $0x0  }
0x92: {  	[sflag:s23] =	ssyncadd.s32 $0xFFFFC000  }
0x93: {  	[spmem:s1] =	stream.indirect.scatter.add.f32 [tilespmem:s21], [sflag:$0x3], $0x80, s25, s20, $0xb8;
	[tilespmem:$0x1E800] =	vst v63  }
0x94: {  	_ =	swait.ge [sflag:s14], $0x4000  }
0x95: {  	[sflag:s14] =	ssyncset.done $0x0  }
0x96: {  	[sflag:s14] =	ssyncadd.s32 $0xFFFFC000  }
0x97: {  	_ =	swait.ge [sflag:s24], $0x4000  }
0x98: {  	[sflag:s24] =	ssyncset.done $0x0  }
0x99: {  	[sflag:s24] =	ssyncadd.s32 $0xFFFFC000  }
0x9a: {  	[spmem:s1] =	stream.indirect.scatter.add.f32 [tilespmem:s22], [sflag:$0x3], $0x80, s26, s20, $0xb8;
	[tilespmem:$0x1E800] =	vst v63  }
0x9b: {  	_ =	swait.ge [sflag:s14], $0x4000  }
0x9c: {  	s28 =	sadd.s32 $0x1, s28;
	[sflag:s14] =	ssyncset.done $0x0  }
0x9d: {  	p0 =	sne.s32 s28, s12;
	[sflag:s14] =	ssyncadd.s32 $0xFFFFC000  }
.Ltmp2:
0x9e: {  	[bflag:$0x0] =	sbarrier.arrive $0xFFFF;
	(pc) =	sbr.rel @p0 .LBB2_1-.Ltmp2, $4  }
0x9f: {  	[hbm:s11], [sflag:s6] =	dma.local [spmem:s13], $0x2800  }
0xa0: {  	_ =	swait.ge [sflag:s14], $0x2800  }
0xa1: {  	[sflag:s14] =	ssyncset.done $0x0  }
0xa2: {  	[sflag:s14] =	ssyncadd.s32 $0xFFFFD800  }
0xa3: {  	_ =	sfence.sel $0x180000  }
0xa4: {  	[bflag:$0x0] =	sbarrier.arrive $0xFFFF  }
0xa5: {  	p0 =	sne.s32 s2, $0x0;
	_ =	strace $0x90000050  }
0xa6: {  	s0 =	sadd.s32 @!p0 $0x100000, s0;
	[bflag:$0x2] =	sbarrier.arrive $0xFFFF  }
0xa7: {  	[sflag:s0] =	ssyncadd.tile.s32 @!p0 $0x1;
	_ =	shalt  }
.Lfunc_end2:
_tile_overlayer_lowered:
.L_overlay_start_2:
0xa8: {  	(tag) =	ssettag $0x2  }
0xa9: {  	s0 =	rddreg [dreg:$0x0];
	s2 =	stileid.u32  }
0xaa: {  	s1 =	rddreg [dreg:$0x1];
	p0 =	sne.s32 s2, $0x0  }
0xab: {  	s3 =	rddreg [dreg:$0x2];
	[bflag:$0x3] =	sbarrier.arrive $0xFFFF;
	s2 =	simm.s32 @!p0 $0x1C03  }
0xac: {  	[timem:s3], [sflag:s2] =	dma.local @!p0 [hbm:s0], s1  }
0xad: {  	s0 =	simm.s32 @!p0 $0x3  }
0xae: {  	_ =	swait.ge @!p0 [sflag:s0], s1  }
0xaf: {  	s1 =	ssub.s32 @!p0 $0x0, s1;
	[sflag:s0] =	ssyncset.done @!p0 $0x0  }
0xb0: {  	[sflag:s0] =	ssyncadd.s32 @!p0 s1  }
0xb1: {  	[bflag:$0x3] =	sbarrier.arrive $0xFFFF  }
0xb2: {  	_ =	shalt  }

// kernel: sparse-core-data-format-call.cloned.1.call-start
scs
called_computation_lowered:
.L_overlay_start_0:
0x0: {  	s2 =	sld [smem:$0x3FD9]  }
0x1: {  	s3 =	sld [smem:$0x3FFE];
	_ =	sdelay $0x1  }
0x2: {  	s1 =	srdreg.scid  }
0x3: {  	s0 =	sand.u32 $0x1, s1  }
0x4: {  	s18 =	sshll.u32 s0, $0xA;
	s2 =	sadd.s32 s3, s2  }
0x5: {  	s2 =	sadd.s32 s2, s18  }
0x6: {  	[smem:$0x3FC2] =	sst s2  }
0x7: {  	_ = 	snop  }
0x8: {  	s19 =	sld [smem:$0x3FC5];
	(tm) =	ssettm $0x1  }
0x9: {  	s20 =	sld [smem:$0x3FFB];
	_ =	sdelay $0x3  }
0xa: {  	_ =	strace s20  }
0xb: {  	s2 =	sld [smem:$0x3FFC];
	_ =	sdelay $0x3  }
0xc: {  	_ =	strace s2  }
0xd: {  	s2 =	sld [smem:$0x3FFD];
	_ =	sdelay $0x3  }
0xe: {  	_ =	strace s2  }
0xf: {  	_ =	strace $0x8FFFFFFF  }
0x10: {  	s21 =	sld [smem:$0x3FDB];
	_ =	sdelay $0x1  }
0x11: {  	s4 =	simm.s32 $_scs_section_size  }
0x12: {  	s5 =	simm.s32 $_size__tile_overlayer_lowered;
	s6 =	simm.s32 $_tile_overlayer_lowered  }
0x13: {  	s7 =	simm.s32 $0x1BFF;
	s22 =	sshll.u32 s6, $0x1;
	s4 =	sadd.s32 s4, s21  }
0x14: {  	s23 =	simm.s32 $0x0;
	s5 =	sshll.u32 s5, $0x1;
	s6 =	sadd.s32 s22, s4  }
0x15: {  	[timem:s23], [sflag:s7] =	dma.local [hbm:s6], s5  }
0x16: {  	_ =	swait.ge [sflag:s7], s5  }
0x17: {  	s5 =	ssub.s32 $0x0, s5;
	[sflag:s7] =	ssyncset.done $0x0  }
0x18: {  	[sflag:s7] =	ssyncadd.s32 s5;
	_ =	sdelay $0x1  }
0x19: {  	s24 =	simm.s32 $0x1B8B  }
0x1a: {  	_ =	swait.ge [sflag:s24], $0x1  }
0x1b: {  	[sflag:s24] =	ssyncset.done $0x0  }
0x1c: {  	[sflag:s24] =	ssyncadd.s32 $0xFFFFFFFF  }
0x1d: {  	s5 =	sld [smem:$0x0]  }
0x1e: {  	s6 =	sand.u32 $0xFFFFFFFE, s1  }
0x1f: {  	p0 =	sne.s32 s1, s6  }
0x20: {  	s6 =	sshll.u32 @p0 s6, $0xE  }
0x21: {  	s6 =	sadd.s32 @p0 $0x11B8D, s6;
	s7 =	sshll.u32 @p0 s5, $0x11  }
0x22: {  	s6 =	sor.u32 @p0 s7, s6  }
0x23: {  	[sflag:s6] =	ssyncadd.remote.s32 @p0 $0x1;
	_ =	sdelay $0x1  }
0x24: {  	s6 =	simm.s32 @p0 $0x1B8D  }
0x25: {  	_ =	swait.eq @p0 [sflag:s6], $0x1  }
0x26: {  	[sflag:s6] =	ssyncadd.s32 @p0 $0xFFFFFFFF  }
0x27: {  	s7 =	sshll.u32 @!p0 s1, $0xE  }
0x28: {  	s7 =	sor.u32 @!p0 $0x4000, s7;
	s6 =	simm.s32 @!p0 $0x1B8D  }
0x29: {  	s5 =	sshll.u32 @!p0 s5, $0x11;
	s7 =	sadd.s32 @!p0 $0x11B8D, s7;
	_ =	swait.eq @!p0 [sflag:s6], $0x1  }
0x2a: {  	s5 =	sor.u32 @!p0 s5, s7;
	[sflag:s6] =	ssyncadd.s32 @!p0 $0xFFFFFFFF  }
0x2b: {  	s26 =	simm.s32 $0x1B8E;
	s25 =	sld [smem:$0x3FFE];
	[sflag:s5] =	ssyncadd.remote.s32 @!p0 $0x1  }
0x2c: {  	s27 =	simm.s32 $execute0_lowered;
	[smem:$0x3FD2] =	sst s26  }
0x2d: {  	s6 =	sshll.u32 s27, $0x1;
	_ =	strace $0x80000052;
	[dreg:$0x1] =	wrdreg $0xFFFFFFFF  }
0x2e: {  	s28 =	simm.s32 $_size_execute0_lowered;
	s4 =	sadd.s32 s4, s6;
	[dreg:$0x0] =	wrdreg $0x0  }
0x2f: {  	s6 =	sshll.u32 s28, $0x1;
	[dreg:$0x2] =	wrdreg s4  }
0x30: {  	[dreg:$0x3] =	wrdreg s6  }
0x31: {  	[dreg:$0x4] =	wrdreg $0xC0  }
0x32: {  	_ =	task [dreg:s23], $0x5FFFF  }
0x33: {  	[dreg:$0x1] =	wrdreg $0xFFFFFFFF  }
0x34: {  	[dreg:$0x0] =	wrdreg $0x60  }
0x35: {  	[dreg:$0x2] =	wrdreg s19  }
0x36: {  	[dreg:$0x3] =	wrdreg s25  }
0x37: {  	[dreg:$0x4] =	wrdreg $0x9  }
0x38: {  	_ =	task.clear_ibuf [dreg:s23], $0x5FFFF;
	_ =	strace $0x90000052  }
0x39: {  	s29 =	simm.s32 $0x9;
	_ =	strace $0x80000054  }
0x3a: {  	_ =	swait.ge [sflag:s29], $0x1  }
0x3b: {  	[sflag:s29] =	ssyncadd.s32 $0xFFFFFFFF  }
0x3c: {  	_ =	strace $0x90000054  }
0x3d: {  	_ =	sfence  }
0x3e: {  	s30 =	sld [smem:$0x0];
	_ =	sdelay $0x2  }
0x3f: {  	s31 =	sshll.u32 s1, $0xD;
	s1 =	sshrl.u32 s1, $0x2  }
0x40: {  	s4 =	sand.u32 $0x4000, s31;
	s1 =	sadd.s32 s1, s30  }
0x41: {  	s0 =	sor.u32 s4, s0;
	s1 =	sshll.u32 s1, $0x11  }
0x42: {  	s0 =	sor.u32 s1, s0  }
0x43: {  	s0 =	sadd.s32 $0x8F2B, s0  }
0x44: {  	[sflag:s0] =	ssyncadd.remote.s32 $0x1  }
0x45: {  	_ =	sfence.sel $0xFFFF  }
0x46: {  	[dreg:$0x0] =	wrdreg $0xFFFFFFFF;
	(pc) =	sbr.abs _section_cstart, $3  }
0x47: {  	[dreg:$0x1] =	wrdreg $0xFFFFFFFF  }
0x48: {  	_ =	task.clear_ibuf [dreg:s23], $0x2FFFF;
	_ =	strace $0x9FFFFFFF  }
0x49: {  	(tm) =	ssettm $0x7FFFFFFF  }
tec
execute0_lowered:
.L_overlay_start_1:
0x0: {  	(tag) =	ssettag $0x1  }
0x1: {  	s0 =	stileid.u32;
	s1 =	srdreg.scid  }
0x2: {  	s7 =	rddreg [dreg:$0x1];
	s31 =	simm.s32 $0x2;
	s15 =	simm.s32 $0x0  }
0x3: {  	s10 =	simm.s32 $0x138800;
	s2 =	sshll.u32 s0, $0x3;
	s1 =	sshll.u32 s1, $0x7  }
0x4: {  	s11 =	simm.s32 $0x0;
	s16 =	simm.s32 $0x0;
	s1 =	sor.u32 s2, s1  }
0x5: {  	s14 =	simm.s32 $0x0;
	s3 =	sand.u32 $0x1, s0;
	s1 =	sand.u32 $0xF0, s1  }
0x6: {  	s7 =	sadd.s32 $0x109800, s7;
	s5 =	ssub.s32 $0x2, s3;
	s4 =	ssub.s32 $0x2710, s1  }
0x7: {  	s2 =	rddreg [dreg:$0x0];
	s8 =	sshrl.u32 s5, $0x1;
	s6 =	sand.u32 $0xF0, s4  }
0x8: {  	s5 =	sand.u32 $0x1, s5;
	p0 =	sne.s32 s6, $0x0;
	s6 =	simm.s32 $0x1  }
.Ltmp0:
0x9: {  	s9 =	sshrl.u32 s4, $0x8;
	s6 =	simm.s32 @!p0 $0x0;
	(pc) =	sbr.rel .LBB1_1-.Ltmp0, $4  }
0xa: {  	s8 =	sadd.s32 s5, s8;
	s5 =	simm.s32 $0x1;
	s6 =	sadd.s32 s6, s9  }
0xb: {  	s4 =	rddreg [dreg:$0x2];
	_ =	strace $0x80000053;
	s6 =	smul.u32 s8, s6  }
0xc: {  	s13 =	smov.u32 s3;
	s12 =	smov.u32 s1;
	[sflag:s5] =	ssyncpa.u1 $0x0  }
0xd: {  	[sflag:s31] =	ssyncpa.u1 $0x0;
	s9 =	simm.s32 $0x800;
	s8 =	sadd.s32 $0x1, s6  }
.LBB1_7:
0xe: {  	s17 =	sadd.s32 $0x100, s12  }
0xf: {  	s15 =	sadd.s32 $0x2, s13;
	s19 =	smov.u32 s13;
	p1 =	sgt.s32 s17, $0x270F  }
0x10: {  	s19 =	smov.u32 @p1 s15  }
0x11: {  	s17 =	smov.u32 @p1 s1;
	p1 =	sgt.s32 s19, $0x1  }
0x12: {  	s19 =	smov.u32 @p1 s3;
	p1 =	sne.s32 s14, s8  }
.Ltmp1:
0x13: {  	p0 =	slt.u32 s14, $0x2;
	(pc) =	sbr.rel @!p1 .LBB1_8-.Ltmp1, $4  }
0x14: {  	s18 =	simm.s32 @!p0 $0x2  }
0x15: {  	s16 =	smov.u32 s13;
	s11 =	sadd.s32 $0x4000, s11;
	_ =	swait.ge @!p0 [sflag:s18], $0x4000  }
0x16: {  	s15 =	smov.u32 s12;
	[sflag:s18] =	ssyncset.done @!p0 $0x0;
	s12 =	smov.u32 s17  }
0x17: {  	s14 =	sadd.s32 $0x1, s14;
	[sflag:s18] =	ssyncadd.s32 @!p0 $0xFFFFC000;
	s13 =	smov.u32 s19  }
.LBB1_1:
0x18: {  	p0 =	sge.u32 s14, s6  }
0x19: {  	s17 =	smul.u32 @!p0 $0x138800, s13  }
0x1a: {  	s31 =	sadd.s32 $0xFFFFFFFF, s14;
	s18 =	sxor.u32 @!p0 $0xFFFFFFFF, s14  }
0x1b: {  	s19 =	sshll.u32 @!p0 s12, $0x7;
	s18 =	sshll.u32 @!p0 s18, $0xE;
	s17 =	sadd.s32 @!p0 s2, s17  }
0x1c: {  	s18 =	sand.u32 @!p0 $0x4000, s18;
	s17 =	sadd.s32 @!p0 s19, s17;
	s19 =	simm.s32 @!p0 $0x0  }
0x1d: {  	[tilespmem:s18], [sflag:$0x1] =	stream.linear.gather @!p0 [hbm4b:s17+s19], $0x4000, $0x38;
	[tilespmem:$0x10000] =	vst v63  }
0x1e: {  	p0 =	sge.u32 s31, s6  }
.Ltmp2:
0x1f: {  	_ = 	snop;
	(pc) =	sbr.rel @p0 .LBB1_7-.Ltmp2, $1  }
0x20: {  	_ =	sdelay $0x3  }
0x21: {  	s17 =	sand.u32 $0x4000, s11  }
0x22: {  	_ =	swait.ge [sflag:s5], $0x4000;
	s20 =	sshll.u32 s14, $0xE;
	s18 =	sor.u32 $0x8040, s17  }
0x23: {  	s19 =	sor.u32 $0x40, s17;
	[sflag:s5] =	ssyncset.done $0x0;
	s31 =	sand.u32 $0x4000, s20  }
0x24: {  	s20 =	simm.s32 $0x0;
	[sflag:s5] =	ssyncadd.s32 $0xFFFFC000;
	s17 =	sor.u32 $0x8000, s31  }
.LBB1_3:
0x25: {  	v0 =	vmov s19;
	_ =	sdelay $0x3  }
0x26: {  	s22 =	simm.s32 $0x0  }
0x27: {  	v6 =	vld.idx.msk [tilespmem:v0+s22+$0x30 ss:$0x1], $0xffff  }
0x28: {  	v7 =	vld.idx.msk [tilespmem:v0+s22+$0xFFFFFFC0 ss:$0x1], $0xffff  }
0x29: {  	v5 =	vld.idx.msk [tilespmem:v0+s22+$0xFFFFFFD0 ss:$0x1], $0xffff  }
0x2a: {  	v4 =	vld.idx.msk [tilespmem:v0+s22+$0xFFFFFFE0 ss:$0x1], $0xffff  }
0x2b: {  	v3 =	vld.idx.msk [tilespmem:v0+s22+$0xFFFFFFF0 ss:$0x1], $0xffff  }
0x2c: {  	v1 =	vld.idx.msk [tilespmem:v0+s22+$0x0 ss:$0x1], $0xffff  }
0x2d: {  	v2 =	vld.idx.msk [tilespmem:v0+s22+$0x10 ss:$0x1], $0xffff;
	[tilespmem:s18+$0x30] =	vst v6  }
0x2e: {  	s21 =	simm.s32 $0x80;
	s23 =	simm.s32 $0x400;
	[tilespmem:s18+$0xFFFFFFC0] =	vst v7;
	v6 =	vld.idx.msk [tilespmem:v0+s22+$0x20 ss:$0x1], $0xffff;
	s22 =	smov.u32 s18  }
.LBB1_4:
0x2f: {  	p0 =	sne.s32 s23, $0xE00;
	v7 =	vld.idx.msk [tilespmem:v0+s21+$0x30 ss:$0x1], $0xffff;
	[tilespmem:s22+$0xFFFFFFD0] =	vst v5  }
0x30: {  	v8 =	vld.idx.msk [tilespmem:v0+s21+$0xFFFFFFC0 ss:$0x1], $0xffff;
	[tilespmem:s22+$0xFFFFFFE0] =	vst v4  }
0x31: {  	v5 =	vld.idx.msk [tilespmem:v0+s21+$0xFFFFFFD0 ss:$0x1], $0xffff;
	[tilespmem:s22+$0xFFFFFFF0] =	vst v3  }
.Ltmp3:
0x32: {  	v4 =	vld.idx.msk [tilespmem:v0+s21+$0xFFFFFFE0 ss:$0x1], $0xffff;
	[tilespmem:s22+$0x0] =	vst v1;
	(pc) =	sbr.rel @p0 .LBB1_4-.Ltmp3, $4  }
0x33: {  	v3 =	vld.idx.msk [tilespmem:v0+s21+$0xFFFFFFF0 ss:$0x1], $0xffff;
	[tilespmem:s22+$0x10] =	vst v2  }
0x34: {  	v1 =	vld.idx.msk [tilespmem:v0+s21+$0x0 ss:$0x1], $0xffff;
	[tilespmem:s22+$0x20] =	vst v6;
	s22 =	sadd.s32 $0x800, s22  }
0x35: {  	v2 =	vld.idx.msk [tilespmem:v0+s21+$0x10 ss:$0x1], $0xffff;
	[tilespmem:s22+$0x30] =	vst v7  }
0x36: {  	[tilespmem:s22+$0xFFFFFFC0] =	vst v8;
	v6 =	vld.idx.msk [tilespmem:v0+s21+$0x20 ss:$0x1], $0xffff;
	s21 =	sshra.s32 s23, $0x2;
	s23 =	sadd.s32 $0x200, s23  }
0x37: {  	_ =	sdelay $0x2  }
0x38: {  	[tilespmem:s22+$0xFFFFFFD0] =	vst v5  }
0x39: {  	v56 =	vld.idx.msk [tilespmem:v0+s21+$0x30 ss:$0x1], $0xffff;
	[tilespmem:s22+$0xFFFFFFE0] =	vst v4  }
0x3a: {  	v57 =	vld.idx.msk [tilespmem:v0+s21+$0xFFFFFFC0 ss:$0x1], $0xffff;
	[tilespmem:s22+$0xFFFFFFF0] =	vst v3  }
0x3b: {  	v58 =	vld.idx.msk [tilespmem:v0+s21+$0xFFFFFFD0 ss:$0x1], $0xffff;
	[tilespmem:s22+$0x0] =	vst v1  }
0x3c: {  	v59 =	vld.idx.msk [tilespmem:v0+s21+$0xFFFFFFE0 ss:$0x1], $0xffff;
	[tilespmem:s22+$0x10] =	vst v2  }
0x3d: {  	v60 =	vld.idx.msk [tilespmem:v0+s21+$0xFFFFFFF0 ss:$0x1], $0xffff;
	s31 =	sadd.s32 $0x800, s22;
	[tilespmem:s22+$0x20] =	vst v6  }
0x3e: {  	v61 =	vld.idx.msk [tilespmem:v0+s21+$0x0 ss:$0x1], $0xffff;
	[tilespmem:s31+$0x30] =	vst v56  }
0x3f: {  	v62 =	vld.idx.msk [tilespmem:v0+s21+$0x10 ss:$0x1], $0xffff;
	s20 =	sadd.s32 $0x1, s20;
	[tilespmem:s31+$0xFFFFFFC0] =	vst v57  }
0x40: {  	v63 =	vld.idx.msk [tilespmem:v0+s21+$0x20 ss:$0x1], $0xffff;
	p0 =	sne.s32 s20, $0x10;
	[tilespmem:s31+$0xFFFFFFD0] =	vst v58  }
.Ltmp4:
0x41: {  	[tilespmem:s31+$0xFFFFFFE0] =	vst v59;
	(pc) =	sbr.rel @p0 .LBB1_3-.Ltmp4, $4  }
0x42: {  	[tilespmem:s31+$0xFFFFFFF0] =	vst v60  }
0x43: {  	[tilespmem:s31+$0x0] =	vst v61  }
0x44: {  	[tilespmem:s31+$0x10] =	vst v62  }
0x45: {  	s18 =	sadd.s32 $0x80, s18;
	s19 =	sadd.s32 $0x400, s19;
	[tilespmem:s31+$0x20] =	vst v63  }
0x46: {  	s15 =	sand.u32 $0x1FFFFFF, s15  }
0x47: {  	s18 =	smulhi.u32 $0x1A36E2F, s15;
	_ =	sdelay $0x1  }
0x48: {  	s16 =	smul.u32 $0x138800, s16;
	s18 =	sshrl.u32 s18, $0x6  }
0x49: {  	s18 =	smul.u32 $0x2710, s18  }
.Ltmp5:
0x4a: {  	_ = 	snop;
	(pc) =	sbr.rel .LBB1_7-.Ltmp5, $4  }
0x4b: {  	s15 =	ssub.s32 s15, s18  }
0x4c: {  	s16 =	sadd.s32 s7, s16;
	s15 =	sshll.u32 s15, $0x4  }
0x4d: {  	s15 =	sadd.s32 s15, s16  }
0x4e: {  	[hbm4b:s15+s9] =	stream.strided.scatter [tilespmem:s17], [sflag:$0x2], $0x4000, s10, s9, $0x38;
	[tilespmem:$0x10000] =	vst v63  }
.LBB1_8:
0x4f: {  	_ =	sfence.sel $0x180000  }
0x50: {  	s1 =	simm.s32 $0x1;
	[bflag:$0x0] =	sbarrier.arrive $0xFFFF  }
0x51: {  	s31 =	simm.s32 $0x2;
	[sflag:s1] =	ssyncpa.u1 $0x1  }
0x52: {  	[sflag:s31] =	ssyncpa.u1 $0x1  }
0x53: {  	p0 =	sne.s32 s0, $0x0;
	_ =	strace $0x90000053  }
0x54: {  	s0 =	sadd.s32 @!p0 $0x100000, s4;
	[bflag:$0x2] =	sbarrier.arrive $0xFFFF  }
0x55: {  	[sflag:s0] =	ssyncadd.tile.s32 @!p0 $0x1;
	_ =	shalt  }
.Lfunc_end1:
_tile_overlayer_lowered:
.L_overlay_start_2:
0x56: {  	(tag) =	ssettag $0x2  }
0x57: {  	s0 =	rddreg [dreg:$0x0];
	s2 =	stileid.u32  }
0x58: {  	s1 =	rddreg [dreg:$0x1];
	p0 =	sne.s32 s2, $0x0  }
0x59: {  	s3 =	rddreg [dreg:$0x2];
	[bflag:$0x3] =	sbarrier.arrive $0xFFFF;
	s2 =	simm.s32 @!p0 $0x1C01  }
0x5a: {  	[timem:s3], [sflag:s2] =	dma.local @!p0 [hbm:s0], s1  }
0x5b: {  	s0 =	simm.s32 @!p0 $0x1  }
0x5c: {  	_ =	swait.ge @!p0 [sflag:s0], s1  }
0x5d: {  	s1 =	ssub.s32 @!p0 $0x0, s1;
	[sflag:s0] =	ssyncset.done @!p0 $0x0  }
0x5e: {  	[sflag:s0] =	ssyncadd.s32 @!p0 s1  }
0x5f: {  	[bflag:$0x3] =	sbarrier.arrive $0xFFFF  }
0x60: {  	_ =	shalt  }

</sc_bundles>
